<compile_context>
chip_gen: v7x
topology: tpu7x:2x2x1
jax: 0.10.2.dev20260603
libtpu: 0.0.44.dev20260713+nightly
codegen_flags: <defaults>
</compile_context>

<pallas_src>
import functools

import jax
import jax.numpy as jnp
from jax import lax
from jax.experimental import pallas as pl
from jax.experimental.pallas import tpu as pltpu
from jax.experimental.pallas import tpu_sc as plsc

VAR_LEN = 100000
EMBED = 64
B = 4096
L = 200

_info = plsc.get_sparse_core_info()
NC, NS, NL = _info.num_cores, _info.num_subcores, _info.num_lanes
NW = NC * NS
EPW = EMBED // NW
BT = B // 128
ET = EMBED // 8
LT = L // 8
NBUF = 2
STLT = 5
NSTAGE = LT // STLT
SL = STLT * 8


def _sc_body(t_hbm, idx_hbm, tab_hbm, out_hbm, trow, sh_idx, idxb, sbuf,
             sem_i, sem_s, sem_o, sem_t):
    cid = lax.axis_index("c")
    sid = lax.axis_index("s")
    wid = sid * NC + cid

    for p in range(EPW):
        e = wid * EPW + p
        e_t = lax.div(e, 8)
        e_8 = lax.rem(e, 8)

        def idx_load(lr, k):
            return pltpu.make_async_copy(
                sh_idx.at[lax.div(lr, 8), :, lax.rem(lr, 8), :],
                idxb[k], sem_i[k],
            )

        def src_load(l, k):
            return pltpu.make_async_copy(
                t_hbm.at[l * ET + e_t, :, e_8, :], sbuf[k], sem_s[k]
            )

        def out_store(l, k):
            return pltpu.make_async_copy(
                sbuf[k], out_hbm.at[l * ET + e_t, :, e_8, :], sem_o[k]
            )

        trow_copy = pltpu.make_async_copy(tab_hbm.at[e], trow, sem_t)
        trow_copy.start()

        def stage(s, carry):
            base = s * SL
            plsc.subcore_barrier()

            @pl.when(sid == 0)
            def _():
                pltpu.sync_copy(idx_hbm.at[pl.ds(s * STLT, STLT)], sh_idx)

            plsc.subcore_barrier()

            idx_load(0, 0).start()
            src_load(base, 0).start()

            @pl.when(s == 0)
            def _():
                trow_copy.wait()

            def outer(h, carry2):
                for k in range(NBUF):
                    lr = NBUF * h + k
                    l = base + lr
                    kn = k ^ 1
                    idx_load(lr, k).wait()
                    src_load(l, k).wait()

                    @pl.when(lr > 0)
                    def _():
                        out_store(l - 1, kn).wait()

                    @pl.when(lr + 1 < SL)
                    def _():
                        idx_load(lr + 1, kn).start()
                        src_load(l + 1, kn).start()

                    @plsc.parallel_loop(0, BT, unroll=4)
                    def _(r):
                        for u in range(128 // NL):
                            iv = idxb[k][r, pl.ds(u * NL, NL)]
                            g = plsc.load_gather(trow, [iv])
                            sbuf[k][r, pl.ds(u * NL, NL)] = (
                                sbuf[k][r, pl.ds(u * NL, NL)] + g
                            )
                    out_store(l, k).start()
                return carry2

            lax.fori_loop(0, SL // NBUF, outer, 0)
            out_store(base + SL - 1, 1).wait()
            return carry

        lax.fori_loop(0, NSTAGE, stage, 0)


@jax.jit
def _run(t4, idx4, tab_t):
    mesh = plsc.VectorSubcoreMesh(core_axis_name="c", subcore_axis_name="s")
    scratch = [
        pltpu.VMEM((VAR_LEN,), jnp.float32),
        pltpu.VMEM_SHARED((STLT, BT, 8, 128), jnp.int32),
        [pltpu.VMEM((BT, 128), jnp.int32) for _ in range(NBUF)],
        [pltpu.VMEM((BT, 128), jnp.float32) for _ in range(NBUF)],
        [pltpu.SemaphoreType.DMA for _ in range(NBUF)],
        [pltpu.SemaphoreType.DMA for _ in range(NBUF)],
        [pltpu.SemaphoreType.DMA for _ in range(NBUF)],
        pltpu.SemaphoreType.DMA,
    ]
    f = functools.partial(
        pl.kernel,
        out_type=jax.ShapeDtypeStruct((L * ET, BT, 8, 128), jnp.float32),
        mesh=mesh,
        scratch_types=scratch,
        compiler_params=pltpu.CompilerParams(
            use_tc_tiling_on_sc=False, needs_layout_passes=False
        ),
    )(_sc_body)
    return f(t4, idx4, tab_t)


def kernel(src, variable_seq, emb_weight):
    t4 = (
        src.transpose(1, 2, 0)
        .reshape(L, ET, 8, BT, 128)
        .transpose(0, 1, 3, 2, 4)
        .reshape(L * ET, BT, 8, 128)
    )
    idx4 = (
        variable_seq.astype(jnp.int32)
        .transpose(1, 0)
        .reshape(LT, 8, BT, 128)
        .transpose(0, 2, 1, 3)
    )
    tab_t = emb_weight.transpose(1, 0)
    out4 = _run(t4, idx4, tab_t)
    return (
        out4.reshape(L, ET, BT, 8, 128)
        .transpose(0, 1, 3, 2, 4)
        .reshape(L, EMBED, B)
        .transpose(2, 0, 1)
    )

# --- scband reference (transcript-rebuilt; emitter-appended) ---
"""Pipeline reference for scband-source-embedding-23459111371136 (READ-ONLY COPY).

The authoritative reference and input builder live on the scoring server;
editing this copy changes nothing except your own understanding.
"""

import jax, jax.numpy as jnp
import numpy as np

VAR_LEN = 100000
EMBED = 64
B = 4096
L = 200

def setup_inputs(seed: int = 0) -> dict:
    key = jax.random.key(seed)
    k1, k2, k3 = jax.random.split(key, 3)
    src = jax.random.normal(k1, (B, L, EMBED), dtype=jnp.float32)
    variable_seq = jax.random.randint(k2, (B, L), 0, VAR_LEN, dtype=jnp.int64 if jax.config.read('jax_enable_x64') else jnp.int32)
    emb_weight = jax.random.normal(k3, (VAR_LEN, EMBED), dtype=jnp.float32)
    return {"src": src, "variable_seq": variable_seq, "emb_weight": emb_weight}

def reference(src, variable_seq, emb_weight):
    # SourceEmbedding.forward: x = src + VariableEmbedding(variable_seq); dropout (eval mode -> identity)
    gathered = jnp.take(emb_weight, variable_seq, axis=0)
    x = src + gathered
    return x

if __name__ == "__main__":
    import jax
    _d = setup_inputs()
    print(jax.jit(kernel)(*tuple(_d.values())))

</pallas_src>

<mosaic_0001>
#map = affine_map<(d0, d1) -> (0, 0, 0, 0)>
#map1 = affine_map<(d0, d1) -> (0, 0)>
module attributes {stable_mosaic.version = 14 : i64} {
  func.func @_sc_body(%arg0: i32, %arg1: i32, %arg2: memref<1600x32x8x128xf32, #tpu.memory_space<hbm>>, %arg3: memref<25x32x8x128xi32, #tpu.memory_space<hbm>>, %arg4: memref<64x100000xf32, #tpu.memory_space<hbm>>, %arg5: memref<1600x32x8x128xf32, #tpu.memory_space<hbm>>, %arg6: memref<100000xf32, #tpu.memory_space<vmem>>, %arg7: memref<5x32x8x128xi32, #tpu.memory_space<vmem_shared>>, %arg8: memref<32x128xi32, #tpu.memory_space<vmem>>, %arg9: memref<32x128xi32, #tpu.memory_space<vmem>>, %arg10: memref<32x128xf32, #tpu.memory_space<vmem>>, %arg11: memref<32x128xf32, #tpu.memory_space<vmem>>, %arg12: memref<!tpu.dma_semaphore, #tpu.memory_space<semaphore_mem>>, %arg13: memref<!tpu.dma_semaphore, #tpu.memory_space<semaphore_mem>>, %arg14: memref<!tpu.dma_semaphore, #tpu.memory_space<semaphore_mem>>, %arg15: memref<!tpu.dma_semaphore, #tpu.memory_space<semaphore_mem>>, %arg16: memref<!tpu.dma_semaphore, #tpu.memory_space<semaphore_mem>>, %arg17: memref<!tpu.dma_semaphore, #tpu.memory_space<semaphore_mem>>, %arg18: memref<!tpu.dma_semaphore, #tpu.memory_space<semaphore_mem>>) attributes {dimension_semantics = [#tpu.dimension_semantics<core_parallel>, #tpu.dimension_semantics<subcore_parallel>], iteration_bounds = array<i64: 2, 16>, scalar_prefetch = 0 : i64, scratch_operands = 13 : i64, tpu.core_type = #tpu.core_type<sc_vector_subcore>, window_params = [{transform_indices = #map}, {transform_indices = #map}, {transform_indices = #map1}, {transform_indices = #map}]} {
    %mul3A = arith.constant 2 : i32
    %mul3A_0 = arith.muli %arg1, %mul3A : i32
    %add3A = arith.addi %mul3A_0, %arg0 : i32
    %mul3A_1 = arith.constant 2 : i32
    %mul3A_2 = arith.muli %add3A, %mul3A_1 : i32
    %add3A_3 = arith.constant 0 : i32
    %add3A_4 = arith.addi %mul3A_2, %add3A_3 : i32
    %div3A = arith.constant 8 : i32
    %div3A_5 = arith.divsi %add3A_4, %div3A : i32
    %rem3A = arith.constant 8 : i32
    %rem3A_6 = arith.remsi %add3A_4, %rem3A : i32
    %dma_start3A = arith.constant 0 : i32
    %dma_start3A_7 = tpu.memref_slice %arg4[%add3A_4, %dma_start3A] : memref<64x100000xf32, #tpu.memory_space<hbm>> -> memref<1x100000xf32, #tpu.memory_space<hbm>>
    %dma_start3A_8 = tpu.memref_squeeze %dma_start3A_7 : memref<1x100000xf32, #tpu.memory_space<hbm>> -> memref<100000xf32, #tpu.memory_space<hbm>>
    %dma_start3A_9 = arith.constant 0 : i32
    %dma_start3A_10 = tpu.memref_slice %arg4[%add3A_4, %dma_start3A_9] : memref<64x100000xf32, #tpu.memory_space<hbm>> -> memref<1x100000xf32, #tpu.memory_space<hbm>>
    %dma_start3A_11 = tpu.memref_squeeze %dma_start3A_10 : memref<1x100000xf32, #tpu.memory_space<hbm>> -> memref<100000xf32, #tpu.memory_space<hbm>>
    tpu.enqueue_dma source(%dma_start3A_11 : memref<100000xf32, #tpu.memory_space<hbm>>) target(%arg6 : memref<100000xf32, #tpu.memory_space<vmem>>) target_semaphore(%arg18 : memref<!tpu.dma_semaphore, #tpu.memory_space<semaphore_mem>>)
    %scan3A = arith.constant 0 : i32
    %scan3A_12 = arith.constant 0 : i32
    %scan3A_13 = arith.constant 5 : i32
    %scan3A_14 = arith.addi %scan3A_12, %scan3A_13 : i32
    %scan3A_15 = arith.constant 1 : i32
    scf.for %scan3A_37 = %scan3A_12 to %scan3A_14 step %scan3A_15  : i32 {
      %mul3A_38 = arith.constant 40 : i32
      %mul3A_39 = arith.muli %scan3A_37, %mul3A_38 : i32
      %barrier3A = arith.constant 0 : index
      tpu.barrier barrier_id(%barrier3A)
      %eq3A = arith.constant 0 : i32
      %eq3A_40 = arith.cmpi eq, %arg1, %eq3A : i32
      %convert_element_type3A = arith.extui %eq3A_40 : i1 to i32
      %cond3A = arith.constant 0 : i32
      %cond3A_41 = arith.cmpi ne, %convert_element_type3A, %cond3A : i32
      scf.if %cond3A_41 {
        %mul3A_92 = arith.constant 5 : i32
        %mul3A_93 = arith.muli %scan3A_37, %mul3A_92 : i32
        "tpu.region"() ({
          %run_scoped3A = tpu.sem_alloc : memref<!tpu.dma_semaphore, #tpu.memory_space<semaphore_mem>>
          %dma_start3A_94 = arith.constant 0 : i32
          %dma_start3A_95 = arith.constant 0 : i32
          %dma_start3A_96 = arith.constant 0 : i32
          %dma_start3A_97 = tpu.memref_slice %arg3[%mul3A_93, %dma_start3A_94, %dma_start3A_95, %dma_start3A_96] : memref<25x32x8x128xi32, #tpu.memory_space<hbm>> -> memref<5x32x8x128xi32, #tpu.memory_space<hbm>>
          tpu.enqueue_dma source(%dma_start3A_97 : memref<5x32x8x128xi32, #tpu.memory_space<hbm>>) target(%arg7 : memref<5x32x8x128xi32, #tpu.memory_space<vmem_shared>>) target_semaphore(%run_scoped3A : memref<!tpu.dma_semaphore, #tpu.memory_space<semaphore_mem>>)
          %dma_wait3A_98 = arith.constant 0 : i32
          %dma_wait3A_99 = arith.constant 0 : i32
          %dma_wait3A_100 = arith.constant 0 : i32
          %dma_wait3A_101 = tpu.memref_slice %arg3[%mul3A_93, %dma_wait3A_98, %dma_wait3A_99, %dma_wait3A_100] : memref<25x32x8x128xi32, #tpu.memory_space<hbm>> -> memref<5x32x8x128xi32, #tpu.memory_space<hbm>>
          tpu.wait_dma2 semaphore(%run_scoped3A : memref<!tpu.dma_semaphore, #tpu.memory_space<semaphore_mem>>) src(%dma_wait3A_101 : memref<5x32x8x128xi32, #tpu.memory_space<hbm>>) dst(%arg7 : memref<5x32x8x128xi32, #tpu.memory_space<vmem_shared>>)
          tpu.yield
        }) : () -> ()
      } else {
      }
      %barrier3A_42 = arith.constant 0 : index
      tpu.barrier barrier_id(%barrier3A_42)
      %div3A_43 = arith.constant 0 : i32
      %div3A_44 = arith.constant 8 : i32
      %div3A_45 = arith.divsi %div3A_43, %div3A_44 : i32
      %rem3A_46 = arith.constant 0 : i32
      %rem3A_47 = arith.constant 8 : i32
      %rem3A_48 = arith.remsi %rem3A_46, %rem3A_47 : i32
      %dma_start3A_49 = arith.constant 0 : i32
      %dma_start3A_50 = arith.constant 0 : i32
      %dma_start3A_51 = tpu.memref_slice %arg7[%div3A_45, %dma_start3A_49, %rem3A_48, %dma_start3A_50] : memref<5x32x8x128xi32, #tpu.memory_space<vmem_shared>> -> memref<1x32x1x128xi32, #tpu.memory_space<vmem_shared>>
      %dma_start3A_52 = tpu.memref_squeeze %dma_start3A_51 : memref<1x32x1x128xi32, #tpu.memory_space<vmem_shared>> -> memref<32x128xi32, #tpu.memory_space<vmem_shared>>
      %dma_start3A_53 = arith.constant 0 : i32
      %dma_start3A_54 = arith.constant 0 : i32
      %dma_start3A_55 = tpu.memref_slice %arg7[%div3A_45, %dma_start3A_53, %rem3A_48, %dma_start3A_54] : memref<5x32x8x128xi32, #tpu.memory_space<vmem_shared>> -> memref<1x32x1x128xi32, #tpu.memory_space<vmem_shared>>
      %dma_start3A_56 = tpu.memref_squeeze %dma_start3A_55 : memref<1x32x1x128xi32, #tpu.memory_space<vmem_shared>> -> memref<32x128xi32, #tpu.memory_space<vmem_shared>>
      tpu.enqueue_dma source(%dma_start3A_56 : memref<32x128xi32, #tpu.memory_space<vmem_shared>>) target(%arg8 : memref<32x128xi32, #tpu.memory_space<vmem>>) target_semaphore(%arg12 : memref<!tpu.dma_semaphore, #tpu.memory_space<semaphore_mem>>)
      %mul3A_57 = arith.constant 8 : i32
      %mul3A_58 = arith.muli %mul3A_39, %mul3A_57 : i32
      %add3A_59 = arith.addi %mul3A_58, %div3A_5 : i32
      %dma_start3A_60 = arith.constant 0 : i32
      %dma_start3A_61 = arith.constant 0 : i32
      %dma_start3A_62 = tpu.memref_slice %arg2[%add3A_59, %dma_start3A_60, %rem3A_6, %dma_start3A_61] : memref<1600x32x8x128xf32, #tpu.memory_space<hbm>> -> memref<1x32x1x128xf32, #tpu.memory_space<hbm>>
      %dma_start3A_63 = tpu.memref_squeeze %dma_start3A_62 : memref<1x32x1x128xf32, #tpu.memory_space<hbm>> -> memref<32x128xf32, #tpu.memory_space<hbm>>
      %dma_start3A_64 = arith.constant 0 : i32
      %dma_start3A_65 = arith.constant 0 : i32
      %dma_start3A_66 = tpu.memref_slice %arg2[%add3A_59, %dma_start3A_64, %rem3A_6, %dma_start3A_65] : memref<1600x32x8x128xf32, #tpu.memory_space<hbm>> -> memref<1x32x1x128xf32, #tpu.memory_space<hbm>>
      %dma_start3A_67 = tpu.memref_squeeze %dma_start3A_66 : memref<1x32x1x128xf32, #tpu.memory_space<hbm>> -> memref<32x128xf32, #tpu.memory_space<hbm>>
      tpu.enqueue_dma source(%dma_start3A_67 : memref<32x128xf32, #tpu.memory_space<hbm>>) target(%arg10 : memref<32x128xf32, #tpu.memory_space<vmem>>) target_semaphore(%arg14 : memref<!tpu.dma_semaphore, #tpu.memory_space<semaphore_mem>>)
      %eq3A_68 = arith.constant 0 : i32
      %eq3A_69 = arith.cmpi eq, %scan3A_37, %eq3A_68 : i32
      %convert_element_type3A_70 = arith.extui %eq3A_69 : i1 to i32
      %cond3A_71 = arith.constant 0 : i32
      %cond3A_72 = arith.cmpi ne, %convert_element_type3A_70, %cond3A_71 : i32
      scf.if %cond3A_72 {
        %dma_wait3A_92 = arith.constant 0 : i32
        %dma_wait3A_93 = tpu.memref_slice %arg4[%add3A_4, %dma_wait3A_92] : memref<64x100000xf32, #tpu.memory_space<hbm>> -> memref<1x100000xf32, #tpu.memory_space<hbm>>
        %dma_wait3A_94 = tpu.memref_squeeze %dma_wait3A_93 : memref<1x100000xf32, #tpu.memory_space<hbm>> -> memref<100000xf32, #tpu.memory_space<hbm>>
        %dma_wait3A_95 = arith.constant 0 : i32
        %dma_wait3A_96 = tpu.memref_slice %arg4[%add3A_4, %dma_wait3A_95] : memref<64x100000xf32, #tpu.memory_space<hbm>> -> memref<1x100000xf32, #tpu.memory_space<hbm>>
        %dma_wait3A_97 = tpu.memref_squeeze %dma_wait3A_96 : memref<1x100000xf32, #tpu.memory_space<hbm>> -> memref<100000xf32, #tpu.memory_space<hbm>>
        tpu.wait_dma2 semaphore(%arg18 : memref<!tpu.dma_semaphore, #tpu.memory_space<semaphore_mem>>) src(%dma_wait3A_97 : memref<100000xf32, #tpu.memory_space<hbm>>) dst(%arg6 : memref<100000xf32, #tpu.memory_space<vmem>>)
      } else {
      }
      %scan3A_73 = arith.constant 0 : i32
      %scan3A_74 = arith.constant 0 : i32
      %scan3A_75 = arith.constant 20 : i32
      %scan3A_76 = arith.addi %scan3A_74, %scan3A_75 : i32
      %scan3A_77 = arith.constant 1 : i32
      scf.for %scan3A_92 = %scan3A_74 to %scan3A_76 step %scan3A_77  : i32 {
        %mul3A_93 = arith.constant 2 : i32
        %mul3A_94 = arith.muli %mul3A_93, %scan3A_92 : i32
        %add3A_95 = arith.constant 0 : i32
        %add3A_96 = arith.addi %mul3A_94, %add3A_95 : i32
        %add3A_97 = arith.addi %mul3A_39, %add3A_96 : i32
        %div3A_98 = arith.constant 8 : i32
        %div3A_99 = arith.divsi %add3A_96, %div3A_98 : i32
        %rem3A_100 = arith.constant 8 : i32
        %rem3A_101 = arith.remsi %add3A_96, %rem3A_100 : i32
        %dma_wait3A_102 = arith.constant 0 : i32
        %dma_wait3A_103 = arith.constant 0 : i32
        %dma_wait3A_104 = tpu.memref_slice %arg7[%div3A_99, %dma_wait3A_102, %rem3A_101, %dma_wait3A_103] : memref<5x32x8x128xi32, #tpu.memory_space<vmem_shared>> -> memref<1x32x1x128xi32, #tpu.memory_space<vmem_shared>>
        %dma_wait3A_105 = tpu.memref_squeeze %dma_wait3A_104 : memref<1x32x1x128xi32, #tpu.memory_space<vmem_shared>> -> memref<32x128xi32, #tpu.memory_space<vmem_shared>>
        %dma_wait3A_106 = arith.constant 0 : i32
        %dma_wait3A_107 = arith.constant 0 : i32
        %dma_wait3A_108 = tpu.memref_slice %arg7[%div3A_99, %dma_wait3A_106, %rem3A_101, %dma_wait3A_107] : memref<5x32x8x128xi32, #tpu.memory_space<vmem_shared>> -> memref<1x32x1x128xi32, #tpu.memory_space<vmem_shared>>
        %dma_wait3A_109 = tpu.memref_squeeze %dma_wait3A_108 : memref<1x32x1x128xi32, #tpu.memory_space<vmem_shared>> -> memref<32x128xi32, #tpu.memory_space<vmem_shared>>
        tpu.wait_dma2 semaphore(%arg12 : memref<!tpu.dma_semaphore, #tpu.memory_space<semaphore_mem>>) src(%dma_wait3A_109 : memref<32x128xi32, #tpu.memory_space<vmem_shared>>) dst(%arg8 : memref<32x128xi32, #tpu.memory_space<vmem>>)
        %mul3A_110 = arith.constant 8 : i32
        %mul3A_111 = arith.muli %add3A_97, %mul3A_110 : i32
        %add3A_112 = arith.addi %mul3A_111, %div3A_5 : i32
        %dma_wait3A_113 = arith.constant 0 : i32
        %dma_wait3A_114 = arith.constant 0 : i32
        %dma_wait3A_115 = tpu.memref_slice %arg2[%add3A_112, %dma_wait3A_113, %rem3A_6, %dma_wait3A_114] : memref<1600x32x8x128xf32, #tpu.memory_space<hbm>> -> memref<1x32x1x128xf32, #tpu.memory_space<hbm>>
        %dma_wait3A_116 = tpu.memref_squeeze %dma_wait3A_115 : memref<1x32x1x128xf32, #tpu.memory_space<hbm>> -> memref<32x128xf32, #tpu.memory_space<hbm>>
        %dma_wait3A_117 = arith.constant 0 : i32
        %dma_wait3A_118 = arith.constant 0 : i32
        %dma_wait3A_119 = tpu.memref_slice %arg2[%add3A_112, %dma_wait3A_117, %rem3A_6, %dma_wait3A_118] : memref<1600x32x8x128xf32, #tpu.memory_space<hbm>> -> memref<1x32x1x128xf32, #tpu.memory_space<hbm>>
        %dma_wait3A_120 = tpu.memref_squeeze %dma_wait3A_119 : memref<1x32x1x128xf32, #tpu.memory_space<hbm>> -> memref<32x128xf32, #tpu.memory_space<hbm>>
        tpu.wait_dma2 semaphore(%arg14 : memref<!tpu.dma_semaphore, #tpu.memory_space<semaphore_mem>>) src(%dma_wait3A_120 : memref<32x128xf32, #tpu.memory_space<hbm>>) dst(%arg10 : memref<32x128xf32, #tpu.memory_space<vmem>>)
        %gt3A = arith.constant 0 : i32
        %gt3A_121 = arith.cmpi sgt, %add3A_96, %gt3A : i32
        %convert_element_type3A_122 = arith.extui %gt3A_121 : i1 to i32
        %cond3A_123 = arith.constant 0 : i32
        %cond3A_124 = arith.cmpi ne, %convert_element_type3A_122, %cond3A_123 : i32
        scf.if %cond3A_124 {
          %sub3A_198 = arith.constant 1 : i32
          %sub3A_199 = arith.subi %add3A_97, %sub3A_198 : i32
          %mul3A_200 = arith.constant 8 : i32
          %mul3A_201 = arith.muli %sub3A_199, %mul3A_200 : i32
          %add3A_202 = arith.addi %mul3A_201, %div3A_5 : i32
          %dma_wait3A_203 = arith.constant 0 : i32
          %dma_wait3A_204 = arith.constant 0 : i32
          %dma_wait3A_205 = tpu.memref_slice %arg5[%add3A_202, %dma_wait3A_203, %rem3A_6, %dma_wait3A_204] : memref<1600x32x8x128xf32, #tpu.memory_space<hbm>> -> memref<1x32x1x128xf32, #tpu.memory_space<hbm>>
          %dma_wait3A_206 = tpu.memref_squeeze %dma_wait3A_205 : memref<1x32x1x128xf32, #tpu.memory_space<hbm>> -> memref<32x128xf32, #tpu.memory_space<hbm>>
          %dma_wait3A_207 = arith.constant 0 : i32
          %dma_wait3A_208 = arith.constant 0 : i32
          %dma_wait3A_209 = tpu.memref_slice %arg5[%add3A_202, %dma_wait3A_207, %rem3A_6, %dma_wait3A_208] : memref<1600x32x8x128xf32, #tpu.memory_space<hbm>> -> memref<1x32x1x128xf32, #tpu.memory_space<hbm>>
          %dma_wait3A_210 = tpu.memref_squeeze %dma_wait3A_209 : memref<1x32x1x128xf32, #tpu.memory_space<hbm>> -> memref<32x128xf32, #tpu.memory_space<hbm>>
          tpu.wait_dma2 semaphore(%arg17 : memref<!tpu.dma_semaphore, #tpu.memory_space<semaphore_mem>>) src(%arg11 : memref<32x128xf32, #tpu.memory_space<vmem>>) dst(%dma_wait3A_210 : memref<32x128xf32, #tpu.memory_space<hbm>>)
        } else {
        }
        %add3A_125 = arith.constant 1 : i32
        %add3A_126 = arith.addi %add3A_96, %add3A_125 : i32
        %lt3A = arith.constant 40 : i32
        %lt3A_127 = arith.cmpi slt, %add3A_126, %lt3A : i32
        %convert_element_type3A_128 = arith.extui %lt3A_127 : i1 to i32
        %cond3A_129 = arith.constant 0 : i32
        %cond3A_130 = arith.cmpi ne, %convert_element_type3A_128, %cond3A_129 : i32
        scf.if %cond3A_130 {
          %add3A_198 = arith.constant 1 : i32
          %add3A_199 = arith.addi %add3A_96, %add3A_198 : i32
          %div3A_200 = arith.constant 8 : i32
          %div3A_201 = arith.divsi %add3A_199, %div3A_200 : i32
          %rem3A_202 = arith.constant 8 : i32
          %rem3A_203 = arith.remsi %add3A_199, %rem3A_202 : i32
          %dma_start3A_204 = arith.constant 0 : i32
          %dma_start3A_205 = arith.constant 0 : i32
          %dma_start3A_206 = tpu.memref_slice %arg7[%div3A_201, %dma_start3A_204, %rem3A_203, %dma_start3A_205] : memref<5x32x8x128xi32, #tpu.memory_space<vmem_shared>> -> memref<1x32x1x128xi32, #tpu.memory_space<vmem_shared>>
          %dma_start3A_207 = tpu.memref_squeeze %dma_start3A_206 : memref<1x32x1x128xi32, #tpu.memory_space<vmem_shared>> -> memref<32x128xi32, #tpu.memory_space<vmem_shared>>
          %dma_start3A_208 = arith.constant 0 : i32
          %dma_start3A_209 = arith.constant 0 : i32
          %dma_start3A_210 = tpu.memref_slice %arg7[%div3A_201, %dma_start3A_208, %rem3A_203, %dma_start3A_209] : memref<5x32x8x128xi32, #tpu.memory_space<vmem_shared>> -> memref<1x32x1x128xi32, #tpu.memory_space<vmem_shared>>
          %dma_start3A_211 = tpu.memref_squeeze %dma_start3A_210 : memref<1x32x1x128xi32, #tpu.memory_space<vmem_shared>> -> memref<32x128xi32, #tpu.memory_space<vmem_shared>>
          tpu.enqueue_dma source(%dma_start3A_211 : memref<32x128xi32, #tpu.memory_space<vmem_shared>>) target(%arg9 : memref<32x128xi32, #tpu.memory_space<vmem>>) target_semaphore(%arg13 : memref<!tpu.dma_semaphore, #tpu.memory_space<semaphore_mem>>)
          %add3A_212 = arith.constant 1 : i32
          %add3A_213 = arith.addi %add3A_97, %add3A_212 : i32
          %mul3A_214 = arith.constant 8 : i32
          %mul3A_215 = arith.muli %add3A_213, %mul3A_214 : i32
          %add3A_216 = arith.addi %mul3A_215, %div3A_5 : i32
          %dma_start3A_217 = arith.constant 0 : i32
          %dma_start3A_218 = arith.constant 0 : i32
          %dma_start3A_219 = tpu.memref_slice %arg2[%add3A_216, %dma_start3A_217, %rem3A_6, %dma_start3A_218] : memref<1600x32x8x128xf32, #tpu.memory_space<hbm>> -> memref<1x32x1x128xf32, #tpu.memory_space<hbm>>
          %dma_start3A_220 = tpu.memref_squeeze %dma_start3A_219 : memref<1x32x1x128xf32, #tpu.memory_space<hbm>> -> memref<32x128xf32, #tpu.memory_space<hbm>>
          %dma_start3A_221 = arith.constant 0 : i32
          %dma_start3A_222 = arith.constant 0 : i32
          %dma_start3A_223 = tpu.memref_slice %arg2[%add3A_216, %dma_start3A_221, %rem3A_6, %dma_start3A_222] : memref<1600x32x8x128xf32, #tpu.memory_space<hbm>> -> memref<1x32x1x128xf32, #tpu.memory_space<hbm>>
          %dma_start3A_224 = tpu.memref_squeeze %dma_start3A_223 : memref<1x32x1x128xf32, #tpu.memory_space<hbm>> -> memref<32x128xf32, #tpu.memory_space<hbm>>
          tpu.enqueue_dma source(%dma_start3A_224 : memref<32x128xf32, #tpu.memory_space<hbm>>) target(%arg11 : memref<32x128xf32, #tpu.memory_space<vmem>>) target_semaphore(%arg15 : memref<!tpu.dma_semaphore, #tpu.memory_space<semaphore_mem>>)
        } else {
        }
        %parallel_loop3A = arith.constant 0 : i32
        %parallel_loop3A_131 = arith.constant 32 : i32
        %parallel_loop3A_132 = arith.constant 1 : i32
        scf.for %parallel_loop3A_198 = %parallel_loop3A to %parallel_loop3A_131 step %parallel_loop3A_132  : i32 {
          %parallel_loop3A_199 = arith.index_cast %parallel_loop3A_198 : i32 to index
          %parallel_loop3A_200 = arith.constant 0 : index
          %parallel_loop3A_201 = tpu.vector_load %arg8[%parallel_loop3A_199, %parallel_loop3A_200] {strides = array<i32>} : memref<32x128xi32, #tpu.memory_space<vmem>>, vector<16xi32>,
          %parallel_loop3A_202 = tpu.vector_load_idx %arg6[%parallel_loop3A_201] : memref<100000xf32, #tpu.memory_space<vmem>>[vector<16xi32>], vector<16xf32>,
          %parallel_loop3A_203 = arith.index_cast %parallel_loop3A_198 : i32 to index
          %parallel_loop3A_204 = arith.constant 0 : index
          %parallel_loop3A_205 = tpu.vector_load %arg10[%parallel_loop3A_203, %parallel_loop3A_204] {strides = array<i32>} : memref<32x128xf32, #tpu.memory_space<vmem>>, vector<16xf32>,
          %parallel_loop3A_206 = arith.addf %parallel_loop3A_205, %parallel_loop3A_202 : vector<16xf32>
          %parallel_loop3A_207 = arith.index_cast %parallel_loop3A_198 : i32 to index
          %parallel_loop3A_208 = arith.constant 0 : index
          %parallel_loop3A_209 = tpu.vector_load %arg10[%parallel_loop3A_207, %parallel_loop3A_208] {strides = array<i32>} : memref<32x128xf32, #tpu.memory_space<vmem>>, vector<16xf32>,
          tpu.vector_store %arg10[%parallel_loop3A_207, %parallel_loop3A_208], %parallel_loop3A_206 {strides = array<i32>} : memref<32x128xf32, #tpu.memory_space<vmem>>, vector<16xf32>,
          %parallel_loop3A_210 = arith.index_cast %parallel_loop3A_198 : i32 to index
          %parallel_loop3A_211 = arith.constant 16 : index
          %parallel_loop3A_212 = tpu.vector_load %arg8[%parallel_loop3A_210, %parallel_loop3A_211] {strides = array<i32>} : memref<32x128xi32, #tpu.memory_space<vmem>>, vector<16xi32>,
          %parallel_loop3A_213 = tpu.vector_load_idx %arg6[%parallel_loop3A_212] : memref<100000xf32, #tpu.memory_space<vmem>>[vector<16xi32>], vector<16xf32>,
          %parallel_loop3A_214 = arith.index_cast %parallel_loop3A_198 : i32 to index
          %parallel_loop3A_215 = arith.constant 16 : index
          %parallel_loop3A_216 = tpu.vector_load %arg10[%parallel_loop3A_214, %parallel_loop3A_215] {strides = array<i32>} : memref<32x128xf32, #tpu.memory_space<vmem>>, vector<16xf32>,
          %parallel_loop3A_217 = arith.addf %parallel_loop3A_216, %parallel_loop3A_213 : vector<16xf32>
          %parallel_loop3A_218 = arith.index_cast %parallel_loop3A_198 : i32 to index
          %parallel_loop3A_219 = arith.constant 16 : index
          %parallel_loop3A_220 = tpu.vector_load %arg10[%parallel_loop3A_218, %parallel_loop3A_219] {strides = array<i32>} : memref<32x128xf32, #tpu.memory_space<vmem>>, vector<16xf32>,
          tpu.vector_store %arg10[%parallel_loop3A_218, %parallel_loop3A_219], %parallel_loop3A_217 {strides = array<i32>} : memref<32x128xf32, #tpu.memory_space<vmem>>, vector<16xf32>,
          %parallel_loop3A_221 = arith.index_cast %parallel_loop3A_198 : i32 to index
          %parallel_loop3A_222 = arith.constant 32 : index
          %parallel_loop3A_223 = tpu.vector_load %arg8[%parallel_loop3A_221, %parallel_loop3A_222] {strides = array<i32>} : memref<32x128xi32, #tpu.memory_space<vmem>>, vector<16xi32>,
          %parallel_loop3A_224 = tpu.vector_load_idx %arg6[%parallel_loop3A_223] : memref<100000xf32, #tpu.memory_space<vmem>>[vector<16xi32>], vector<16xf32>,
          %parallel_loop3A_225 = arith.index_cast %parallel_loop3A_198 : i32 to index
          %parallel_loop3A_226 = arith.constant 32 : index
          %parallel_loop3A_227 = tpu.vector_load %arg10[%parallel_loop3A_225, %parallel_loop3A_226] {strides = array<i32>} : memref<32x128xf32, #tpu.memory_space<vmem>>, vector<16xf32>,
          %parallel_loop3A_228 = arith.addf %parallel_loop3A_227, %parallel_loop3A_224 : vector<16xf32>
          %parallel_loop3A_229 = arith.index_cast %parallel_loop3A_198 : i32 to index
          %parallel_loop3A_230 = arith.constant 32 : index
          %parallel_loop3A_231 = tpu.vector_load %arg10[%parallel_loop3A_229, %parallel_loop3A_230] {strides = array<i32>} : memref<32x128xf32, #tpu.memory_space<vmem>>, vector<16xf32>,
          tpu.vector_store %arg10[%parallel_loop3A_229, %parallel_loop3A_230], %parallel_loop3A_228 {strides = array<i32>} : memref<32x128xf32, #tpu.memory_space<vmem>>, vector<16xf32>,
          %parallel_loop3A_232 = arith.index_cast %parallel_loop3A_198 : i32 to index
          %parallel_loop3A_233 = arith.constant 48 : index
          %parallel_loop3A_234 = tpu.vector_load %arg8[%parallel_loop3A_232, %parallel_loop3A_233] {strides = array<i32>} : memref<32x128xi32, #tpu.memory_space<vmem>>, vector<16xi32>,
          %parallel_loop3A_235 = tpu.vector_load_idx %arg6[%parallel_loop3A_234] : memref<100000xf32, #tpu.memory_space<vmem>>[vector<16xi32>], vector<16xf32>,
          %parallel_loop3A_236 = arith.index_cast %parallel_loop3A_198 : i32 to index
          %parallel_loop3A_237 = arith.constant 48 : index
          %parallel_loop3A_238 = tpu.vector_load %arg10[%parallel_loop3A_236, %parallel_loop3A_237] {strides = array<i32>} : memref<32x128xf32, #tpu.memory_space<vmem>>, vector<16xf32>,
          %parallel_loop3A_239 = arith.addf %parallel_loop3A_238, %parallel_loop3A_235 : vector<16xf32>
          %parallel_loop3A_240 = arith.index_cast %parallel_loop3A_198 : i32 to index
          %parallel_loop3A_241 = arith.constant 48 : index
          %parallel_loop3A_242 = tpu.vector_load %arg10[%parallel_loop3A_240, %parallel_loop3A_241] {strides = array<i32>} : memref<32x128xf32, #tpu.memory_space<vmem>>, vector<16xf32>,
          tpu.vector_store %arg10[%parallel_loop3A_240, %parallel_loop3A_241], %parallel_loop3A_239 {strides = array<i32>} : memref<32x128xf32, #tpu.memory_space<vmem>>, vector<16xf32>,
          %parallel_loop3A_243 = arith.index_cast %parallel_loop3A_198 : i32 to index
          %parallel_loop3A_244 = arith.constant 64 : index
          %parallel_loop3A_245 = tpu.vector_load %arg8[%parallel_loop3A_243, %parallel_loop3A_244] {strides = array<i32>} : memref<32x128xi32, #tpu.memory_space<vmem>>, vector<16xi32>,
          %parallel_loop3A_246 = tpu.vector_load_idx %arg6[%parallel_loop3A_245] : memref<100000xf32, #tpu.memory_space<vmem>>[vector<16xi32>], vector<16xf32>,
          %parallel_loop3A_247 = arith.index_cast %parallel_loop3A_198 : i32 to index
          %parallel_loop3A_248 = arith.constant 64 : index
          %parallel_loop3A_249 = tpu.vector_load %arg10[%parallel_loop3A_247, %parallel_loop3A_248] {strides = array<i32>} : memref<32x128xf32, #tpu.memory_space<vmem>>, vector<16xf32>,
          %parallel_loop3A_250 = arith.addf %parallel_loop3A_249, %parallel_loop3A_246 : vector<16xf32>
          %parallel_loop3A_251 = arith.index_cast %parallel_loop3A_198 : i32 to index
          %parallel_loop3A_252 = arith.constant 64 : index
          %parallel_loop3A_253 = tpu.vector_load %arg10[%parallel_loop3A_251, %parallel_loop3A_252] {strides = array<i32>} : memref<32x128xf32, #tpu.memory_space<vmem>>, vector<16xf32>,
          tpu.vector_store %arg10[%parallel_loop3A_251, %parallel_loop3A_252], %parallel_loop3A_250 {strides = array<i32>} : memref<32x128xf32, #tpu.memory_space<vmem>>, vector<16xf32>,
          %parallel_loop3A_254 = arith.index_cast %parallel_loop3A_198 : i32 to index
          %parallel_loop3A_255 = arith.constant 80 : index
          %parallel_loop3A_256 = tpu.vector_load %arg8[%parallel_loop3A_254, %parallel_loop3A_255] {strides = array<i32>} : memref<32x128xi32, #tpu.memory_space<vmem>>, vector<16xi32>,
          %parallel_loop3A_257 = tpu.vector_load_idx %arg6[%parallel_loop3A_256] : memref<100000xf32, #tpu.memory_space<vmem>>[vector<16xi32>], vector<16xf32>,
          %parallel_loop3A_258 = arith.index_cast %parallel_loop3A_198 : i32 to index
          %parallel_loop3A_259 = arith.constant 80 : index
          %parallel_loop3A_260 = tpu.vector_load %arg10[%parallel_loop3A_258, %parallel_loop3A_259] {strides = array<i32>} : memref<32x128xf32, #tpu.memory_space<vmem>>, vector<16xf32>,
          %parallel_loop3A_261 = arith.addf %parallel_loop3A_260, %parallel_loop3A_257 : vector<16xf32>
          %parallel_loop3A_262 = arith.index_cast %parallel_loop3A_198 : i32 to index
          %parallel_loop3A_263 = arith.constant 80 : index
          %parallel_loop3A_264 = tpu.vector_load %arg10[%parallel_loop3A_262, %parallel_loop3A_263] {strides = array<i32>} : memref<32x128xf32, #tpu.memory_space<vmem>>, vector<16xf32>,
          tpu.vector_store %arg10[%parallel_loop3A_262, %parallel_loop3A_263], %parallel_loop3A_261 {strides = array<i32>} : memref<32x128xf32, #tpu.memory_space<vmem>>, vector<16xf32>,
          %parallel_loop3A_265 = arith.index_cast %parallel_loop3A_198 : i32 to index
          %parallel_loop3A_266 = arith.constant 96 : index
          %parallel_loop3A_267 = tpu.vector_load %arg8[%parallel_loop3A_265, %parallel_loop3A_266] {strides = array<i32>} : memref<32x128xi32, #tpu.memory_space<vmem>>, vector<16xi32>,
          %parallel_loop3A_268 = tpu.vector_load_idx %arg6[%parallel_loop3A_267] : memref<100000xf32, #tpu.memory_space<vmem>>[vector<16xi32>], vector<16xf32>,
          %parallel_loop3A_269 = arith.index_cast %parallel_loop3A_198 : i32 to index
          %parallel_loop3A_270 = arith.constant 96 : index
          %parallel_loop3A_271 = tpu.vector_load %arg10[%parallel_loop3A_269, %parallel_loop3A_270] {strides = array<i32>} : memref<32x128xf32, #tpu.memory_space<vmem>>, vector<16xf32>,
          %parallel_loop3A_272 = arith.addf %parallel_loop3A_271, %parallel_loop3A_268 : vector<16xf32>
          %parallel_loop3A_273 = arith.index_cast %parallel_loop3A_198 : i32 to index
          %parallel_loop3A_274 = arith.constant 96 : index
          %parallel_loop3A_275 = tpu.vector_load %arg10[%parallel_loop3A_273, %parallel_loop3A_274] {strides = array<i32>} : memref<32x128xf32, #tpu.memory_space<vmem>>, vector<16xf32>,
          tpu.vector_store %arg10[%parallel_loop3A_273, %parallel_loop3A_274], %parallel_loop3A_272 {strides = array<i32>} : memref<32x128xf32, #tpu.memory_space<vmem>>, vector<16xf32>,
          %parallel_loop3A_276 = arith.index_cast %parallel_loop3A_198 : i32 to index
          %parallel_loop3A_277 = arith.constant 112 : index
          %parallel_loop3A_278 = tpu.vector_load %arg8[%parallel_loop3A_276, %parallel_loop3A_277] {strides = array<i32>} : memref<32x128xi32, #tpu.memory_space<vmem>>, vector<16xi32>,
          %parallel_loop3A_279 = tpu.vector_load_idx %arg6[%parallel_loop3A_278] : memref<100000xf32, #tpu.memory_space<vmem>>[vector<16xi32>], vector<16xf32>,
          %parallel_loop3A_280 = arith.index_cast %parallel_loop3A_198 : i32 to index
          %parallel_loop3A_281 = arith.constant 112 : index
          %parallel_loop3A_282 = tpu.vector_load %arg10[%parallel_loop3A_280, %parallel_loop3A_281] {strides = array<i32>} : memref<32x128xf32, #tpu.memory_space<vmem>>, vector<16xf32>,
          %parallel_loop3A_283 = arith.addf %parallel_loop3A_282, %parallel_loop3A_279 : vector<16xf32>
          %parallel_loop3A_284 = arith.index_cast %parallel_loop3A_198 : i32 to index
          %parallel_loop3A_285 = arith.constant 112 : index
          %parallel_loop3A_286 = tpu.vector_load %arg10[%parallel_loop3A_284, %parallel_loop3A_285] {strides = array<i32>} : memref<32x128xf32, #tpu.memory_space<vmem>>, vector<16xf32>,
          tpu.vector_store %arg10[%parallel_loop3A_284, %parallel_loop3A_285], %parallel_loop3A_283 {strides = array<i32>} : memref<32x128xf32, #tpu.memory_space<vmem>>, vector<16xf32>,
        } {sc.loop_unroll_factor = 4 : i64, sc.parallel_access}
        %mul3A_133 = arith.constant 8 : i32
        %mul3A_134 = arith.muli %add3A_97, %mul3A_133 : i32
        %add3A_135 = arith.addi %mul3A_134, %div3A_5 : i32
        %dma_start3A_136 = arith.constant 0 : i32
        %dma_start3A_137 = arith.constant 0 : i32
        %dma_start3A_138 = tpu.memref_slice %arg5[%add3A_135, %dma_start3A_136, %rem3A_6, %dma_start3A_137] : memref<1600x32x8x128xf32, #tpu.memory_space<hbm>> -> memref<1x32x1x128xf32, #tpu.memory_space<hbm>>
        %dma_start3A_139 = tpu.memref_squeeze %dma_start3A_138 : memref<1x32x1x128xf32, #tpu.memory_space<hbm>> -> memref<32x128xf32, #tpu.memory_space<hbm>>
        %dma_start3A_140 = arith.constant 0 : i32
        %dma_start3A_141 = arith.constant 0 : i32
        %dma_start3A_142 = tpu.memref_slice %arg5[%add3A_135, %dma_start3A_140, %rem3A_6, %dma_start3A_141] : memref<1600x32x8x128xf32, #tpu.memory_space<hbm>> -> memref<1x32x1x128xf32, #tpu.memory_space<hbm>>
        %dma_start3A_143 = tpu.memref_squeeze %dma_start3A_142 : memref<1x32x1x128xf32, #tpu.memory_space<hbm>> -> memref<32x128xf32, #tpu.memory_space<hbm>>
        tpu.enqueue_dma source(%arg10 : memref<32x128xf32, #tpu.memory_space<vmem>>) target(%dma_start3A_143 : memref<32x128xf32, #tpu.memory_space<hbm>>) target_semaphore(%arg16 : memref<!tpu.dma_semaphore, #tpu.memory_space<semaphore_mem>>)
        %mul3A_144 = arith.constant 2 : i32
        %mul3A_145 = arith.muli %mul3A_144, %scan3A_92 : i32
        %add3A_146 = arith.constant 1 : i32
        %add3A_147 = arith.addi %mul3A_145, %add3A_146 : i32
        %add3A_148 = arith.addi %mul3A_39, %add3A_147 : i32
        %div3A_149 = arith.constant 8 : i32
        %div3A_150 = arith.divsi %add3A_147, %div3A_149 : i32
        %rem3A_151 = arith.constant 8 : i32
        %rem3A_152 = arith.remsi %add3A_147, %rem3A_151 : i32
        %dma_wait3A_153 = arith.constant 0 : i32
        %dma_wait3A_154 = arith.constant 0 : i32
        %dma_wait3A_155 = tpu.memref_slice %arg7[%div3A_150, %dma_wait3A_153, %rem3A_152, %dma_wait3A_154] : memref<5x32x8x128xi32, #tpu.memory_space<vmem_shared>> -> memref<1x32x1x128xi32, #tpu.memory_space<vmem_shared>>
        %dma_wait3A_156 = tpu.memref_squeeze %dma_wait3A_155 : memref<1x32x1x128xi32, #tpu.memory_space<vmem_shared>> -> memref<32x128xi32, #tpu.memory_space<vmem_shared>>
        %dma_wait3A_157 = arith.constant 0 : i32
        %dma_wait3A_158 = arith.constant 0 : i32
        %dma_wait3A_159 = tpu.memref_slice %arg7[%div3A_150, %dma_wait3A_157, %rem3A_152, %dma_wait3A_158] : memref<5x32x8x128xi32, #tpu.memory_space<vmem_shared>> -> memref<1x32x1x128xi32, #tpu.memory_space<vmem_shared>>
        %dma_wait3A_160 = tpu.memref_squeeze %dma_wait3A_159 : memref<1x32x1x128xi32, #tpu.memory_space<vmem_shared>> -> memref<32x128xi32, #tpu.memory_space<vmem_shared>>
        tpu.wait_dma2 semaphore(%arg13 : memref<!tpu.dma_semaphore, #tpu.memory_space<semaphore_mem>>) src(%dma_wait3A_160 : memref<32x128xi32, #tpu.memory_space<vmem_shared>>) dst(%arg9 : memref<32x128xi32, #tpu.memory_space<vmem>>)
        %mul3A_161 = arith.constant 8 : i32
        %mul3A_162 = arith.muli %add3A_148, %mul3A_161 : i32
        %add3A_163 = arith.addi %mul3A_162, %div3A_5 : i32
        %dma_wait3A_164 = arith.constant 0 : i32
        %dma_wait3A_165 = arith.constant 0 : i32
        %dma_wait3A_166 = tpu.memref_slice %arg2[%add3A_163, %dma_wait3A_164, %rem3A_6, %dma_wait3A_165] : memref<1600x32x8x128xf32, #tpu.memory_space<hbm>> -> memref<1x32x1x128xf32, #tpu.memory_space<hbm>>
        %dma_wait3A_167 = tpu.memref_squeeze %dma_wait3A_166 : memref<1x32x1x128xf32, #tpu.memory_space<hbm>> -> memref<32x128xf32, #tpu.memory_space<hbm>>
        %dma_wait3A_168 = arith.constant 0 : i32
        %dma_wait3A_169 = arith.constant 0 : i32
        %dma_wait3A_170 = tpu.memref_slice %arg2[%add3A_163, %dma_wait3A_168, %rem3A_6, %dma_wait3A_169] : memref<1600x32x8x128xf32, #tpu.memory_space<hbm>> -> memref<1x32x1x128xf32, #tpu.memory_space<hbm>>
        %dma_wait3A_171 = tpu.memref_squeeze %dma_wait3A_170 : memref<1x32x1x128xf32, #tpu.memory_space<hbm>> -> memref<32x128xf32, #tpu.memory_space<hbm>>
        tpu.wait_dma2 semaphore(%arg15 : memref<!tpu.dma_semaphore, #tpu.memory_space<semaphore_mem>>) src(%dma_wait3A_171 : memref<32x128xf32, #tpu.memory_space<hbm>>) dst(%arg11 : memref<32x128xf32, #tpu.memory_space<vmem>>)
        %gt3A_172 = arith.constant 0 : i32
        %gt3A_173 = arith.cmpi sgt, %add3A_147, %gt3A_172 : i32
        %convert_element_type3A_174 = arith.extui %gt3A_173 : i1 to i32
        %cond3A_175 = arith.constant 0 : i32
        %cond3A_176 = arith.cmpi ne, %convert_element_type3A_174, %cond3A_175 : i32
        scf.if %cond3A_176 {
          %sub3A_198 = arith.constant 1 : i32
          %sub3A_199 = arith.subi %add3A_148, %sub3A_198 : i32
          %mul3A_200 = arith.constant 8 : i32
          %mul3A_201 = arith.muli %sub3A_199, %mul3A_200 : i32
          %add3A_202 = arith.addi %mul3A_201, %div3A_5 : i32
          %dma_wait3A_203 = arith.constant 0 : i32
          %dma_wait3A_204 = arith.constant 0 : i32
          %dma_wait3A_205 = tpu.memref_slice %arg5[%add3A_202, %dma_wait3A_203, %rem3A_6, %dma_wait3A_204] : memref<1600x32x8x128xf32, #tpu.memory_space<hbm>> -> memref<1x32x1x128xf32, #tpu.memory_space<hbm>>
          %dma_wait3A_206 = tpu.memref_squeeze %dma_wait3A_205 : memref<1x32x1x128xf32, #tpu.memory_space<hbm>> -> memref<32x128xf32, #tpu.memory_space<hbm>>
          %dma_wait3A_207 = arith.constant 0 : i32
          %dma_wait3A_208 = arith.constant 0 : i32
          %dma_wait3A_209 = tpu.memref_slice %arg5[%add3A_202, %dma_wait3A_207, %rem3A_6, %dma_wait3A_208] : memref<1600x32x8x128xf32, #tpu.memory_space<hbm>> -> memref<1x32x1x128xf32, #tpu.memory_space<hbm>>
          %dma_wait3A_210 = tpu.memref_squeeze %dma_wait3A_209 : memref<1x32x1x128xf32, #tpu.memory_space<hbm>> -> memref<32x128xf32, #tpu.memory_space<hbm>>
          tpu.wait_dma2 semaphore(%arg16 : memref<!tpu.dma_semaphore, #tpu.memory_space<semaphore_mem>>) src(%arg10 : memref<32x128xf32, #tpu.memory_space<vmem>>) dst(%dma_wait3A_210 : memref<32x128xf32, #tpu.memory_space<hbm>>)
        } else {
        }
        %add3A_177 = arith.constant 1 : i32
        %add3A_178 = arith.addi %add3A_147, %add3A_177 : i32
        %lt3A_179 = arith.constant 40 : i32
        %lt3A_180 = arith.cmpi slt, %add3A_178, %lt3A_179 : i32
        %convert_element_type3A_181 = arith.extui %lt3A_180 : i1 to i32
        %cond3A_182 = arith.constant 0 : i32
        %cond3A_183 = arith.cmpi ne, %convert_element_type3A_181, %cond3A_182 : i32
        scf.if %cond3A_183 {
          %add3A_198 = arith.constant 1 : i32
          %add3A_199 = arith.addi %add3A_147, %add3A_198 : i32
          %div3A_200 = arith.constant 8 : i32
          %div3A_201 = arith.divsi %add3A_199, %div3A_200 : i32
          %rem3A_202 = arith.constant 8 : i32
          %rem3A_203 = arith.remsi %add3A_199, %rem3A_202 : i32
          %dma_start3A_204 = arith.constant 0 : i32
          %dma_start3A_205 = arith.constant 0 : i32
          %dma_start3A_206 = tpu.memref_slice %arg7[%div3A_201, %dma_start3A_204, %rem3A_203, %dma_start3A_205] : memref<5x32x8x128xi32, #tpu.memory_space<vmem_shared>> -> memref<1x32x1x128xi32, #tpu.memory_space<vmem_shared>>
          %dma_start3A_207 = tpu.memref_squeeze %dma_start3A_206 : memref<1x32x1x128xi32, #tpu.memory_space<vmem_shared>> -> memref<32x128xi32, #tpu.memory_space<vmem_shared>>
          %dma_start3A_208 = arith.constant 0 : i32
          %dma_start3A_209 = arith.constant 0 : i32
          %dma_start3A_210 = tpu.memref_slice %arg7[%div3A_201, %dma_start3A_208, %rem3A_203, %dma_start3A_209] : memref<5x32x8x128xi32, #tpu.memory_space<vmem_shared>> -> memref<1x32x1x128xi32, #tpu.memory_space<vmem_shared>>
          %dma_start3A_211 = tpu.memref_squeeze %dma_start3A_210 : memref<1x32x1x128xi32, #tpu.memory_space<vmem_shared>> -> memref<32x128xi32, #tpu.memory_space<vmem_shared>>
          tpu.enqueue_dma source(%dma_start3A_211 : memref<32x128xi32, #tpu.memory_space<vmem_shared>>) target(%arg8 : memref<32x128xi32, #tpu.memory_space<vmem>>) target_semaphore(%arg12 : memref<!tpu.dma_semaphore, #tpu.memory_space<semaphore_mem>>)
          %add3A_212 = arith.constant 1 : i32
          %add3A_213 = arith.addi %add3A_148, %add3A_212 : i32
          %mul3A_214 = arith.constant 8 : i32
          %mul3A_215 = arith.muli %add3A_213, %mul3A_214 : i32
          %add3A_216 = arith.addi %mul3A_215, %div3A_5 : i32
          %dma_start3A_217 = arith.constant 0 : i32
          %dma_start3A_218 = arith.constant 0 : i32
          %dma_start3A_219 = tpu.memref_slice %arg2[%add3A_216, %dma_start3A_217, %rem3A_6, %dma_start3A_218] : memref<1600x32x8x128xf32, #tpu.memory_space<hbm>> -> memref<1x32x1x128xf32, #tpu.memory_space<hbm>>
          %dma_start3A_220 = tpu.memref_squeeze %dma_start3A_219 : memref<1x32x1x128xf32, #tpu.memory_space<hbm>> -> memref<32x128xf32, #tpu.memory_space<hbm>>
          %dma_start3A_221 = arith.constant 0 : i32
          %dma_start3A_222 = arith.constant 0 : i32
          %dma_start3A_223 = tpu.memref_slice %arg2[%add3A_216, %dma_start3A_221, %rem3A_6, %dma_start3A_222] : memref<1600x32x8x128xf32, #tpu.memory_space<hbm>> -> memref<1x32x1x128xf32, #tpu.memory_space<hbm>>
          %dma_start3A_224 = tpu.memref_squeeze %dma_start3A_223 : memref<1x32x1x128xf32, #tpu.memory_space<hbm>> -> memref<32x128xf32, #tpu.memory_space<hbm>>
          tpu.enqueue_dma source(%dma_start3A_224 : memref<32x128xf32, #tpu.memory_space<hbm>>) target(%arg10 : memref<32x128xf32, #tpu.memory_space<vmem>>) target_semaphore(%arg14 : memref<!tpu.dma_semaphore, #tpu.memory_space<semaphore_mem>>)
        } else {
        }
        %parallel_loop3A_184 = arith.constant 0 : i32
        %parallel_loop3A_185 = arith.constant 32 : i32
        %parallel_loop3A_186 = arith.constant 1 : i32
        scf.for %parallel_loop3A_198 = %parallel_loop3A_184 to %parallel_loop3A_185 step %parallel_loop3A_186  : i32 {
          %parallel_loop3A_199 = arith.index_cast %parallel_loop3A_198 : i32 to index
          %parallel_loop3A_200 = arith.constant 0 : index
          %parallel_loop3A_201 = tpu.vector_load %arg9[%parallel_loop3A_199, %parallel_loop3A_200] {strides = array<i32>} : memref<32x128xi32, #tpu.memory_space<vmem>>, vector<16xi32>,
          %parallel_loop3A_202 = tpu.vector_load_idx %arg6[%parallel_loop3A_201] : memref<100000xf32, #tpu.memory_space<vmem>>[vector<16xi32>], vector<16xf32>,
          %parallel_loop3A_203 = arith.index_cast %parallel_loop3A_198 : i32 to index
          %parallel_loop3A_204 = arith.constant 0 : index
          %parallel_loop3A_205 = tpu.vector_load %arg11[%parallel_loop3A_203, %parallel_loop3A_204] {strides = array<i32>} : memref<32x128xf32, #tpu.memory_space<vmem>>, vector<16xf32>,
          %parallel_loop3A_206 = arith.addf %parallel_loop3A_205, %parallel_loop3A_202 : vector<16xf32>
          %parallel_loop3A_207 = arith.index_cast %parallel_loop3A_198 : i32 to index
          %parallel_loop3A_208 = arith.constant 0 : index
          %parallel_loop3A_209 = tpu.vector_load %arg11[%parallel_loop3A_207, %parallel_loop3A_208] {strides = array<i32>} : memref<32x128xf32, #tpu.memory_space<vmem>>, vector<16xf32>,
          tpu.vector_store %arg11[%parallel_loop3A_207, %parallel_loop3A_208], %parallel_loop3A_206 {strides = array<i32>} : memref<32x128xf32, #tpu.memory_space<vmem>>, vector<16xf32>,
          %parallel_loop3A_210 = arith.index_cast %parallel_loop3A_198 : i32 to index
          %parallel_loop3A_211 = arith.constant 16 : index
          %parallel_loop3A_212 = tpu.vector_load %arg9[%parallel_loop3A_210, %parallel_loop3A_211] {strides = array<i32>} : memref<32x128xi32, #tpu.memory_space<vmem>>, vector<16xi32>,
          %parallel_loop3A_213 = tpu.vector_load_idx %arg6[%parallel_loop3A_212] : memref<100000xf32, #tpu.memory_space<vmem>>[vector<16xi32>], vector<16xf32>,
          %parallel_loop3A_214 = arith.index_cast %parallel_loop3A_198 : i32 to index
          %parallel_loop3A_215 = arith.constant 16 : index
          %parallel_loop3A_216 = tpu.vector_load %arg11[%parallel_loop3A_214, %parallel_loop3A_215] {strides = array<i32>} : memref<32x128xf32, #tpu.memory_space<vmem>>, vector<16xf32>,
          %parallel_loop3A_217 = arith.addf %parallel_loop3A_216, %parallel_loop3A_213 : vector<16xf32>
          %parallel_loop3A_218 = arith.index_cast %parallel_loop3A_198 : i32 to index
          %parallel_loop3A_219 = arith.constant 16 : index
          %parallel_loop3A_220 = tpu.vector_load %arg11[%parallel_loop3A_218, %parallel_loop3A_219] {strides = array<i32>} : memref<32x128xf32, #tpu.memory_space<vmem>>, vector<16xf32>,
          tpu.vector_store %arg11[%parallel_loop3A_218, %parallel_loop3A_219], %parallel_loop3A_217 {strides = array<i32>} : memref<32x128xf32, #tpu.memory_space<vmem>>, vector<16xf32>,
          %parallel_loop3A_221 = arith.index_cast %parallel_loop3A_198 : i32 to index
          %parallel_loop3A_222 = arith.constant 32 : index
          %parallel_loop3A_223 = tpu.vector_load %arg9[%parallel_loop3A_221, %parallel_loop3A_222] {strides = array<i32>} : memref<32x128xi32, #tpu.memory_space<vmem>>, vector<16xi32>,
          %parallel_loop3A_224 = tpu.vector_load_idx %arg6[%parallel_loop3A_223] : memref<100000xf32, #tpu.memory_space<vmem>>[vector<16xi32>], vector<16xf32>,
          %parallel_loop3A_225 = arith.index_cast %parallel_loop3A_198 : i32 to index
          %parallel_loop3A_226 = arith.constant 32 : index
          %parallel_loop3A_227 = tpu.vector_load %arg11[%parallel_loop3A_225, %parallel_loop3A_226] {strides = array<i32>} : memref<32x128xf32, #tpu.memory_space<vmem>>, vector<16xf32>,
          %parallel_loop3A_228 = arith.addf %parallel_loop3A_227, %parallel_loop3A_224 : vector<16xf32>
          %parallel_loop3A_229 = arith.index_cast %parallel_loop3A_198 : i32 to index
          %parallel_loop3A_230 = arith.constant 32 : index
          %parallel_loop3A_231 = tpu.vector_load %arg11[%parallel_loop3A_229, %parallel_loop3A_230] {strides = array<i32>} : memref<32x128xf32, #tpu.memory_space<vmem>>, vector<16xf32>,
          tpu.vector_store %arg11[%parallel_loop3A_229, %parallel_loop3A_230], %parallel_loop3A_228 {strides = array<i32>} : memref<32x128xf32, #tpu.memory_space<vmem>>, vector<16xf32>,
          %parallel_loop3A_232 = arith.index_cast %parallel_loop3A_198 : i32 to index
          %parallel_loop3A_233 = arith.constant 48 : index
          %parallel_loop3A_234 = tpu.vector_load %arg9[%parallel_loop3A_232, %parallel_loop3A_233] {strides = array<i32>} : memref<32x128xi32, #tpu.memory_space<vmem>>, vector<16xi32>,
          %parallel_loop3A_235 = tpu.vector_load_idx %arg6[%parallel_loop3A_234] : memref<100000xf32, #tpu.memory_space<vmem>>[vector<16xi32>], vector<16xf32>,
          %parallel_loop3A_236 = arith.index_cast %parallel_loop3A_198 : i32 to index
          %parallel_loop3A_237 = arith.constant 48 : index
          %parallel_loop3A_238 = tpu.vector_load %arg11[%parallel_loop3A_236, %parallel_loop3A_237] {strides = array<i32>} : memref<32x128xf32, #tpu.memory_space<vmem>>, vector<16xf32>,
          %parallel_loop3A_239 = arith.addf %parallel_loop3A_238, %parallel_loop3A_235 : vector<16xf32>
          %parallel_loop3A_240 = arith.index_cast %parallel_loop3A_198 : i32 to index
          %parallel_loop3A_241 = arith.constant 48 : index
          %parallel_loop3A_242 = tpu.vector_load %arg11[%parallel_loop3A_240, %parallel_loop3A_241] {strides = array<i32>} : memref<32x128xf32, #tpu.memory_space<vmem>>, vector<16xf32>,
          tpu.vector_store %arg11[%parallel_loop3A_240, %parallel_loop3A_241], %parallel_loop3A_239 {strides = array<i32>} : memref<32x128xf32, #tpu.memory_space<vmem>>, vector<16xf32>,
          %parallel_loop3A_243 = arith.index_cast %parallel_loop3A_198 : i32 to index
          %parallel_loop3A_244 = arith.constant 64 : index
          %parallel_loop3A_245 = tpu.vector_load %arg9[%parallel_loop3A_243, %parallel_loop3A_244] {strides = array<i32>} : memref<32x128xi32, #tpu.memory_space<vmem>>, vector<16xi32>,
          %parallel_loop3A_246 = tpu.vector_load_idx %arg6[%parallel_loop3A_245] : memref<100000xf32, #tpu.memory_space<vmem>>[vector<16xi32>], vector<16xf32>,
          %parallel_loop3A_247 = arith.index_cast %parallel_loop3A_198 : i32 to index
          %parallel_loop3A_248 = arith.constant 64 : index
          %parallel_loop3A_249 = tpu.vector_load %arg11[%parallel_loop3A_247, %parallel_loop3A_248] {strides = array<i32>} : memref<32x128xf32, #tpu.memory_space<vmem>>, vector<16xf32>,
          %parallel_loop3A_250 = arith.addf %parallel_loop3A_249, %parallel_loop3A_246 : vector<16xf32>
          %parallel_loop3A_251 = arith.index_cast %parallel_loop3A_198 : i32 to index
          %parallel_loop3A_252 = arith.constant 64 : index
          %parallel_loop3A_253 = tpu.vector_load %arg11[%parallel_loop3A_251, %parallel_loop3A_252] {strides = array<i32>} : memref<32x128xf32, #tpu.memory_space<vmem>>, vector<16xf32>,
          tpu.vector_store %arg11[%parallel_loop3A_251, %parallel_loop3A_252], %parallel_loop3A_250 {strides = array<i32>} : memref<32x128xf32, #tpu.memory_space<vmem>>, vector<16xf32>,
          %parallel_loop3A_254 = arith.index_cast %parallel_loop3A_198 : i32 to index
          %parallel_loop3A_255 = arith.constant 80 : index
          %parallel_loop3A_256 = tpu.vector_load %arg9[%parallel_loop3A_254, %parallel_loop3A_255] {strides = array<i32>} : memref<32x128xi32, #tpu.memory_space<vmem>>, vector<16xi32>,
          %parallel_loop3A_257 = tpu.vector_load_idx %arg6[%parallel_loop3A_256] : memref<100000xf32, #tpu.memory_space<vmem>>[vector<16xi32>], vector<16xf32>,
          %parallel_loop3A_258 = arith.index_cast %parallel_loop3A_198 : i32 to index
          %parallel_loop3A_259 = arith.constant 80 : index
          %parallel_loop3A_260 = tpu.vector_load %arg11[%parallel_loop3A_258, %parallel_loop3A_259] {strides = array<i32>} : memref<32x128xf32, #tpu.memory_space<vmem>>, vector<16xf32>,
          %parallel_loop3A_261 = arith.addf %parallel_loop3A_260, %parallel_loop3A_257 : vector<16xf32>
          %parallel_loop3A_262 = arith.index_cast %parallel_loop3A_198 : i32 to index
          %parallel_loop3A_263 = arith.constant 80 : index
          %parallel_loop3A_264 = tpu.vector_load %arg11[%parallel_loop3A_262, %parallel_loop3A_263] {strides = array<i32>} : memref<32x128xf32, #tpu.memory_space<vmem>>, vector<16xf32>,
          tpu.vector_store %arg11[%parallel_loop3A_262, %parallel_loop3A_263], %parallel_loop3A_261 {strides = array<i32>} : memref<32x128xf32, #tpu.memory_space<vmem>>, vector<16xf32>,
          %parallel_loop3A_265 = arith.index_cast %parallel_loop3A_198 : i32 to index
          %parallel_loop3A_266 = arith.constant 96 : index
          %parallel_loop3A_267 = tpu.vector_load %arg9[%parallel_loop3A_265, %parallel_loop3A_266] {strides = array<i32>} : memref<32x128xi32, #tpu.memory_space<vmem>>, vector<16xi32>,
          %parallel_loop3A_268 = tpu.vector_load_idx %arg6[%parallel_loop3A_267] : memref<100000xf32, #tpu.memory_space<vmem>>[vector<16xi32>], vector<16xf32>,
          %parallel_loop3A_269 = arith.index_cast %parallel_loop3A_198 : i32 to index
          %parallel_loop3A_270 = arith.constant 96 : index
          %parallel_loop3A_271 = tpu.vector_load %arg11[%parallel_loop3A_269, %parallel_loop3A_270] {strides = array<i32>} : memref<32x128xf32, #tpu.memory_space<vmem>>, vector<16xf32>,
          %parallel_loop3A_272 = arith.addf %parallel_loop3A_271, %parallel_loop3A_268 : vector<16xf32>
          %parallel_loop3A_273 = arith.index_cast %parallel_loop3A_198 : i32 to index
          %parallel_loop3A_274 = arith.constant 96 : index
          %parallel_loop3A_275 = tpu.vector_load %arg11[%parallel_loop3A_273, %parallel_loop3A_274] {strides = array<i32>} : memref<32x128xf32, #tpu.memory_space<vmem>>, vector<16xf32>,
          tpu.vector_store %arg11[%parallel_loop3A_273, %parallel_loop3A_274], %parallel_loop3A_272 {strides = array<i32>} : memref<32x128xf32, #tpu.memory_space<vmem>>, vector<16xf32>,
          %parallel_loop3A_276 = arith.index_cast %parallel_loop3A_198 : i32 to index
          %parallel_loop3A_277 = arith.constant 112 : index
          %parallel_loop3A_278 = tpu.vector_load %arg9[%parallel_loop3A_276, %parallel_loop3A_277] {strides = array<i32>} : memref<32x128xi32, #tpu.memory_space<vmem>>, vector<16xi32>,
          %parallel_loop3A_279 = tpu.vector_load_idx %arg6[%parallel_loop3A_278] : memref<100000xf32, #tpu.memory_space<vmem>>[vector<16xi32>], vector<16xf32>,
          %parallel_loop3A_280 = arith.index_cast %parallel_loop3A_198 : i32 to index
          %parallel_loop3A_281 = arith.constant 112 : index
          %parallel_loop3A_282 = tpu.vector_load %arg11[%parallel_loop3A_280, %parallel_loop3A_281] {strides = array<i32>} : memref<32x128xf32, #tpu.memory_space<vmem>>, vector<16xf32>,
          %parallel_loop3A_283 = arith.addf %parallel_loop3A_282, %parallel_loop3A_279 : vector<16xf32>
          %parallel_loop3A_284 = arith.index_cast %parallel_loop3A_198 : i32 to index
          %parallel_loop3A_285 = arith.constant 112 : index
          %parallel_loop3A_286 = tpu.vector_load %arg11[%parallel_loop3A_284, %parallel_loop3A_285] {strides = array<i32>} : memref<32x128xf32, #tpu.memory_space<vmem>>, vector<16xf32>,
          tpu.vector_store %arg11[%parallel_loop3A_284, %parallel_loop3A_285], %parallel_loop3A_283 {strides = array<i32>} : memref<32x128xf32, #tpu.memory_space<vmem>>, vector<16xf32>,
        } {sc.loop_unroll_factor = 4 : i64, sc.parallel_access}
        %mul3A_187 = arith.constant 8 : i32
        %mul3A_188 = arith.muli %add3A_148, %mul3A_187 : i32
        %add3A_189 = arith.addi %mul3A_188, %div3A_5 : i32
        %dma_start3A_190 = arith.constant 0 : i32
        %dma_start3A_191 = arith.constant 0 : i32
        %dma_start3A_192 = tpu.memref_slice %arg5[%add3A_189, %dma_start3A_190, %rem3A_6, %dma_start3A_191] : memref<1600x32x8x128xf32, #tpu.memory_space<hbm>> -> memref<1x32x1x128xf32, #tpu.memory_space<hbm>>
        %dma_start3A_193 = tpu.memref_squeeze %dma_start3A_192 : memref<1x32x1x128xf32, #tpu.memory_space<hbm>> -> memref<32x128xf32, #tpu.memory_space<hbm>>
        %dma_start3A_194 = arith.constant 0 : i32
        %dma_start3A_195 = arith.constant 0 : i32
        %dma_start3A_196 = tpu.memref_slice %arg5[%add3A_189, %dma_start3A_194, %rem3A_6, %dma_start3A_195] : memref<1600x32x8x128xf32, #tpu.memory_space<hbm>> -> memref<1x32x1x128xf32, #tpu.memory_space<hbm>>
        %dma_start3A_197 = tpu.memref_squeeze %dma_start3A_196 : memref<1x32x1x128xf32, #tpu.memory_space<hbm>> -> memref<32x128xf32, #tpu.memory_space<hbm>>
        tpu.enqueue_dma source(%arg11 : memref<32x128xf32, #tpu.memory_space<vmem>>) target(%dma_start3A_197 : memref<32x128xf32, #tpu.memory_space<hbm>>) target_semaphore(%arg17 : memref<!tpu.dma_semaphore, #tpu.memory_space<semaphore_mem>>)
      }
      %scan3A_78 = arith.constant 20 : i32
      %add3A_79 = arith.constant 40 : i32
      %add3A_80 = arith.addi %mul3A_39, %add3A_79 : i32
      %sub3A = arith.constant 1 : i32
      %sub3A_81 = arith.subi %add3A_80, %sub3A : i32
      %mul3A_82 = arith.constant 8 : i32
      %mul3A_83 = arith.muli %sub3A_81, %mul3A_82 : i32
      %add3A_84 = arith.addi %mul3A_83, %div3A_5 : i32
      %dma_wait3A = arith.constant 0 : i32
      %dma_wait3A_85 = arith.constant 0 : i32
      %dma_wait3A_86 = tpu.memref_slice %arg5[%add3A_84, %dma_wait3A, %rem3A_6, %dma_wait3A_85] : memref<1600x32x8x128xf32, #tpu.memory_space<hbm>> -> memref<1x32x1x128xf32, #tpu.memory_space<hbm>>
      %dma_wait3A_87 = tpu.memref_squeeze %dma_wait3A_86 : memref<1x32x1x128xf32, #tpu.memory_space<hbm>> -> memref<32x128xf32, #tpu.memory_space<hbm>>
      %dma_wait3A_88 = arith.constant 0 : i32
      %dma_wait3A_89 = arith.constant 0 : i32
      %dma_wait3A_90 = tpu.memref_slice %arg5[%add3A_84, %dma_wait3A_88, %rem3A_6, %dma_wait3A_89] : memref<1600x32x8x128xf32, #tpu.memory_space<hbm>> -> memref<1x32x1x128xf32, #tpu.memory_space<hbm>>
      %dma_wait3A_91 = tpu.memref_squeeze %dma_wait3A_90 : memref<1x32x1x128xf32, #tpu.memory_space<hbm>> -> memref<32x128xf32, #tpu.memory_space<hbm>>
      tpu.wait_dma2 semaphore(%arg17 : memref<!tpu.dma_semaphore, #tpu.memory_space<semaphore_mem>>) src(%arg11 : memref<32x128xf32, #tpu.memory_space<vmem>>) dst(%dma_wait3A_91 : memref<32x128xf32, #tpu.memory_space<hbm>>)
    }
    %scan3A_16 = arith.constant 5 : i32
    %mul3A_17 = arith.constant 2 : i32
    %mul3A_18 = arith.muli %add3A, %mul3A_17 : i32
    %add3A_19 = arith.constant 1 : i32
    %add3A_20 = arith.addi %mul3A_18, %add3A_19 : i32
    %div3A_21 = arith.constant 8 : i32
    %div3A_22 = arith.divsi %add3A_20, %div3A_21 : i32
    %rem3A_23 = arith.constant 8 : i32
    %rem3A_24 = arith.remsi %add3A_20, %rem3A_23 : i32
    %dma_start3A_25 = arith.constant 0 : i32
    %dma_start3A_26 = tpu.memref_slice %arg4[%add3A_20, %dma_start3A_25] : memref<64x100000xf32, #tpu.memory_space<hbm>> -> memref<1x100000xf32, #tpu.memory_space<hbm>>
    %dma_start3A_27 = tpu.memref_squeeze %dma_start3A_26 : memref<1x100000xf32, #tpu.memory_space<hbm>> -> memref<100000xf32, #tpu.memory_space<hbm>>
    %dma_start3A_28 = arith.constant 0 : i32
    %dma_start3A_29 = tpu.memref_slice %arg4[%add3A_20, %dma_start3A_28] : memref<64x100000xf32, #tpu.memory_space<hbm>> -> memref<1x100000xf32, #tpu.memory_space<hbm>>
    %dma_start3A_30 = tpu.memref_squeeze %dma_start3A_29 : memref<1x100000xf32, #tpu.memory_space<hbm>> -> memref<100000xf32, #tpu.memory_space<hbm>>
    tpu.enqueue_dma source(%dma_start3A_30 : memref<100000xf32, #tpu.memory_space<hbm>>) target(%arg6 : memref<100000xf32, #tpu.memory_space<vmem>>) target_semaphore(%arg18 : memref<!tpu.dma_semaphore, #tpu.memory_space<semaphore_mem>>)
    %scan3A_31 = arith.constant 0 : i32
    %scan3A_32 = arith.constant 0 : i32
    %scan3A_33 = arith.constant 5 : i32
    %scan3A_34 = arith.addi %scan3A_32, %scan3A_33 : i32
    %scan3A_35 = arith.constant 1 : i32
    scf.for %scan3A_37 = %scan3A_32 to %scan3A_34 step %scan3A_35  : i32 {
      %mul3A_38 = arith.constant 40 : i32
      %mul3A_39 = arith.muli %scan3A_37, %mul3A_38 : i32
      %barrier3A = arith.constant 0 : index
      tpu.barrier barrier_id(%barrier3A)
      %eq3A = arith.constant 0 : i32
      %eq3A_40 = arith.cmpi eq, %arg1, %eq3A : i32
      %convert_element_type3A = arith.extui %eq3A_40 : i1 to i32
      %cond3A = arith.constant 0 : i32
      %cond3A_41 = arith.cmpi ne, %convert_element_type3A, %cond3A : i32
      scf.if %cond3A_41 {
        %mul3A_92 = arith.constant 5 : i32
        %mul3A_93 = arith.muli %scan3A_37, %mul3A_92 : i32
        "tpu.region"() ({
          %run_scoped3A = tpu.sem_alloc : memref<!tpu.dma_semaphore, #tpu.memory_space<semaphore_mem>>
          %dma_start3A_94 = arith.constant 0 : i32
          %dma_start3A_95 = arith.constant 0 : i32
          %dma_start3A_96 = arith.constant 0 : i32
          %dma_start3A_97 = tpu.memref_slice %arg3[%mul3A_93, %dma_start3A_94, %dma_start3A_95, %dma_start3A_96] : memref<25x32x8x128xi32, #tpu.memory_space<hbm>> -> memref<5x32x8x128xi32, #tpu.memory_space<hbm>>
          tpu.enqueue_dma source(%dma_start3A_97 : memref<5x32x8x128xi32, #tpu.memory_space<hbm>>) target(%arg7 : memref<5x32x8x128xi32, #tpu.memory_space<vmem_shared>>) target_semaphore(%run_scoped3A : memref<!tpu.dma_semaphore, #tpu.memory_space<semaphore_mem>>)
          %dma_wait3A_98 = arith.constant 0 : i32
          %dma_wait3A_99 = arith.constant 0 : i32
          %dma_wait3A_100 = arith.constant 0 : i32
          %dma_wait3A_101 = tpu.memref_slice %arg3[%mul3A_93, %dma_wait3A_98, %dma_wait3A_99, %dma_wait3A_100] : memref<25x32x8x128xi32, #tpu.memory_space<hbm>> -> memref<5x32x8x128xi32, #tpu.memory_space<hbm>>
          tpu.wait_dma2 semaphore(%run_scoped3A : memref<!tpu.dma_semaphore, #tpu.memory_space<semaphore_mem>>) src(%dma_wait3A_101 : memref<5x32x8x128xi32, #tpu.memory_space<hbm>>) dst(%arg7 : memref<5x32x8x128xi32, #tpu.memory_space<vmem_shared>>)
          tpu.yield
        }) : () -> ()
      } else {
      }
      %barrier3A_42 = arith.constant 0 : index
      tpu.barrier barrier_id(%barrier3A_42)
      %div3A_43 = arith.constant 0 : i32
      %div3A_44 = arith.constant 8 : i32
      %div3A_45 = arith.divsi %div3A_43, %div3A_44 : i32
      %rem3A_46 = arith.constant 0 : i32
      %rem3A_47 = arith.constant 8 : i32
      %rem3A_48 = arith.remsi %rem3A_46, %rem3A_47 : i32
      %dma_start3A_49 = arith.constant 0 : i32
      %dma_start3A_50 = arith.constant 0 : i32
      %dma_start3A_51 = tpu.memref_slice %arg7[%div3A_45, %dma_start3A_49, %rem3A_48, %dma_start3A_50] : memref<5x32x8x128xi32, #tpu.memory_space<vmem_shared>> -> memref<1x32x1x128xi32, #tpu.memory_space<vmem_shared>>
      %dma_start3A_52 = tpu.memref_squeeze %dma_start3A_51 : memref<1x32x1x128xi32, #tpu.memory_space<vmem_shared>> -> memref<32x128xi32, #tpu.memory_space<vmem_shared>>
      %dma_start3A_53 = arith.constant 0 : i32
      %dma_start3A_54 = arith.constant 0 : i32
      %dma_start3A_55 = tpu.memref_slice %arg7[%div3A_45, %dma_start3A_53, %rem3A_48, %dma_start3A_54] : memref<5x32x8x128xi32, #tpu.memory_space<vmem_shared>> -> memref<1x32x1x128xi32, #tpu.memory_space<vmem_shared>>
      %dma_start3A_56 = tpu.memref_squeeze %dma_start3A_55 : memref<1x32x1x128xi32, #tpu.memory_space<vmem_shared>> -> memref<32x128xi32, #tpu.memory_space<vmem_shared>>
      tpu.enqueue_dma source(%dma_start3A_56 : memref<32x128xi32, #tpu.memory_space<vmem_shared>>) target(%arg8 : memref<32x128xi32, #tpu.memory_space<vmem>>) target_semaphore(%arg12 : memref<!tpu.dma_semaphore, #tpu.memory_space<semaphore_mem>>)
      %mul3A_57 = arith.constant 8 : i32
      %mul3A_58 = arith.muli %mul3A_39, %mul3A_57 : i32
      %add3A_59 = arith.addi %mul3A_58, %div3A_22 : i32
      %dma_start3A_60 = arith.constant 0 : i32
      %dma_start3A_61 = arith.constant 0 : i32
      %dma_start3A_62 = tpu.memref_slice %arg2[%add3A_59, %dma_start3A_60, %rem3A_24, %dma_start3A_61] : memref<1600x32x8x128xf32, #tpu.memory_space<hbm>> -> memref<1x32x1x128xf32, #tpu.memory_space<hbm>>
      %dma_start3A_63 = tpu.memref_squeeze %dma_start3A_62 : memref<1x32x1x128xf32, #tpu.memory_space<hbm>> -> memref<32x128xf32, #tpu.memory_space<hbm>>
      %dma_start3A_64 = arith.constant 0 : i32
      %dma_start3A_65 = arith.constant 0 : i32
      %dma_start3A_66 = tpu.memref_slice %arg2[%add3A_59, %dma_start3A_64, %rem3A_24, %dma_start3A_65] : memref<1600x32x8x128xf32, #tpu.memory_space<hbm>> -> memref<1x32x1x128xf32, #tpu.memory_space<hbm>>
      %dma_start3A_67 = tpu.memref_squeeze %dma_start3A_66 : memref<1x32x1x128xf32, #tpu.memory_space<hbm>> -> memref<32x128xf32, #tpu.memory_space<hbm>>
      tpu.enqueue_dma source(%dma_start3A_67 : memref<32x128xf32, #tpu.memory_space<hbm>>) target(%arg10 : memref<32x128xf32, #tpu.memory_space<vmem>>) target_semaphore(%arg14 : memref<!tpu.dma_semaphore, #tpu.memory_space<semaphore_mem>>)
      %eq3A_68 = arith.constant 0 : i32
      %eq3A_69 = arith.cmpi eq, %scan3A_37, %eq3A_68 : i32
      %convert_element_type3A_70 = arith.extui %eq3A_69 : i1 to i32
      %cond3A_71 = arith.constant 0 : i32
      %cond3A_72 = arith.cmpi ne, %convert_element_type3A_70, %cond3A_71 : i32
      scf.if %cond3A_72 {
        %dma_wait3A_92 = arith.constant 0 : i32
        %dma_wait3A_93 = tpu.memref_slice %arg4[%add3A_20, %dma_wait3A_92] : memref<64x100000xf32, #tpu.memory_space<hbm>> -> memref<1x100000xf32, #tpu.memory_space<hbm>>
        %dma_wait3A_94 = tpu.memref_squeeze %dma_wait3A_93 : memref<1x100000xf32, #tpu.memory_space<hbm>> -> memref<100000xf32, #tpu.memory_space<hbm>>
        %dma_wait3A_95 = arith.constant 0 : i32
        %dma_wait3A_96 = tpu.memref_slice %arg4[%add3A_20, %dma_wait3A_95] : memref<64x100000xf32, #tpu.memory_space<hbm>> -> memref<1x100000xf32, #tpu.memory_space<hbm>>
        %dma_wait3A_97 = tpu.memref_squeeze %dma_wait3A_96 : memref<1x100000xf32, #tpu.memory_space<hbm>> -> memref<100000xf32, #tpu.memory_space<hbm>>
        tpu.wait_dma2 semaphore(%arg18 : memref<!tpu.dma_semaphore, #tpu.memory_space<semaphore_mem>>) src(%dma_wait3A_97 : memref<100000xf32, #tpu.memory_space<hbm>>) dst(%arg6 : memref<100000xf32, #tpu.memory_space<vmem>>)
      } else {
      }
      %scan3A_73 = arith.constant 0 : i32
      %scan3A_74 = arith.constant 0 : i32
      %scan3A_75 = arith.constant 20 : i32
      %scan3A_76 = arith.addi %scan3A_74, %scan3A_75 : i32
      %scan3A_77 = arith.constant 1 : i32
      scf.for %scan3A_92 = %scan3A_74 to %scan3A_76 step %scan3A_77  : i32 {
        %mul3A_93 = arith.constant 2 : i32
        %mul3A_94 = arith.muli %mul3A_93, %scan3A_92 : i32
        %add3A_95 = arith.constant 0 : i32
        %add3A_96 = arith.addi %mul3A_94, %add3A_95 : i32
        %add3A_97 = arith.addi %mul3A_39, %add3A_96 : i32
        %div3A_98 = arith.constant 8 : i32
        %div3A_99 = arith.divsi %add3A_96, %div3A_98 : i32
        %rem3A_100 = arith.constant 8 : i32
        %rem3A_101 = arith.remsi %add3A_96, %rem3A_100 : i32
        %dma_wait3A_102 = arith.constant 0 : i32
        %dma_wait3A_103 = arith.constant 0 : i32
        %dma_wait3A_104 = tpu.memref_slice %arg7[%div3A_99, %dma_wait3A_102, %rem3A_101, %dma_wait3A_103] : memref<5x32x8x128xi32, #tpu.memory_space<vmem_shared>> -> memref<1x32x1x128xi32, #tpu.memory_space<vmem_shared>>
        %dma_wait3A_105 = tpu.memref_squeeze %dma_wait3A_104 : memref<1x32x1x128xi32, #tpu.memory_space<vmem_shared>> -> memref<32x128xi32, #tpu.memory_space<vmem_shared>>
        %dma_wait3A_106 = arith.constant 0 : i32
        %dma_wait3A_107 = arith.constant 0 : i32
        %dma_wait3A_108 = tpu.memref_slice %arg7[%div3A_99, %dma_wait3A_106, %rem3A_101, %dma_wait3A_107] : memref<5x32x8x128xi32, #tpu.memory_space<vmem_shared>> -> memref<1x32x1x128xi32, #tpu.memory_space<vmem_shared>>
        %dma_wait3A_109 = tpu.memref_squeeze %dma_wait3A_108 : memref<1x32x1x128xi32, #tpu.memory_space<vmem_shared>> -> memref<32x128xi32, #tpu.memory_space<vmem_shared>>
        tpu.wait_dma2 semaphore(%arg12 : memref<!tpu.dma_semaphore, #tpu.memory_space<semaphore_mem>>) src(%dma_wait3A_109 : memref<32x128xi32, #tpu.memory_space<vmem_shared>>) dst(%arg8 : memref<32x128xi32, #tpu.memory_space<vmem>>)
        %mul3A_110 = arith.constant 8 : i32
        %mul3A_111 = arith.muli %add3A_97, %mul3A_110 : i32
        %add3A_112 = arith.addi %mul3A_111, %div3A_22 : i32
        %dma_wait3A_113 = arith.constant 0 : i32
        %dma_wait3A_114 = arith.constant 0 : i32
        %dma_wait3A_115 = tpu.memref_slice %arg2[%add3A_112, %dma_wait3A_113, %rem3A_24, %dma_wait3A_114] : memref<1600x32x8x128xf32, #tpu.memory_space<hbm>> -> memref<1x32x1x128xf32, #tpu.memory_space<hbm>>
        %dma_wait3A_116 = tpu.memref_squeeze %dma_wait3A_115 : memref<1x32x1x128xf32, #tpu.memory_space<hbm>> -> memref<32x128xf32, #tpu.memory_space<hbm>>
        %dma_wait3A_117 = arith.constant 0 : i32
        %dma_wait3A_118 = arith.constant 0 : i32
        %dma_wait3A_119 = tpu.memref_slice %arg2[%add3A_112, %dma_wait3A_117, %rem3A_24, %dma_wait3A_118] : memref<1600x32x8x128xf32, #tpu.memory_space<hbm>> -> memref<1x32x1x128xf32, #tpu.memory_space<hbm>>
        %dma_wait3A_120 = tpu.memref_squeeze %dma_wait3A_119 : memref<1x32x1x128xf32, #tpu.memory_space<hbm>> -> memref<32x128xf32, #tpu.memory_space<hbm>>
        tpu.wait_dma2 semaphore(%arg14 : memref<!tpu.dma_semaphore, #tpu.memory_space<semaphore_mem>>) src(%dma_wait3A_120 : memref<32x128xf32, #tpu.memory_space<hbm>>) dst(%arg10 : memref<32x128xf32, #tpu.memory_space<vmem>>)
        %gt3A = arith.constant 0 : i32
        %gt3A_121 = arith.cmpi sgt, %add3A_96, %gt3A : i32
        %convert_element_type3A_122 = arith.extui %gt3A_121 : i1 to i32
        %cond3A_123 = arith.constant 0 : i32
        %cond3A_124 = arith.cmpi ne, %convert_element_type3A_122, %cond3A_123 : i32
        scf.if %cond3A_124 {
          %sub3A_198 = arith.constant 1 : i32
          %sub3A_199 = arith.subi %add3A_97, %sub3A_198 : i32
          %mul3A_200 = arith.constant 8 : i32
          %mul3A_201 = arith.muli %sub3A_199, %mul3A_200 : i32
          %add3A_202 = arith.addi %mul3A_201, %div3A_22 : i32
          %dma_wait3A_203 = arith.constant 0 : i32
          %dma_wait3A_204 = arith.constant 0 : i32
          %dma_wait3A_205 = tpu.memref_slice %arg5[%add3A_202, %dma_wait3A_203, %rem3A_24, %dma_wait3A_204] : memref<1600x32x8x128xf32, #tpu.memory_space<hbm>> -> memref<1x32x1x128xf32, #tpu.memory_space<hbm>>
          %dma_wait3A_206 = tpu.memref_squeeze %dma_wait3A_205 : memref<1x32x1x128xf32, #tpu.memory_space<hbm>> -> memref<32x128xf32, #tpu.memory_space<hbm>>
          %dma_wait3A_207 = arith.constant 0 : i32
          %dma_wait3A_208 = arith.constant 0 : i32
          %dma_wait3A_209 = tpu.memref_slice %arg5[%add3A_202, %dma_wait3A_207, %rem3A_24, %dma_wait3A_208] : memref<1600x32x8x128xf32, #tpu.memory_space<hbm>> -> memref<1x32x1x128xf32, #tpu.memory_space<hbm>>
          %dma_wait3A_210 = tpu.memref_squeeze %dma_wait3A_209 : memref<1x32x1x128xf32, #tpu.memory_space<hbm>> -> memref<32x128xf32, #tpu.memory_space<hbm>>
          tpu.wait_dma2 semaphore(%arg17 : memref<!tpu.dma_semaphore, #tpu.memory_space<semaphore_mem>>) src(%arg11 : memref<32x128xf32, #tpu.memory_space<vmem>>) dst(%dma_wait3A_210 : memref<32x128xf32, #tpu.memory_space<hbm>>)
        } else {
        }
        %add3A_125 = arith.constant 1 : i32
        %add3A_126 = arith.addi %add3A_96, %add3A_125 : i32
        %lt3A = arith.constant 40 : i32
        %lt3A_127 = arith.cmpi slt, %add3A_126, %lt3A : i32
        %convert_element_type3A_128 = arith.extui %lt3A_127 : i1 to i32
        %cond3A_129 = arith.constant 0 : i32
        %cond3A_130 = arith.cmpi ne, %convert_element_type3A_128, %cond3A_129 : i32
        scf.if %cond3A_130 {
          %add3A_198 = arith.constant 1 : i32
          %add3A_199 = arith.addi %add3A_96, %add3A_198 : i32
          %div3A_200 = arith.constant 8 : i32
          %div3A_201 = arith.divsi %add3A_199, %div3A_200 : i32
          %rem3A_202 = arith.constant 8 : i32
          %rem3A_203 = arith.remsi %add3A_199, %rem3A_202 : i32
          %dma_start3A_204 = arith.constant 0 : i32
          %dma_start3A_205 = arith.constant 0 : i32
          %dma_start3A_206 = tpu.memref_slice %arg7[%div3A_201, %dma_start3A_204, %rem3A_203, %dma_start3A_205] : memref<5x32x8x128xi32, #tpu.memory_space<vmem_shared>> -> memref<1x32x1x128xi32, #tpu.memory_space<vmem_shared>>
          %dma_start3A_207 = tpu.memref_squeeze %dma_start3A_206 : memref<1x32x1x128xi32, #tpu.memory_space<vmem_shared>> -> memref<32x128xi32, #tpu.memory_space<vmem_shared>>
          %dma_start3A_208 = arith.constant 0 : i32
          %dma_start3A_209 = arith.constant 0 : i32
          %dma_start3A_210 = tpu.memref_slice %arg7[%div3A_201, %dma_start3A_208, %rem3A_203, %dma_start3A_209] : memref<5x32x8x128xi32, #tpu.memory_space<vmem_shared>> -> memref<1x32x1x128xi32, #tpu.memory_space<vmem_shared>>
          %dma_start3A_211 = tpu.memref_squeeze %dma_start3A_210 : memref<1x32x1x128xi32, #tpu.memory_space<vmem_shared>> -> memref<32x128xi32, #tpu.memory_space<vmem_shared>>
          tpu.enqueue_dma source(%dma_start3A_211 : memref<32x128xi32, #tpu.memory_space<vmem_shared>>) target(%arg9 : memref<32x128xi32, #tpu.memory_space<vmem>>) target_semaphore(%arg13 : memref<!tpu.dma_semaphore, #tpu.memory_space<semaphore_mem>>)
          %add3A_212 = arith.constant 1 : i32
          %add3A_213 = arith.addi %add3A_97, %add3A_212 : i32
          %mul3A_214 = arith.constant 8 : i32
          %mul3A_215 = arith.muli %add3A_213, %mul3A_214 : i32
          %add3A_216 = arith.addi %mul3A_215, %div3A_22 : i32
          %dma_start3A_217 = arith.constant 0 : i32
          %dma_start3A_218 = arith.constant 0 : i32
          %dma_start3A_219 = tpu.memref_slice %arg2[%add3A_216, %dma_start3A_217, %rem3A_24, %dma_start3A_218] : memref<1600x32x8x128xf32, #tpu.memory_space<hbm>> -> memref<1x32x1x128xf32, #tpu.memory_space<hbm>>
          %dma_start3A_220 = tpu.memref_squeeze %dma_start3A_219 : memref<1x32x1x128xf32, #tpu.memory_space<hbm>> -> memref<32x128xf32, #tpu.memory_space<hbm>>
          %dma_start3A_221 = arith.constant 0 : i32
          %dma_start3A_222 = arith.constant 0 : i32
          %dma_start3A_223 = tpu.memref_slice %arg2[%add3A_216, %dma_start3A_221, %rem3A_24, %dma_start3A_222] : memref<1600x32x8x128xf32, #tpu.memory_space<hbm>> -> memref<1x32x1x128xf32, #tpu.memory_space<hbm>>
          %dma_start3A_224 = tpu.memref_squeeze %dma_start3A_223 : memref<1x32x1x128xf32, #tpu.memory_space<hbm>> -> memref<32x128xf32, #tpu.memory_space<hbm>>
          tpu.enqueue_dma source(%dma_start3A_224 : memref<32x128xf32, #tpu.memory_space<hbm>>) target(%arg11 : memref<32x128xf32, #tpu.memory_space<vmem>>) target_semaphore(%arg15 : memref<!tpu.dma_semaphore, #tpu.memory_space<semaphore_mem>>)
        } else {
        }
        %parallel_loop3A = arith.constant 0 : i32
        %parallel_loop3A_131 = arith.constant 32 : i32
        %parallel_loop3A_132 = arith.constant 1 : i32
        scf.for %parallel_loop3A_198 = %parallel_loop3A to %parallel_loop3A_131 step %parallel_loop3A_132  : i32 {
          %parallel_loop3A_199 = arith.index_cast %parallel_loop3A_198 : i32 to index
          %parallel_loop3A_200 = arith.constant 0 : index
          %parallel_loop3A_201 = tpu.vector_load %arg8[%parallel_loop3A_199, %parallel_loop3A_200] {strides = array<i32>} : memref<32x128xi32, #tpu.memory_space<vmem>>, vector<16xi32>,
          %parallel_loop3A_202 = tpu.vector_load_idx %arg6[%parallel_loop3A_201] : memref<100000xf32, #tpu.memory_space<vmem>>[vector<16xi32>], vector<16xf32>,
          %parallel_loop3A_203 = arith.index_cast %parallel_loop3A_198 : i32 to index
          %parallel_loop3A_204 = arith.constant 0 : index
          %parallel_loop3A_205 = tpu.vector_load %arg10[%parallel_loop3A_203, %parallel_loop3A_204] {strides = array<i32>} : memref<32x128xf32, #tpu.memory_space<vmem>>, vector<16xf32>,
          %parallel_loop3A_206 = arith.addf %parallel_loop3A_205, %parallel_loop3A_202 : vector<16xf32>
          %parallel_loop3A_207 = arith.index_cast %parallel_loop3A_198 : i32 to index
          %parallel_loop3A_208 = arith.constant 0 : index
          %parallel_loop3A_209 = tpu.vector_load %arg10[%parallel_loop3A_207, %parallel_loop3A_208] {strides = array<i32>} : memref<32x128xf32, #tpu.memory_space<vmem>>, vector<16xf32>,
          tpu.vector_store %arg10[%parallel_loop3A_207, %parallel_loop3A_208], %parallel_loop3A_206 {strides = array<i32>} : memref<32x128xf32, #tpu.memory_space<vmem>>, vector<16xf32>,
          %parallel_loop3A_210 = arith.index_cast %parallel_loop3A_198 : i32 to index
          %parallel_loop3A_211 = arith.constant 16 : index
          %parallel_loop3A_212 = tpu.vector_load %arg8[%parallel_loop3A_210, %parallel_loop3A_211] {strides = array<i32>} : memref<32x128xi32, #tpu.memory_space<vmem>>, vector<16xi32>,
          %parallel_loop3A_213 = tpu.vector_load_idx %arg6[%parallel_loop3A_212] : memref<100000xf32, #tpu.memory_space<vmem>>[vector<16xi32>], vector<16xf32>,
          %parallel_loop3A_214 = arith.index_cast %parallel_loop3A_198 : i32 to index
          %parallel_loop3A_215 = arith.constant 16 : index
          %parallel_loop3A_216 = tpu.vector_load %arg10[%parallel_loop3A_214, %parallel_loop3A_215] {strides = array<i32>} : memref<32x128xf32, #tpu.memory_space<vmem>>, vector<16xf32>,
          %parallel_loop3A_217 = arith.addf %parallel_loop3A_216, %parallel_loop3A_213 : vector<16xf32>
          %parallel_loop3A_218 = arith.index_cast %parallel_loop3A_198 : i32 to index
          %parallel_loop3A_219 = arith.constant 16 : index
          %parallel_loop3A_220 = tpu.vector_load %arg10[%parallel_loop3A_218, %parallel_loop3A_219] {strides = array<i32>} : memref<32x128xf32, #tpu.memory_space<vmem>>, vector<16xf32>,
          tpu.vector_store %arg10[%parallel_loop3A_218, %parallel_loop3A_219], %parallel_loop3A_217 {strides = array<i32>} : memref<32x128xf32, #tpu.memory_space<vmem>>, vector<16xf32>,
          %parallel_loop3A_221 = arith.index_cast %parallel_loop3A_198 : i32 to index
          %parallel_loop3A_222 = arith.constant 32 : index
          %parallel_loop3A_223 = tpu.vector_load %arg8[%parallel_loop3A_221, %parallel_loop3A_222] {strides = array<i32>} : memref<32x128xi32, #tpu.memory_space<vmem>>, vector<16xi32>,
          %parallel_loop3A_224 = tpu.vector_load_idx %arg6[%parallel_loop3A_223] : memref<100000xf32, #tpu.memory_space<vmem>>[vector<16xi32>], vector<16xf32>,
          %parallel_loop3A_225 = arith.index_cast %parallel_loop3A_198 : i32 to index
          %parallel_loop3A_226 = arith.constant 32 : index
          %parallel_loop3A_227 = tpu.vector_load %arg10[%parallel_loop3A_225, %parallel_loop3A_226] {strides = array<i32>} : memref<32x128xf32, #tpu.memory_space<vmem>>, vector<16xf32>,
          %parallel_loop3A_228 = arith.addf %parallel_loop3A_227, %parallel_loop3A_224 : vector<16xf32>
          %parallel_loop3A_229 = arith.index_cast %parallel_loop3A_198 : i32 to index
          %parallel_loop3A_230 = arith.constant 32 : index
          %parallel_loop3A_231 = tpu.vector_load %arg10[%parallel_loop3A_229, %parallel_loop3A_230] {strides = array<i32>} : memref<32x128xf32, #tpu.memory_space<vmem>>, vector<16xf32>,
          tpu.vector_store %arg10[%parallel_loop3A_229, %parallel_loop3A_230], %parallel_loop3A_228 {strides = array<i32>} : memref<32x128xf32, #tpu.memory_space<vmem>>, vector<16xf32>,
          %parallel_loop3A_232 = arith.index_cast %parallel_loop3A_198 : i32 to index
          %parallel_loop3A_233 = arith.constant 48 : index
          %parallel_loop3A_234 = tpu.vector_load %arg8[%parallel_loop3A_232, %parallel_loop3A_233] {strides = array<i32>} : memref<32x128xi32, #tpu.memory_space<vmem>>, vector<16xi32>,
          %parallel_loop3A_235 = tpu.vector_load_idx %arg6[%parallel_loop3A_234] : memref<100000xf32, #tpu.memory_space<vmem>>[vector<16xi32>], vector<16xf32>,
          %parallel_loop3A_236 = arith.index_cast %parallel_loop3A_198 : i32 to index
          %parallel_loop3A_237 = arith.constant 48 : index
          %parallel_loop3A_238 = tpu.vector_load %arg10[%parallel_loop3A_236, %parallel_loop3A_237] {strides = array<i32>} : memref<32x128xf32, #tpu.memory_space<vmem>>, vector<16xf32>,
          %parallel_loop3A_239 = arith.addf %parallel_loop3A_238, %parallel_loop3A_235 : vector<16xf32>
          %parallel_loop3A_240 = arith.index_cast %parallel_loop3A_198 : i32 to index
          %parallel_loop3A_241 = arith.constant 48 : index
          %parallel_loop3A_242 = tpu.vector_load %arg10[%parallel_loop3A_240, %parallel_loop3A_241] {strides = array<i32>} : memref<32x128xf32, #tpu.memory_space<vmem>>, vector<16xf32>,
          tpu.vector_store %arg10[%parallel_loop3A_240, %parallel_loop3A_241], %parallel_loop3A_239 {strides = array<i32>} : memref<32x128xf32, #tpu.memory_space<vmem>>, vector<16xf32>,
          %parallel_loop3A_243 = arith.index_cast %parallel_loop3A_198 : i32 to index
          %parallel_loop3A_244 = arith.constant 64 : index
          %parallel_loop3A_245 = tpu.vector_load %arg8[%parallel_loop3A_243, %parallel_loop3A_244] {strides = array<i32>} : memref<32x128xi32, #tpu.memory_space<vmem>>, vector<16xi32>,
          %parallel_loop3A_246 = tpu.vector_load_idx %arg6[%parallel_loop3A_245] : memref<100000xf32, #tpu.memory_space<vmem>>[vector<16xi32>], vector<16xf32>,
          %parallel_loop3A_247 = arith.index_cast %parallel_loop3A_198 : i32 to index
          %parallel_loop3A_248 = arith.constant 64 : index
          %parallel_loop3A_249 = tpu.vector_load %arg10[%parallel_loop3A_247, %parallel_loop3A_248] {strides = array<i32>} : memref<32x128xf32, #tpu.memory_space<vmem>>, vector<16xf32>,
          %parallel_loop3A_250 = arith.addf %parallel_loop3A_249, %parallel_loop3A_246 : vector<16xf32>
          %parallel_loop3A_251 = arith.index_cast %parallel_loop3A_198 : i32 to index
          %parallel_loop3A_252 = arith.constant 64 : index
          %parallel_loop3A_253 = tpu.vector_load %arg10[%parallel_loop3A_251, %parallel_loop3A_252] {strides = array<i32>} : memref<32x128xf32, #tpu.memory_space<vmem>>, vector<16xf32>,
          tpu.vector_store %arg10[%parallel_loop3A_251, %parallel_loop3A_252], %parallel_loop3A_250 {strides = array<i32>} : memref<32x128xf32, #tpu.memory_space<vmem>>, vector<16xf32>,
          %parallel_loop3A_254 = arith.index_cast %parallel_loop3A_198 : i32 to index
          %parallel_loop3A_255 = arith.constant 80 : index
          %parallel_loop3A_256 = tpu.vector_load %arg8[%parallel_loop3A_254, %parallel_loop3A_255] {strides = array<i32>} : memref<32x128xi32, #tpu.memory_space<vmem>>, vector<16xi32>,
          %parallel_loop3A_257 = tpu.vector_load_idx %arg6[%parallel_loop3A_256] : memref<100000xf32, #tpu.memory_space<vmem>>[vector<16xi32>], vector<16xf32>,
          %parallel_loop3A_258 = arith.index_cast %parallel_loop3A_198 : i32 to index
          %parallel_loop3A_259 = arith.constant 80 : index
          %parallel_loop3A_260 = tpu.vector_load %arg10[%parallel_loop3A_258, %parallel_loop3A_259] {strides = array<i32>} : memref<32x128xf32, #tpu.memory_space<vmem>>, vector<16xf32>,
          %parallel_loop3A_261 = arith.addf %parallel_loop3A_260, %parallel_loop3A_257 : vector<16xf32>
          %parallel_loop3A_262 = arith.index_cast %parallel_loop3A_198 : i32 to index
          %parallel_loop3A_263 = arith.constant 80 : index
          %parallel_loop3A_264 = tpu.vector_load %arg10[%parallel_loop3A_262, %parallel_loop3A_263] {strides = array<i32>} : memref<32x128xf32, #tpu.memory_space<vmem>>, vector<16xf32>,
          tpu.vector_store %arg10[%parallel_loop3A_262, %parallel_loop3A_263], %parallel_loop3A_261 {strides = array<i32>} : memref<32x128xf32, #tpu.memory_space<vmem>>, vector<16xf32>,
          %parallel_loop3A_265 = arith.index_cast %parallel_loop3A_198 : i32 to index
          %parallel_loop3A_266 = arith.constant 96 : index
          %parallel_loop3A_267 = tpu.vector_load %arg8[%parallel_loop3A_265, %parallel_loop3A_266] {strides = array<i32>} : memref<32x128xi32, #tpu.memory_space<vmem>>, vector<16xi32>,
          %parallel_loop3A_268 = tpu.vector_load_idx %arg6[%parallel_loop3A_267] : memref<100000xf32, #tpu.memory_space<vmem>>[vector<16xi32>], vector<16xf32>,
          %parallel_loop3A_269 = arith.index_cast %parallel_loop3A_198 : i32 to index
          %parallel_loop3A_270 = arith.constant 96 : index
          %parallel_loop3A_271 = tpu.vector_load %arg10[%parallel_loop3A_269, %parallel_loop3A_270] {strides = array<i32>} : memref<32x128xf32, #tpu.memory_space<vmem>>, vector<16xf32>,
          %parallel_loop3A_272 = arith.addf %parallel_loop3A_271, %parallel_loop3A_268 : vector<16xf32>
          %parallel_loop3A_273 = arith.index_cast %parallel_loop3A_198 : i32 to index
          %parallel_loop3A_274 = arith.constant 96 : index
          %parallel_loop3A_275 = tpu.vector_load %arg10[%parallel_loop3A_273, %parallel_loop3A_274] {strides = array<i32>} : memref<32x128xf32, #tpu.memory_space<vmem>>, vector<16xf32>,
          tpu.vector_store %arg10[%parallel_loop3A_273, %parallel_loop3A_274], %parallel_loop3A_272 {strides = array<i32>} : memref<32x128xf32, #tpu.memory_space<vmem>>, vector<16xf32>,
          %parallel_loop3A_276 = arith.index_cast %parallel_loop3A_198 : i32 to index
          %parallel_loop3A_277 = arith.constant 112 : index
          %parallel_loop3A_278 = tpu.vector_load %arg8[%parallel_loop3A_276, %parallel_loop3A_277] {strides = array<i32>} : memref<32x128xi32, #tpu.memory_space<vmem>>, vector<16xi32>,
          %parallel_loop3A_279 = tpu.vector_load_idx %arg6[%parallel_loop3A_278] : memref<100000xf32, #tpu.memory_space<vmem>>[vector<16xi32>], vector<16xf32>,
          %parallel_loop3A_280 = arith.index_cast %parallel_loop3A_198 : i32 to index
          %parallel_loop3A_281 = arith.constant 112 : index
          %parallel_loop3A_282 = tpu.vector_load %arg10[%parallel_loop3A_280, %parallel_loop3A_281] {strides = array<i32>} : memref<32x128xf32, #tpu.memory_space<vmem>>, vector<16xf32>,
          %parallel_loop3A_283 = arith.addf %parallel_loop3A_282, %parallel_loop3A_279 : vector<16xf32>
          %parallel_loop3A_284 = arith.index_cast %parallel_loop3A_198 : i32 to index
          %parallel_loop3A_285 = arith.constant 112 : index
          %parallel_loop3A_286 = tpu.vector_load %arg10[%parallel_loop3A_284, %parallel_loop3A_285] {strides = array<i32>} : memref<32x128xf32, #tpu.memory_space<vmem>>, vector<16xf32>,
          tpu.vector_store %arg10[%parallel_loop3A_284, %parallel_loop3A_285], %parallel_loop3A_283 {strides = array<i32>} : memref<32x128xf32, #tpu.memory_space<vmem>>, vector<16xf32>,
        } {sc.loop_unroll_factor = 4 : i64, sc.parallel_access}
        %mul3A_133 = arith.constant 8 : i32
        %mul3A_134 = arith.muli %add3A_97, %mul3A_133 : i32
        %add3A_135 = arith.addi %mul3A_134, %div3A_22 : i32
        %dma_start3A_136 = arith.constant 0 : i32
        %dma_start3A_137 = arith.constant 0 : i32
        %dma_start3A_138 = tpu.memref_slice %arg5[%add3A_135, %dma_start3A_136, %rem3A_24, %dma_start3A_137] : memref<1600x32x8x128xf32, #tpu.memory_space<hbm>> -> memref<1x32x1x128xf32, #tpu.memory_space<hbm>>
        %dma_start3A_139 = tpu.memref_squeeze %dma_start3A_138 : memref<1x32x1x128xf32, #tpu.memory_space<hbm>> -> memref<32x128xf32, #tpu.memory_space<hbm>>
        %dma_start3A_140 = arith.constant 0 : i32
        %dma_start3A_141 = arith.constant 0 : i32
        %dma_start3A_142 = tpu.memref_slice %arg5[%add3A_135, %dma_start3A_140, %rem3A_24, %dma_start3A_141] : memref<1600x32x8x128xf32, #tpu.memory_space<hbm>> -> memref<1x32x1x128xf32, #tpu.memory_space<hbm>>
        %dma_start3A_143 = tpu.memref_squeeze %dma_start3A_142 : memref<1x32x1x128xf32, #tpu.memory_space<hbm>> -> memref<32x128xf32, #tpu.memory_space<hbm>>
        tpu.enqueue_dma source(%arg10 : memref<32x128xf32, #tpu.memory_space<vmem>>) target(%dma_start3A_143 : memref<32x128xf32, #tpu.memory_space<hbm>>) target_semaphore(%arg16 : memref<!tpu.dma_semaphore, #tpu.memory_space<semaphore_mem>>)
        %mul3A_144 = arith.constant 2 : i32
        %mul3A_145 = arith.muli %mul3A_144, %scan3A_92 : i32
        %add3A_146 = arith.constant 1 : i32
        %add3A_147 = arith.addi %mul3A_145, %add3A_146 : i32
        %add3A_148 = arith.addi %mul3A_39, %add3A_147 : i32
        %div3A_149 = arith.constant 8 : i32
        %div3A_150 = arith.divsi %add3A_147, %div3A_149 : i32
        %rem3A_151 = arith.constant 8 : i32
        %rem3A_152 = arith.remsi %add3A_147, %rem3A_151 : i32
        %dma_wait3A_153 = arith.constant 0 : i32
        %dma_wait3A_154 = arith.constant 0 : i32
        %dma_wait3A_155 = tpu.memref_slice %arg7[%div3A_150, %dma_wait3A_153, %rem3A_152, %dma_wait3A_154] : memref<5x32x8x128xi32, #tpu.memory_space<vmem_shared>> -> memref<1x32x1x128xi32, #tpu.memory_space<vmem_shared>>
        %dma_wait3A_156 = tpu.memref_squeeze %dma_wait3A_155 : memref<1x32x1x128xi32, #tpu.memory_space<vmem_shared>> -> memref<32x128xi32, #tpu.memory_space<vmem_shared>>
        %dma_wait3A_157 = arith.constant 0 : i32
        %dma_wait3A_158 = arith.constant 0 : i32
        %dma_wait3A_159 = tpu.memref_slice %arg7[%div3A_150, %dma_wait3A_157, %rem3A_152, %dma_wait3A_158] : memref<5x32x8x128xi32, #tpu.memory_space<vmem_shared>> -> memref<1x32x1x128xi32, #tpu.memory_space<vmem_shared>>
        %dma_wait3A_160 = tpu.memref_squeeze %dma_wait3A_159 : memref<1x32x1x128xi32, #tpu.memory_space<vmem_shared>> -> memref<32x128xi32, #tpu.memory_space<vmem_shared>>
        tpu.wait_dma2 semaphore(%arg13 : memref<!tpu.dma_semaphore, #tpu.memory_space<semaphore_mem>>) src(%dma_wait3A_160 : memref<32x128xi32, #tpu.memory_space<vmem_shared>>) dst(%arg9 : memref<32x128xi32, #tpu.memory_space<vmem>>)
        %mul3A_161 = arith.constant 8 : i32
        %mul3A_162 = arith.muli %add3A_148, %mul3A_161 : i32
        %add3A_163 = arith.addi %mul3A_162, %div3A_22 : i32
        %dma_wait3A_164 = arith.constant 0 : i32
        %dma_wait3A_165 = arith.constant 0 : i32
        %dma_wait3A_166 = tpu.memref_slice %arg2[%add3A_163, %dma_wait3A_164, %rem3A_24, %dma_wait3A_165] : memref<1600x32x8x128xf32, #tpu.memory_space<hbm>> -> memref<1x32x1x128xf32, #tpu.memory_space<hbm>>
        %dma_wait3A_167 = tpu.memref_squeeze %dma_wait3A_166 : memref<1x32x1x128xf32, #tpu.memory_space<hbm>> -> memref<32x128xf32, #tpu.memory_space<hbm>>
        %dma_wait3A_168 = arith.constant 0 : i32
        %dma_wait3A_169 = arith.constant 0 : i32
        %dma_wait3A_170 = tpu.memref_slice %arg2[%add3A_163, %dma_wait3A_168, %rem3A_24, %dma_wait3A_169] : memref<1600x32x8x128xf32, #tpu.memory_space<hbm>> -> memref<1x32x1x128xf32, #tpu.memory_space<hbm>>
        %dma_wait3A_171 = tpu.memref_squeeze %dma_wait3A_170 : memref<1x32x1x128xf32, #tpu.memory_space<hbm>> -> memref<32x128xf32, #tpu.memory_space<hbm>>
        tpu.wait_dma2 semaphore(%arg15 : memref<!tpu.dma_semaphore, #tpu.memory_space<semaphore_mem>>) src(%dma_wait3A_171 : memref<32x128xf32, #tpu.memory_space<hbm>>) dst(%arg11 : memref<32x128xf32, #tpu.memory_space<vmem>>)
        %gt3A_172 = arith.constant 0 : i32
        %gt3A_173 = arith.cmpi sgt, %add3A_147, %gt3A_172 : i32
        %convert_element_type3A_174 = arith.extui %gt3A_173 : i1 to i32
        %cond3A_175 = arith.constant 0 : i32
        %cond3A_176 = arith.cmpi ne, %convert_element_type3A_174, %cond3A_175 : i32
        scf.if %cond3A_176 {
          %sub3A_198 = arith.constant 1 : i32
          %sub3A_199 = arith.subi %add3A_148, %sub3A_198 : i32
          %mul3A_200 = arith.constant 8 : i32
          %mul3A_201 = arith.muli %sub3A_199, %mul3A_200 : i32
          %add3A_202 = arith.addi %mul3A_201, %div3A_22 : i32
          %dma_wait3A_203 = arith.constant 0 : i32
          %dma_wait3A_204 = arith.constant 0 : i32
          %dma_wait3A_205 = tpu.memref_slice %arg5[%add3A_202, %dma_wait3A_203, %rem3A_24, %dma_wait3A_204] : memref<1600x32x8x128xf32, #tpu.memory_space<hbm>> -> memref<1x32x1x128xf32, #tpu.memory_space<hbm>>
          %dma_wait3A_206 = tpu.memref_squeeze %dma_wait3A_205 : memref<1x32x1x128xf32, #tpu.memory_space<hbm>> -> memref<32x128xf32, #tpu.memory_space<hbm>>
          %dma_wait3A_207 = arith.constant 0 : i32
          %dma_wait3A_208 = arith.constant 0 : i32
          %dma_wait3A_209 = tpu.memref_slice %arg5[%add3A_202, %dma_wait3A_207, %rem3A_24, %dma_wait3A_208] : memref<1600x32x8x128xf32, #tpu.memory_space<hbm>> -> memref<1x32x1x128xf32, #tpu.memory_space<hbm>>
          %dma_wait3A_210 = tpu.memref_squeeze %dma_wait3A_209 : memref<1x32x1x128xf32, #tpu.memory_space<hbm>> -> memref<32x128xf32, #tpu.memory_space<hbm>>
          tpu.wait_dma2 semaphore(%arg16 : memref<!tpu.dma_semaphore, #tpu.memory_space<semaphore_mem>>) src(%arg10 : memref<32x128xf32, #tpu.memory_space<vmem>>) dst(%dma_wait3A_210 : memref<32x128xf32, #tpu.memory_space<hbm>>)
        } else {
        }
        %add3A_177 = arith.constant 1 : i32
        %add3A_178 = arith.addi %add3A_147, %add3A_177 : i32
        %lt3A_179 = arith.constant 40 : i32
        %lt3A_180 = arith.cmpi slt, %add3A_178, %lt3A_179 : i32
        %convert_element_type3A_181 = arith.extui %lt3A_180 : i1 to i32
        %cond3A_182 = arith.constant 0 : i32
        %cond3A_183 = arith.cmpi ne, %convert_element_type3A_181, %cond3A_182 : i32
        scf.if %cond3A_183 {
          %add3A_198 = arith.constant 1 : i32
          %add3A_199 = arith.addi %add3A_147, %add3A_198 : i32
          %div3A_200 = arith.constant 8 : i32
          %div3A_201 = arith.divsi %add3A_199, %div3A_200 : i32
          %rem3A_202 = arith.constant 8 : i32
          %rem3A_203 = arith.remsi %add3A_199, %rem3A_202 : i32
          %dma_start3A_204 = arith.constant 0 : i32
          %dma_start3A_205 = arith.constant 0 : i32
          %dma_start3A_206 = tpu.memref_slice %arg7[%div3A_201, %dma_start3A_204, %rem3A_203, %dma_start3A_205] : memref<5x32x8x128xi32, #tpu.memory_space<vmem_shared>> -> memref<1x32x1x128xi32, #tpu.memory_space<vmem_shared>>
          %dma_start3A_207 = tpu.memref_squeeze %dma_start3A_206 : memref<1x32x1x128xi32, #tpu.memory_space<vmem_shared>> -> memref<32x128xi32, #tpu.memory_space<vmem_shared>>
          %dma_start3A_208 = arith.constant 0 : i32
          %dma_start3A_209 = arith.constant 0 : i32
          %dma_start3A_210 = tpu.memref_slice %arg7[%div3A_201, %dma_start3A_208, %rem3A_203, %dma_start3A_209] : memref<5x32x8x128xi32, #tpu.memory_space<vmem_shared>> -> memref<1x32x1x128xi32, #tpu.memory_space<vmem_shared>>
          %dma_start3A_211 = tpu.memref_squeeze %dma_start3A_210 : memref<1x32x1x128xi32, #tpu.memory_space<vmem_shared>> -> memref<32x128xi32, #tpu.memory_space<vmem_shared>>
          tpu.enqueue_dma source(%dma_start3A_211 : memref<32x128xi32, #tpu.memory_space<vmem_shared>>) target(%arg8 : memref<32x128xi32, #tpu.memory_space<vmem>>) target_semaphore(%arg12 : memref<!tpu.dma_semaphore, #tpu.memory_space<semaphore_mem>>)
          %add3A_212 = arith.constant 1 : i32
          %add3A_213 = arith.addi %add3A_148, %add3A_212 : i32
          %mul3A_214 = arith.constant 8 : i32
          %mul3A_215 = arith.muli %add3A_213, %mul3A_214 : i32
          %add3A_216 = arith.addi %mul3A_215, %div3A_22 : i32
          %dma_start3A_217 = arith.constant 0 : i32
          %dma_start3A_218 = arith.constant 0 : i32
          %dma_start3A_219 = tpu.memref_slice %arg2[%add3A_216, %dma_start3A_217, %rem3A_24, %dma_start3A_218] : memref<1600x32x8x128xf32, #tpu.memory_space<hbm>> -> memref<1x32x1x128xf32, #tpu.memory_space<hbm>>
          %dma_start3A_220 = tpu.memref_squeeze %dma_start3A_219 : memref<1x32x1x128xf32, #tpu.memory_space<hbm>> -> memref<32x128xf32, #tpu.memory_space<hbm>>
          %dma_start3A_221 = arith.constant 0 : i32
          %dma_start3A_222 = arith.constant 0 : i32
          %dma_start3A_223 = tpu.memref_slice %arg2[%add3A_216, %dma_start3A_221, %rem3A_24, %dma_start3A_222] : memref<1600x32x8x128xf32, #tpu.memory_space<hbm>> -> memref<1x32x1x128xf32, #tpu.memory_space<hbm>>
          %dma_start3A_224 = tpu.memref_squeeze %dma_start3A_223 : memref<1x32x1x128xf32, #tpu.memory_space<hbm>> -> memref<32x128xf32, #tpu.memory_space<hbm>>
          tpu.enqueue_dma source(%dma_start3A_224 : memref<32x128xf32, #tpu.memory_space<hbm>>) target(%arg10 : memref<32x128xf32, #tpu.memory_space<vmem>>) target_semaphore(%arg14 : memref<!tpu.dma_semaphore, #tpu.memory_space<semaphore_mem>>)
        } else {
        }
        %parallel_loop3A_184 = arith.constant 0 : i32
        %parallel_loop3A_185 = arith.constant 32 : i32
        %parallel_loop3A_186 = arith.constant 1 : i32
        scf.for %parallel_loop3A_198 = %parallel_loop3A_184 to %parallel_loop3A_185 step %parallel_loop3A_186  : i32 {
          %parallel_loop3A_199 = arith.index_cast %parallel_loop3A_198 : i32 to index
          %parallel_loop3A_200 = arith.constant 0 : index
          %parallel_loop3A_201 = tpu.vector_load %arg9[%parallel_loop3A_199, %parallel_loop3A_200] {strides = array<i32>} : memref<32x128xi32, #tpu.memory_space<vmem>>, vector<16xi32>,
          %parallel_loop3A_202 = tpu.vector_load_idx %arg6[%parallel_loop3A_201] : memref<100000xf32, #tpu.memory_space<vmem>>[vector<16xi32>], vector<16xf32>,
          %parallel_loop3A_203 = arith.index_cast %parallel_loop3A_198 : i32 to index
          %parallel_loop3A_204 = arith.constant 0 : index
          %parallel_loop3A_205 = tpu.vector_load %arg11[%parallel_loop3A_203, %parallel_loop3A_204] {strides = array<i32>} : memref<32x128xf32, #tpu.memory_space<vmem>>, vector<16xf32>,
          %parallel_loop3A_206 = arith.addf %parallel_loop3A_205, %parallel_loop3A_202 : vector<16xf32>
          %parallel_loop3A_207 = arith.index_cast %parallel_loop3A_198 : i32 to index
          %parallel_loop3A_208 = arith.constant 0 : index
          %parallel_loop3A_209 = tpu.vector_load %arg11[%parallel_loop3A_207, %parallel_loop3A_208] {strides = array<i32>} : memref<32x128xf32, #tpu.memory_space<vmem>>, vector<16xf32>,
          tpu.vector_store %arg11[%parallel_loop3A_207, %parallel_loop3A_208], %parallel_loop3A_206 {strides = array<i32>} : memref<32x128xf32, #tpu.memory_space<vmem>>, vector<16xf32>,
          %parallel_loop3A_210 = arith.index_cast %parallel_loop3A_198 : i32 to index
          %parallel_loop3A_211 = arith.constant 16 : index
          %parallel_loop3A_212 = tpu.vector_load %arg9[%parallel_loop3A_210, %parallel_loop3A_211] {strides = array<i32>} : memref<32x128xi32, #tpu.memory_space<vmem>>, vector<16xi32>,
          %parallel_loop3A_213 = tpu.vector_load_idx %arg6[%parallel_loop3A_212] : memref<100000xf32, #tpu.memory_space<vmem>>[vector<16xi32>], vector<16xf32>,
          %parallel_loop3A_214 = arith.index_cast %parallel_loop3A_198 : i32 to index
          %parallel_loop3A_215 = arith.constant 16 : index
          %parallel_loop3A_216 = tpu.vector_load %arg11[%parallel_loop3A_214, %parallel_loop3A_215] {strides = array<i32>} : memref<32x128xf32, #tpu.memory_space<vmem>>, vector<16xf32>,
          %parallel_loop3A_217 = arith.addf %parallel_loop3A_216, %parallel_loop3A_213 : vector<16xf32>
          %parallel_loop3A_218 = arith.index_cast %parallel_loop3A_198 : i32 to index
          %parallel_loop3A_219 = arith.constant 16 : index
          %parallel_loop3A_220 = tpu.vector_load %arg11[%parallel_loop3A_218, %parallel_loop3A_219] {strides = array<i32>} : memref<32x128xf32, #tpu.memory_space<vmem>>, vector<16xf32>,
          tpu.vector_store %arg11[%parallel_loop3A_218, %parallel_loop3A_219], %parallel_loop3A_217 {strides = array<i32>} : memref<32x128xf32, #tpu.memory_space<vmem>>, vector<16xf32>,
          %parallel_loop3A_221 = arith.index_cast %parallel_loop3A_198 : i32 to index
          %parallel_loop3A_222 = arith.constant 32 : index
          %parallel_loop3A_223 = tpu.vector_load %arg9[%parallel_loop3A_221, %parallel_loop3A_222] {strides = array<i32>} : memref<32x128xi32, #tpu.memory_space<vmem>>, vector<16xi32>,
          %parallel_loop3A_224 = tpu.vector_load_idx %arg6[%parallel_loop3A_223] : memref<100000xf32, #tpu.memory_space<vmem>>[vector<16xi32>], vector<16xf32>,
          %parallel_loop3A_225 = arith.index_cast %parallel_loop3A_198 : i32 to index
          %parallel_loop3A_226 = arith.constant 32 : index
          %parallel_loop3A_227 = tpu.vector_load %arg11[%parallel_loop3A_225, %parallel_loop3A_226] {strides = array<i32>} : memref<32x128xf32, #tpu.memory_space<vmem>>, vector<16xf32>,
          %parallel_loop3A_228 = arith.addf %parallel_loop3A_227, %parallel_loop3A_224 : vector<16xf32>
          %parallel_loop3A_229 = arith.index_cast %parallel_loop3A_198 : i32 to index
          %parallel_loop3A_230 = arith.constant 32 : index
          %parallel_loop3A_231 = tpu.vector_load %arg11[%parallel_loop3A_229, %parallel_loop3A_230] {strides = array<i32>} : memref<32x128xf32, #tpu.memory_space<vmem>>, vector<16xf32>,
          tpu.vector_store %arg11[%parallel_loop3A_229, %parallel_loop3A_230], %parallel_loop3A_228 {strides = array<i32>} : memref<32x128xf32, #tpu.memory_space<vmem>>, vector<16xf32>,
          %parallel_loop3A_232 = arith.index_cast %parallel_loop3A_198 : i32 to index
          %parallel_loop3A_233 = arith.constant 48 : index
          %parallel_loop3A_234 = tpu.vector_load %arg9[%parallel_loop3A_232, %parallel_loop3A_233] {strides = array<i32>} : memref<32x128xi32, #tpu.memory_space<vmem>>, vector<16xi32>,
          %parallel_loop3A_235 = tpu.vector_load_idx %arg6[%parallel_loop3A_234] : memref<100000xf32, #tpu.memory_space<vmem>>[vector<16xi32>], vector<16xf32>,
          %parallel_loop3A_236 = arith.index_cast %parallel_loop3A_198 : i32 to index
          %parallel_loop3A_237 = arith.constant 48 : index
          %parallel_loop3A_238 = tpu.vector_load %arg11[%parallel_loop3A_236, %parallel_loop3A_237] {strides = array<i32>} : memref<32x128xf32, #tpu.memory_space<vmem>>, vector<16xf32>,
          %parallel_loop3A_239 = arith.addf %parallel_loop3A_238, %parallel_loop3A_235 : vector<16xf32>
          %parallel_loop3A_240 = arith.index_cast %parallel_loop3A_198 : i32 to index
          %parallel_loop3A_241 = arith.constant 48 : index
          %parallel_loop3A_242 = tpu.vector_load %arg11[%parallel_loop3A_240, %parallel_loop3A_241] {strides = array<i32>} : memref<32x128xf32, #tpu.memory_space<vmem>>, vector<16xf32>,
          tpu.vector_store %arg11[%parallel_loop3A_240, %parallel_loop3A_241], %parallel_loop3A_239 {strides = array<i32>} : memref<32x128xf32, #tpu.memory_space<vmem>>, vector<16xf32>,
          %parallel_loop3A_243 = arith.index_cast %parallel_loop3A_198 : i32 to index
          %parallel_loop3A_244 = arith.constant 64 : index
          %parallel_loop3A_245 = tpu.vector_load %arg9[%parallel_loop3A_243, %parallel_loop3A_244] {strides = array<i32>} : memref<32x128xi32, #tpu.memory_space<vmem>>, vector<16xi32>,
          %parallel_loop3A_246 = tpu.vector_load_idx %arg6[%parallel_loop3A_245] : memref<100000xf32, #tpu.memory_space<vmem>>[vector<16xi32>], vector<16xf32>,
          %parallel_loop3A_247 = arith.index_cast %parallel_loop3A_198 : i32 to index
          %parallel_loop3A_248 = arith.constant 64 : index
          %parallel_loop3A_249 = tpu.vector_load %arg11[%parallel_loop3A_247, %parallel_loop3A_248] {strides = array<i32>} : memref<32x128xf32, #tpu.memory_space<vmem>>, vector<16xf32>,
          %parallel_loop3A_250 = arith.addf %parallel_loop3A_249, %parallel_loop3A_246 : vector<16xf32>
          %parallel_loop3A_251 = arith.index_cast %parallel_loop3A_198 : i32 to index
          %parallel_loop3A_252 = arith.constant 64 : index
          %parallel_loop3A_253 = tpu.vector_load %arg11[%parallel_loop3A_251, %parallel_loop3A_252] {strides = array<i32>} : memref<32x128xf32, #tpu.memory_space<vmem>>, vector<16xf32>,
          tpu.vector_store %arg11[%parallel_loop3A_251, %parallel_loop3A_252], %parallel_loop3A_250 {strides = array<i32>} : memref<32x128xf32, #tpu.memory_space<vmem>>, vector<16xf32>,
          %parallel_loop3A_254 = arith.index_cast %parallel_loop3A_198 : i32 to index
          %parallel_loop3A_255 = arith.constant 80 : index
          %parallel_loop3A_256 = tpu.vector_load %arg9[%parallel_loop3A_254, %parallel_loop3A_255] {strides = array<i32>} : memref<32x128xi32, #tpu.memory_space<vmem>>, vector<16xi32>,
          %parallel_loop3A_257 = tpu.vector_load_idx %arg6[%parallel_loop3A_256] : memref<100000xf32, #tpu.memory_space<vmem>>[vector<16xi32>], vector<16xf32>,
          %parallel_loop3A_258 = arith.index_cast %parallel_loop3A_198 : i32 to index
          %parallel_loop3A_259 = arith.constant 80 : index
          %parallel_loop3A_260 = tpu.vector_load %arg11[%parallel_loop3A_258, %parallel_loop3A_259] {strides = array<i32>} : memref<32x128xf32, #tpu.memory_space<vmem>>, vector<16xf32>,
          %parallel_loop3A_261 = arith.addf %parallel_loop3A_260, %parallel_loop3A_257 : vector<16xf32>
          %parallel_loop3A_262 = arith.index_cast %parallel_loop3A_198 : i32 to index
          %parallel_loop3A_263 = arith.constant 80 : index
          %parallel_loop3A_264 = tpu.vector_load %arg11[%parallel_loop3A_262, %parallel_loop3A_263] {strides = array<i32>} : memref<32x128xf32, #tpu.memory_space<vmem>>, vector<16xf32>,
          tpu.vector_store %arg11[%parallel_loop3A_262, %parallel_loop3A_263], %parallel_loop3A_261 {strides = array<i32>} : memref<32x128xf32, #tpu.memory_space<vmem>>, vector<16xf32>,
          %parallel_loop3A_265 = arith.index_cast %parallel_loop3A_198 : i32 to index
          %parallel_loop3A_266 = arith.constant 96 : index
          %parallel_loop3A_267 = tpu.vector_load %arg9[%parallel_loop3A_265, %parallel_loop3A_266] {strides = array<i32>} : memref<32x128xi32, #tpu.memory_space<vmem>>, vector<16xi32>,
          %parallel_loop3A_268 = tpu.vector_load_idx %arg6[%parallel_loop3A_267] : memref<100000xf32, #tpu.memory_space<vmem>>[vector<16xi32>], vector<16xf32>,
          %parallel_loop3A_269 = arith.index_cast %parallel_loop3A_198 : i32 to index
          %parallel_loop3A_270 = arith.constant 96 : index
          %parallel_loop3A_271 = tpu.vector_load %arg11[%parallel_loop3A_269, %parallel_loop3A_270] {strides = array<i32>} : memref<32x128xf32, #tpu.memory_space<vmem>>, vector<16xf32>,
          %parallel_loop3A_272 = arith.addf %parallel_loop3A_271, %parallel_loop3A_268 : vector<16xf32>
          %parallel_loop3A_273 = arith.index_cast %parallel_loop3A_198 : i32 to index
          %parallel_loop3A_274 = arith.constant 96 : index
          %parallel_loop3A_275 = tpu.vector_load %arg11[%parallel_loop3A_273, %parallel_loop3A_274] {strides = array<i32>} : memref<32x128xf32, #tpu.memory_space<vmem>>, vector<16xf32>,
          tpu.vector_store %arg11[%parallel_loop3A_273, %parallel_loop3A_274], %parallel_loop3A_272 {strides = array<i32>} : memref<32x128xf32, #tpu.memory_space<vmem>>, vector<16xf32>,
          %parallel_loop3A_276 = arith.index_cast %parallel_loop3A_198 : i32 to index
          %parallel_loop3A_277 = arith.constant 112 : index
          %parallel_loop3A_278 = tpu.vector_load %arg9[%parallel_loop3A_276, %parallel_loop3A_277] {strides = array<i32>} : memref<32x128xi32, #tpu.memory_space<vmem>>, vector<16xi32>,
          %parallel_loop3A_279 = tpu.vector_load_idx %arg6[%parallel_loop3A_278] : memref<100000xf32, #tpu.memory_space<vmem>>[vector<16xi32>], vector<16xf32>,
          %parallel_loop3A_280 = arith.index_cast %parallel_loop3A_198 : i32 to index
          %parallel_loop3A_281 = arith.constant 112 : index
          %parallel_loop3A_282 = tpu.vector_load %arg11[%parallel_loop3A_280, %parallel_loop3A_281] {strides = array<i32>} : memref<32x128xf32, #tpu.memory_space<vmem>>, vector<16xf32>,
          %parallel_loop3A_283 = arith.addf %parallel_loop3A_282, %parallel_loop3A_279 : vector<16xf32>
          %parallel_loop3A_284 = arith.index_cast %parallel_loop3A_198 : i32 to index
          %parallel_loop3A_285 = arith.constant 112 : index
          %parallel_loop3A_286 = tpu.vector_load %arg11[%parallel_loop3A_284, %parallel_loop3A_285] {strides = array<i32>} : memref<32x128xf32, #tpu.memory_space<vmem>>, vector<16xf32>,
          tpu.vector_store %arg11[%parallel_loop3A_284, %parallel_loop3A_285], %parallel_loop3A_283 {strides = array<i32>} : memref<32x128xf32, #tpu.memory_space<vmem>>, vector<16xf32>,
        } {sc.loop_unroll_factor = 4 : i64, sc.parallel_access}
        %mul3A_187 = arith.constant 8 : i32
        %mul3A_188 = arith.muli %add3A_148, %mul3A_187 : i32
        %add3A_189 = arith.addi %mul3A_188, %div3A_22 : i32
        %dma_start3A_190 = arith.constant 0 : i32
        %dma_start3A_191 = arith.constant 0 : i32
        %dma_start3A_192 = tpu.memref_slice %arg5[%add3A_189, %dma_start3A_190, %rem3A_24, %dma_start3A_191] : memref<1600x32x8x128xf32, #tpu.memory_space<hbm>> -> memref<1x32x1x128xf32, #tpu.memory_space<hbm>>
        %dma_start3A_193 = tpu.memref_squeeze %dma_start3A_192 : memref<1x32x1x128xf32, #tpu.memory_space<hbm>> -> memref<32x128xf32, #tpu.memory_space<hbm>>
        %dma_start3A_194 = arith.constant 0 : i32
        %dma_start3A_195 = arith.constant 0 : i32
        %dma_start3A_196 = tpu.memref_slice %arg5[%add3A_189, %dma_start3A_194, %rem3A_24, %dma_start3A_195] : memref<1600x32x8x128xf32, #tpu.memory_space<hbm>> -> memref<1x32x1x128xf32, #tpu.memory_space<hbm>>
        %dma_start3A_197 = tpu.memref_squeeze %dma_start3A_196 : memref<1x32x1x128xf32, #tpu.memory_space<hbm>> -> memref<32x128xf32, #tpu.memory_space<hbm>>
        tpu.enqueue_dma source(%arg11 : memref<32x128xf32, #tpu.memory_space<vmem>>) target(%dma_start3A_197 : memref<32x128xf32, #tpu.memory_space<hbm>>) target_semaphore(%arg17 : memref<!tpu.dma_semaphore, #tpu.memory_space<semaphore_mem>>)
      }
      %scan3A_78 = arith.constant 20 : i32
      %add3A_79 = arith.constant 40 : i32
      %add3A_80 = arith.addi %mul3A_39, %add3A_79 : i32
      %sub3A = arith.constant 1 : i32
      %sub3A_81 = arith.subi %add3A_80, %sub3A : i32
      %mul3A_82 = arith.constant 8 : i32
      %mul3A_83 = arith.muli %sub3A_81, %mul3A_82 : i32
      %add3A_84 = arith.addi %mul3A_83, %div3A_22 : i32
      %dma_wait3A = arith.constant 0 : i32
      %dma_wait3A_85 = arith.constant 0 : i32
      %dma_wait3A_86 = tpu.memref_slice %arg5[%add3A_84, %dma_wait3A, %rem3A_24, %dma_wait3A_85] : memref<1600x32x8x128xf32, #tpu.memory_space<hbm>> -> memref<1x32x1x128xf32, #tpu.memory_space<hbm>>
      %dma_wait3A_87 = tpu.memref_squeeze %dma_wait3A_86 : memref<1x32x1x128xf32, #tpu.memory_space<hbm>> -> memref<32x128xf32, #tpu.memory_space<hbm>>
      %dma_wait3A_88 = arith.constant 0 : i32
      %dma_wait3A_89 = arith.constant 0 : i32
      %dma_wait3A_90 = tpu.memref_slice %arg5[%add3A_84, %dma_wait3A_88, %rem3A_24, %dma_wait3A_89] : memref<1600x32x8x128xf32, #tpu.memory_space<hbm>> -> memref<1x32x1x128xf32, #tpu.memory_space<hbm>>
      %dma_wait3A_91 = tpu.memref_squeeze %dma_wait3A_90 : memref<1x32x1x128xf32, #tpu.memory_space<hbm>> -> memref<32x128xf32, #tpu.memory_space<hbm>>
      tpu.wait_dma2 semaphore(%arg17 : memref<!tpu.dma_semaphore, #tpu.memory_space<semaphore_mem>>) src(%arg11 : memref<32x128xf32, #tpu.memory_space<vmem>>) dst(%dma_wait3A_91 : memref<32x128xf32, #tpu.memory_space<hbm>>)
    }
    %scan3A_36 = arith.constant 5 : i32
    return
  }
}

</mosaic_0001>

<sc_bundles>
// kernel: _run.3.cloned.1.call-start
scs
__scs_entry_jumppad:
0x0: {  	(pc) =	sbr.rel $0x88, $3  }
0x1: {  	(tag) =	ssettag $0x0;
	lr =	simm.s32 $0x1  }
0x2: {  	[smem:$0x3F9E] =	sst lr;
	_ =	strace $0xD0000000  }
0x3: {  	_ = 	snop  }
0x4: {  	_ = 	snop  }
0x5: {  	_ = 	snop  }
0x6: {  	_ = 	snop  }
0x7: {  	_ = 	snop  }
__scs_overlays_trampoline_lowered:
0x8: {  	[smem:$0x3FAD] =	sst s0  }
0x9: {  	[smem:$0x3FAE] =	sst s1  }
0xa: {  	[smem:$0x3FAF] =	sst s2  }
0xb: {  	[smem:$0x3FB0] =	sst s3  }
0xc: {  	[smem:$0x3FB1] =	sst s4  }
0xd: {  	[smem:$0x3FB2] =	sst s5  }
0xe: {  	[smem:$0x3FB3] =	sst s6  }
0xf: {  	[smem:$0x3FB4] =	sst s7  }
0x10: {  	[smem:$0x3FB5] =	sst s8  }
0x11: {  	[smem:$0x3FB6] =	sst s9;
	s0 =	simm.s32 @!p0 $0x0  }
0x12: {  	s1 =	sld [smem:$0x3F9C];
	s0 =	simm.s32 @p0 $0x1  }
0x13: {  	[smem:$0x3FB7] =	sst s0;
	s0 =	simm.s32 @!p1 $0x0  }
0x14: {  	s2 =	sld [smem:$0x3F9B];
	s0 =	simm.s32 @p1 $0x1  }
0x15: {  	[smem:$0x3FB8] =	sst s0;
	s0 =	simm.s32 @!p2 $0x0  }
0x16: {  	s3 =	sld [smem:$0x3FDB];
	s0 =	simm.s32 @p2 $0x1  }
0x17: {  	s4 =	simm.s32 $0x1BF5;
	[smem:$0x3FBA] =	sst s0  }
0x18: {  	s0 =	sld [smem:$0x3F9D];
	_ =	swait.ge [sflag:s4], $0x0  }
0x19: {  	s7 =	sld [smem:$0x3F9E]  }
0x1a: {  	s8 =	sadd.s32 $0xFFFFE003, lr  }
0x1b: {  	s9 =	sadd.s32 $0xFFFFFEF7, lr;
	s5 =	simm.s32 $0xFFFFFFFF;
	p2 =	slt.u32 s8, $0xFFFFF086  }
0x1c: {  	p1 =	slt.u32 s9, $0xF7A;
	s5 =	simm.s32 @!p2 $0x0  }
0x1d: {  	s5 =	simm.s32 @p1 $0x1;
	p0 =	seq.s32 s7, s2  }
0x1e: {  	s7 =	smul.u32 @!p0 $0xF7A, s2;
	p2 =	seq.s32 @!p0 s5, $0x0  }
0x1f: {  	s9 =	smul.u32 $0xF7A, s1;
	s8 =	simm.s32 @!p0 $0x1BF5;
	p2 =	por !p2, p0  }
0x20: {  	[sflag:s8] =	ssyncset.s32 @!p0 $0xFFFFF086;
	s6 =	sadd.s32 @!p0 s3, s7;
	s7 =	simm.s32 @!p0 $0x108  }
0x21: {  	s3 =	sadd.s32 s3, s9;
	s6 =	sadd.s32 @!p0 $0x88, s6;
	s7 =	simm.s32 @p2 $0x1082  }
0x22: {  	[simem:s7], [sflag:s8] =	dma.local @!p0 [hbm:s6], $0xF7A  }
0x23: {  	s9 =	sor.u32 $0xD0000000, s2;
	s6 =	simm.s32 $0x108;
	_ =	swait.ge @!p0 [sflag:s8], $0x0  }
0x24: {  	s3 =	sadd.s32 $0x88, s3;
	s6 =	simm.s32 @!p1 $0x1082;
	[sflag:s4] =	ssyncset.s32 $0xFFFFF086  }
0x25: {  	[simem:s6], [sflag:s4] =	dma.local [hbm:s3], $0xF7A  }
0x26: {  	[smem:$0x3F9E] =	sst s1;
	(tag) =	ssettag s2;
	_ =	strace s9  }
0x27: {  	s1 =	sld [smem:$0x3FAE]  }
0x28: {  	s2 =	sld [smem:$0x3FAF]  }
0x29: {  	s4 =	sld [smem:$0x3FB1]  }
0x2a: {  	p0 =	seq.s32 s5, $0x0;
	s5 =	sld [smem:$0x3FB2]  }
0x2b: {  	s6 =	sld [smem:$0x3FB3]  }
0x2c: {  	s7 =	sld [smem:$0x3FB4]  }
0x2d: {  	s3 =	simm.s32 $0x108;
	s8 =	sld [smem:$0x3FB5]  }
0x2e: {  	s3 =	simm.s32 @!p0 $0x1082;
	s9 =	sld [smem:$0x3FB6]  }
0x2f: {  	lr =	sadd.s32 s0, s3;
	s0 =	sld [smem:$0x3FAD]  }
0x30: {  	s3 =	sld [smem:$0x3FB0]  }
0x31: {  	[smem:$0x3FB9] =	sst s10  }
0x32: {  	s10 =	sld [smem:$0x3FB7];
	_ =	sdelay $0x3  }
0x33: {  	p0 =	seq.s32 s10, $0x1;
	s10 =	sld [smem:$0x3FB9];
	_ =	sdelay $0x3  }
0x34: {  	[smem:$0x3FB9] =	sst s10  }
0x35: {  	s10 =	sld [smem:$0x3FB8];
	_ =	sdelay $0x3  }
0x36: {  	p1 =	seq.s32 s10, $0x1;
	s10 =	sld [smem:$0x3FB9];
	_ =	sdelay $0x3  }
0x37: {  	[smem:$0x3FB9] =	sst s10  }
0x38: {  	s10 =	sld [smem:$0x3FBA]  }
0x39: {  	_ = 	snop;
	(pc) =	sbr.ind lr, $3  }
0x3a: {  	_ = 	snop  }
0x3b: {  	_ = 	snop  }
0x3c: {  	p2 =	seq.s32 s10, $0x1;
	s10 =	sld [smem:$0x3FB9]  }
0x3d: {  	_ =	shalt  }
0x3e: {  	_ =	shalt  }
0x3f: {  	_ =	shalt  }
0x40: {  	_ =	shalt  }
0x41: {  	_ =	shalt  }
0x42: {  	_ =	shalt  }
0x43: {  	_ =	shalt  }
0x44: {  	_ =	shalt  }
0x45: {  	_ =	shalt  }
0x46: {  	_ =	shalt  }
0x47: {  	_ =	shalt  }
0x48: {  	_ =	shalt  }
0x49: {  	_ =	shalt  }
0x4a: {  	_ =	shalt  }
0x4b: {  	_ =	shalt  }
0x4c: {  	_ =	shalt  }
0x4d: {  	_ =	shalt  }
0x4e: {  	_ =	shalt  }
0x4f: {  	_ =	shalt  }
0x50: {  	_ =	shalt  }
0x51: {  	_ =	shalt  }
0x52: {  	_ =	shalt  }
0x53: {  	_ =	shalt  }
0x54: {  	_ =	shalt  }
0x55: {  	_ =	shalt  }
0x56: {  	_ =	shalt  }
0x57: {  	_ =	shalt  }
0x58: {  	_ =	shalt  }
0x59: {  	_ =	shalt  }
0x5a: {  	_ =	shalt  }
0x5b: {  	_ =	shalt  }
0x5c: {  	_ =	shalt  }
0x5d: {  	_ =	shalt  }
0x5e: {  	_ =	shalt  }
0x5f: {  	_ =	shalt  }
0x60: {  	_ =	shalt  }
0x61: {  	_ =	shalt  }
0x62: {  	_ =	shalt  }
0x63: {  	_ =	shalt  }
0x64: {  	_ =	shalt  }
0x65: {  	_ =	shalt  }
0x66: {  	_ =	shalt  }
0x67: {  	_ =	shalt  }
0x68: {  	_ =	shalt  }
0x69: {  	_ =	shalt  }
0x6a: {  	_ =	shalt  }
0x6b: {  	_ =	shalt  }
0x6c: {  	_ =	shalt  }
0x6d: {  	_ =	shalt  }
0x6e: {  	_ =	shalt  }
0x6f: {  	_ =	shalt  }
0x70: {  	_ =	shalt  }
0x71: {  	_ =	shalt  }
0x72: {  	_ =	shalt  }
0x73: {  	_ =	shalt  }
0x74: {  	_ =	shalt  }
0x75: {  	_ =	shalt  }
0x76: {  	_ =	shalt  }
0x77: {  	_ =	shalt  }
0x78: {  	_ =	shalt  }
0x79: {  	_ =	shalt  }
0x7a: {  	_ =	shalt  }
0x7b: {  	_ =	shalt  }
0x7c: {  	_ =	shalt  }
0x7d: {  	_ =	shalt  }
0x7e: {  	_ =	shalt  }
0x7f: {  	_ =	shalt  }
0x80: {  	_ =	shalt  }
0x81: {  	_ =	shalt  }
0x82: {  	_ =	shalt  }
0x83: {  	_ =	shalt  }
0x84: {  	_ =	shalt  }
0x85: {  	_ =	shalt  }
0x86: {  	_ =	shalt  }
0x87: {  	_ =	shalt  }
.Lfunc_end0:
.L_simem_size_0:
called_computation_lowered:
.L_overlay_start_0:
0x88: {  	s2 =	sld [smem:$0x3FD9]  }
0x89: {  	s3 =	sld [smem:$0x3FFE];
	_ =	sdelay $0x1  }
0x8a: {  	s1 =	srdreg.scid  }
0x8b: {  	s0 =	sand.u32 $0x1, s1  }
0x8c: {  	s17 =	sshll.u32 s0, $0xA;
	s2 =	sadd.s32 s3, s2  }
0x8d: {  	s2 =	sadd.s32 s2, s17  }
0x8e: {  	[smem:$0x3FC5] =	sst s2  }
0x8f: {  	_ = 	snop  }
0x90: {  	s2 =	sld [smem:$0x3FC9]  }
0x91: {  	s18 =	sld [smem:$0x3FC8]  }
0x92: {  	s4 =	sld [smem:$0x3FD0];
	(tm) =	ssettm $0x1  }
0x93: {  	s5 =	sld [smem:$0x3FFB];
	_ =	sdelay $0x3  }
0x94: {  	_ =	strace s5  }
0x95: {  	s5 =	sld [smem:$0x3FFC];
	_ =	sdelay $0x3  }
0x96: {  	_ =	strace s5  }
0x97: {  	s5 =	sld [smem:$0x3FFD];
	_ =	sdelay $0x3  }
0x98: {  	_ =	strace s5  }
0x99: {  	_ =	strace $0x8FFFFFFF  }
0x9a: {  	s19 =	sld [smem:$0x3FDB];
	_ =	sdelay $0x1  }
0x9b: {  	s6 =	simm.s32 $_scs_section_size  }
0x9c: {  	s7 =	simm.s32 $_size__tile_overlayer_lowered;
	s8 =	simm.s32 $_tile_overlayer_lowered  }
0x9d: {  	s22 =	simm.s32 $0x1BFF;
	s21 =	sshll.u32 s8, $0x1;
	s5 =	sadd.s32 s6, s19  }
0x9e: {  	s9 =	simm.s32 $0x0;
	s20 =	sshll.u32 s7, $0x1;
	s7 =	sadd.s32 s21, s5  }
0x9f: {  	[timem:s9], [sflag:s22] =	dma.local [hbm:s7], s20  }
0xa0: {  	_ =	swait.ge [sflag:s22], s20  }
0xa1: {  	s6 =	ssub.s32 $0x0, s20;
	[sflag:s22] =	ssyncset.done $0x0  }
0xa2: {  	[sflag:s22] =	ssyncadd.s32 s6;
	_ =	sdelay $0x1  }
0xa3: {  	s23 =	simm.s32 $0x1B8B  }
0xa4: {  	_ =	swait.ge [sflag:s23], $0x1  }
0xa5: {  	[sflag:s23] =	ssyncset.done $0x0  }
0xa6: {  	s25 =	simm.s32 $0x1B8E;
	s24 =	sld [smem:$0x3FFE];
	[sflag:s23] =	ssyncadd.s32 $0xFFFFFFFF  }
0xa7: {  	s26 =	simm.s32 $execute0_lowered;
	[smem:$0x3FD2] =	sst s25  }
0xa8: {  	s7 =	sshll.u32 s26, $0x1;
	_ =	strace $0x80000046;
	[dreg:$0x1] =	wrdreg $0xFFFFFFFF  }
0xa9: {  	s28 =	simm.s32 $_size_execute0_lowered;
	s5 =	sadd.s32 s5, s7;
	[dreg:$0x0] =	wrdreg $0x0  }
0xaa: {  	s7 =	sshll.u32 s28, $0x1;
	[dreg:$0x2] =	wrdreg s5  }
0xab: {  	[dreg:$0x3] =	wrdreg s7  }
0xac: {  	[dreg:$0x4] =	wrdreg $0xC0  }
0xad: {  	_ =	task [dreg:s9], $0x5FFFF  }
0xae: {  	[dreg:$0x1] =	wrdreg $0xFFFFFFFF  }
0xaf: {  	[dreg:$0x0] =	wrdreg $0x60  }
0xb0: {  	[dreg:$0x2] =	wrdreg s2  }
0xb1: {  	[dreg:$0x3] =	wrdreg s18  }
0xb2: {  	[dreg:$0x4] =	wrdreg s24  }
0xb3: {  	[dreg:$0x5] =	wrdreg s4  }
0xb4: {  	[dreg:$0x6] =	wrdreg $0x186A00  }
0xb5: {  	[dreg:$0x7] =	wrdreg $0x9  }
0xb6: {  	_ =	task.clear_ibuf [dreg:s9], $0x8FFFF;
	_ =	strace $0x90000046  }
0xb7: {  	s29 =	simm.s32 $0x9;
	_ =	strace $0x80000048  }
0xb8: {  	_ =	swait.ge [sflag:s29], $0x1  }
0xb9: {  	[sflag:s29] =	ssyncadd.s32 $0xFFFFFFFF  }
0xba: {  	_ =	strace $0x90000048  }
0xbb: {  	_ =	sfence  }
0xbc: {  	s30 =	sld [smem:$0x0];
	_ =	sdelay $0x2  }
0xbd: {  	s31 =	sshll.u32 s1, $0xD;
	s1 =	sshrl.u32 s1, $0x2  }
0xbe: {  	s3 =	sand.u32 $0x4000, s31;
	s1 =	sadd.s32 s1, s30  }
0xbf: {  	s0 =	sor.u32 s3, s0;
	s1 =	sshll.u32 s1, $0x11  }
0xc0: {  	s0 =	sor.u32 s1, s0  }
0xc1: {  	s0 =	sadd.s32 $0x8F2B, s0  }
0xc2: {  	[sflag:s0] =	ssyncadd.remote.s32 $0x1  }
0xc3: {  	_ =	sfence.sel $0xFFFF  }
0xc4: {  	[dreg:$0x0] =	wrdreg $0xFFFFFFFF;
	(pc) =	sbr.abs _section_cstart, $3  }
0xc5: {  	[dreg:$0x1] =	wrdreg $0xFFFFFFFF  }
0xc6: {  	_ =	task.clear_ibuf [dreg:s9], $0x2FFFF;
	_ =	strace $0x9FFFFFFF  }
0xc7: {  	(tm) =	ssettm $0x7FFFFFFF  }
tec
execute0_lowered:
.L_overlay_start_1:
0x0: {  	(tag) =	ssettag $0x1  }
0x1: {  	s1 =	rddreg [dreg:$0x0]  }
0x2: {  	s0 =	rddreg [dreg:$0x2]  }
0x3: {  	s3 =	rddreg [dreg:$0x3]  }
0x4: {  	s4 =	rddreg [dreg:$0x4];
	s5 =	simm.s32 $0x0;
	s2 =	srdreg.scid  }
0x5: {  	s6 =	stileid.u32;
	s17 =	simm.s32 $0x80;
	s18 =	simm.s32 $0x400  }
0x6: {  	s20 =	simm.s32 $0x1CEA0;
	s21 =	simm.s32 $0x1;
	s22 =	simm.s32 $0x3  }
0x7: {  	s23 =	simm.s32 $0x1BEA0;
	s24 =	simm.s32 $0x1DEA0;
	s25 =	simm.s32 $0x2  }
0x8: {  	s26 =	simm.s32 $0x4;
	s28 =	simm.s32 $0x5;
	[smem:$0x7FF] =	sst s5  }
0x9: {  	s2 =	sand.u32 $0x1, s2;
	s8 =	sshll.u32 s6, $0x2;
	s0 =	sadd.s32 $0x400, s0  }
0xa: {  	s11 =	sshrl.u32 s6, $0x1;
	p0 =	sne.s32 s6, $0x0;
	s7 =	ssub.s32 $0x2, s2  }
0xb: {  	s2 =	sshll.u32 s2, $0x1;
	_ =	strace $0x80000047;
	[dreg:$0x6] =	wrdreg s11  }
0xc: {  	s12 =	sshll.u32 s11, $0xF;
	s9 =	sshrl.u32 s7, $0x1;
	s2 =	sor.u32 s2, s8  }
0xd: {  	s13 =	sor.u32 $0x40000, s12;
	s7 =	ssub.s32 s7, s9;
	s8 =	smul.u32 $0x30D4, s2  }
0xe: {  	s30 =	sshll.u32 s2, $0x7;
	s2 =	sor.u32 $0x1, s2;
	s9 =	sadd.s32 $0x8000, s1  }
0xf: {  	s10 =	smul.u32 $0x30D4, s2;
	s2 =	sshll.u32 s2, $0x7;
	s31 =	smax.u32 s7, $0x1  }
0x10: {  	s8 =	sadd.s32 s0, s8;
	s11 =	sand.u32 $0x380, s2;
	[dreg:$0x9] =	wrdreg s31  }
0x11: {  	s2 =	simm.s32 $0x0;
	[dreg:$0x7] =	wrdreg s8;
	s0 =	sadd.s32 s0, s10  }
0x12: {  	s8 =	sand.u32 $0x300, s30;
	[dreg:$0x8] =	wrdreg s0;
	s0 =	sshrl.u32 @!p0 s4, $0x3  }
0x13: {  	s15 =	sor.u32 s11, s12;
	s14 =	sor.u32 s8, s12;
	[dreg:$0xa] =	wrdreg s0  }
.LBB2_1:
0x14: {  	[dreg:$0xb] =	wrdreg s2  }
0x15: {  	s0 =	rddreg [dreg:$0x7];
	s31 =	simm.s32 $0x0  }
0x16: {  	[tilespmem:s5], [sflag:$0x7] =	stream.linear.gather [hbm4b:s0+s5], $0x186A0, $0x38;
	[tilespmem:$0x1EEA0] =	vst v63  }
.LBB2_2:
0x17: {  	s0 =	smul.u32 @!p0 $0x5000, s31;
	[bflag:$0x0] =	sbarrier.arrive $0xFFFF  }
0x18: {  	s2 =	rddreg [dreg:$0x1]  }
0x19: {  	s6 =	rddreg [dreg:$0xa];
	s0 =	sadd.s32 @!p0 s2, s0;
	s2 =	simm.s32 @!p0 $0x1C08  }
0x1a: {  	[spmem:s6], [sflag:s2] =	dma.local @!p0 [hbm:s0], $0x5000  }
0x1b: {  	s0 =	simm.s32 @!p0 $0x8  }
0x1c: {  	_ =	swait.ge @!p0 [sflag:s0], $0x5000  }
0x1d: {  	[sflag:s0] =	ssyncset.done @!p0 $0x0  }
0x1e: {  	[sflag:s0] =	ssyncadd.s32 @!p0 $0xFFFFB000  }
0x1f: {  	s19 =	smul.u32 $0x140, s31;
	s29 =	simm.s32 $0x1AEA0;
	[bflag:$0x0] =	sbarrier.arrive $0xFFFF  }
0x20: {  	[tilespmem:s29], [sflag:$0x1] =	stream.strided.gather [spmem:s4], $0x1000, s18, s17, $0x38;
	[tilespmem:$0x1EEA0] =	vst v63  }
0x21: {  	s30 =	rddreg [dreg:$0x6]  }
0x22: {  	s0 =	sor.u32 s30, s19  }
0x23: {  	s0 =	sshll.u32 s0, $0xF  }
0x24: {  	s0 =	sor.u32 s8, s0  }
0x25: {  	p1 =	sne.s32 s31, $0x0;
	s0 =	sshrl.u32 s0, $0x3  }
0x26: {  	s2 =	simm.s32 @!p1 $0x7;
	s0 =	sadd.s32 s1, s0  }
0x27: {  	[tilespmem:s20], [sflag:$0x3] =	stream.strided.gather [hbm4b:s0+s17], $0x1000, s18, s17, $0x38;
	[tilespmem:$0x1EEA0] =	vst v63  }
0x28: {  	_ =	swait.ge @!p1 [sflag:s2], $0x186A0  }
0x29: {  	[sflag:s2] =	ssyncset.done @!p1 $0x0  }
0x2a: {  	s7 =	simm.s32 $0x0;
	s0 =	smul.u32 $0x28, s31;
	[sflag:s2] =	ssyncadd.s32 @!p1 $0xFFFE7960  }
.LBB2_3:
0x2b: {  	_ =	swait.ge [sflag:s21], $0x1000  }
0x2c: {  	[sflag:s21] =	ssyncset.done $0x0  }
0x2d: {  	s12 =	sshll.u32 s7, $0x1;
	[sflag:s21] =	ssyncadd.s32 $0xFFFFF000  }
0x2e: {  	p1 =	seq.s32 s7, $0x0;
	s6 =	sshll.u32 s7, $0xD;
	_ =	swait.ge [sflag:s22], $0x1000  }
0x2f: {  	s2 =	simm.s32 @!p1 $0x6;
	s10 =	sor.u32 $0x1, s12;
	[sflag:s22] =	ssyncset.done $0x0  }
0x30: {  	s6 =	sand.u32 $0x38000, s6;
	s19 =	sadd.s32 s0, s12;
	[sflag:s22] =	ssyncadd.s32 $0xFFFFF000  }
0x31: {  	s16 =	sshll.u32 s10, $0x7;
	s6 =	sadd.s32 s6, s4;
	_ =	swait.ge @!p1 [sflag:s2], $0x1000  }
0x32: {  	s19 =	sshll.u32 s19, $0x12;
	s16 =	sand.u32 $0x380, s16;
	[sflag:s2] =	ssyncset.done @!p1 $0x0  }
0x33: {  	s16 =	sadd.s32 s16, s6;
	[sflag:s2] =	ssyncadd.s32 @!p1 $0xFFFFF000;
	s2 =	sor.u32 s14, s19  }
0x34: {  	[tilespmem:s23], [sflag:$0x2] =	stream.strided.gather [spmem:s16], $0x1000, s18, s17, $0x38;
	[tilespmem:$0x1EEA0] =	vst v63  }
0x35: {  	s30 =	sshrl.u32 s2, $0x3  }
0x36: {  	s16 =	simm.s32 $0x1AFA0;
	s2 =	sadd.s32 s30, s9  }
0x37: {  	[tilespmem:s24], [sflag:$0x4] =	stream.strided.gather [hbm4b:s2+s17], $0x1000, s18, s17, $0x38;
	[tilespmem:$0x1EEA0] =	vst v63  }
0x38: {  	v0 =	vld [tilespmem:s16+$0x80];
	_ =	sdelay $0x3  }
0x39: {  	v1 =	vld [tilespmem:s16+$0xFFFFFF00];
	_ =	sdelay $0x1  }
0x3a: {  	s2 =	simm.s32 $0x1CFA0  }
0x3b: {  	v2 =	vld [tilespmem:s2+$0x80]  }
0x3c: {  	v0 =	vld.idx.msk [tilespmem:v0+s5+$0x0], $0xffff;
	_ =	sdelay $0x1  }
0x3d: {  	v3 =	vld [tilespmem:s16+$0xFFFFFF80]  }
0x3e: {  	v4 =	vld [tilespmem:s16+$0x0]  }
0x3f: {  	v1 =	vld.idx.msk [tilespmem:v1+s5+$0x0], $0xffff  }
0x40: {  	v0 =	vadd.f32 v2, v0;
	v2 =	vld [tilespmem:s2+$0xFFFFFF00];
	_ =	sdelay $0x1  }
0x41: {  	v5 =	vld [tilespmem:s2+$0xFFFFFF80];
	[tilespmem:s2+$0x80] =	vst v0  }
0x42: {  	v0 =	vld [tilespmem:s16+$0x90]  }
0x43: {  	v6 =	vld [tilespmem:s2+$0x0]  }
0x44: {  	v3 =	vld.idx.msk [tilespmem:v3+s5+$0x0], $0xffff;
	v1 =	vadd.f32 v2, v1  }
0x45: {  	v4 =	vld.idx.msk [tilespmem:v4+s5+$0x0], $0xffff  }
0x46: {  	[tilespmem:s2+$0xFFFFFF00] =	vst v1  }
0x47: {  	v1 =	vld [tilespmem:s16+$0xFFFFFF10];
	_ =	sdelay $0x1  }
0x48: {  	v7 =	vld [tilespmem:s2+$0x90];
	v3 =	vadd.f32 v5, v3  }
0x49: {  	v4 =	vadd.f32 v6, v4;
	v0 =	vld.idx.msk [tilespmem:v0+s5+$0x0], $0xffff  }
0x4a: {  	[tilespmem:s2+$0xFFFFFF80] =	vst v3  }
0x4b: {  	[tilespmem:s2+$0x0] =	vst v4;
	v3 =	vld [tilespmem:s16+$0xFFFFFF90]  }
0x4c: {  	v4 =	vld [tilespmem:s16+$0x10]  }
0x4d: {  	v2 =	vld [tilespmem:s2+$0xFFFFFF10]  }
0x4e: {  	v0 =	vadd.f32 v7, v0;
	v1 =	vld.idx.msk [tilespmem:v1+s5+$0x0], $0xffff;
	_ =	sdelay $0x1  }
0x4f: {  	[tilespmem:s2+$0x90] =	vst v0  }
0x50: {  	v0 =	vld [tilespmem:s16+$0xA0]  }
0x51: {  	v5 =	vld [tilespmem:s2+$0xFFFFFF90]  }
0x52: {  	v1 =	vadd.f32 v2, v1;
	v2 =	vld.idx.msk [tilespmem:v3+s5+$0x0], $0xffff;
	_ =	sdelay $0x1  }
0x53: {  	v6 =	vld [tilespmem:s2+$0x10]  }
0x54: {  	v3 =	vld.idx.msk [tilespmem:v4+s5+$0x0], $0xffff  }
0x55: {  	v8 =	vld [tilespmem:s2+$0xFFFFFFA0]  }
0x56: {  	v4 =	vld [tilespmem:s2+$0xA0];
	v2 =	vadd.f32 v5, v2  }
0x57: {  	[tilespmem:s2+$0xFFFFFF10] =	vst v1;
	v0 =	vld.idx.msk [tilespmem:v0+s5+$0x0], $0xffff  }
0x58: {  	v1 =	vld [tilespmem:s16+$0xFFFFFF20];
	[tilespmem:s2+$0xFFFFFF90] =	vst v2  }
0x59: {  	v2 =	vadd.f32 v6, v3;
	v3 =	vld [tilespmem:s16+$0xFFFFFFA0]  }
0x5a: {  	v9 =	vld [tilespmem:s2+$0x20]  }
0x5b: {  	v10 =	vld [tilespmem:s2+$0xFFFFFFB0]  }
0x5c: {  	v11 =	vld [tilespmem:s2+$0x30];
	[tilespmem:s2+$0x10] =	vst v2;
	v0 =	vadd.f32 v4, v0  }
0x5d: {  	v4 =	vld [tilespmem:s16+$0x20]  }
0x5e: {  	v7 =	vld [tilespmem:s2+$0xFFFFFF20];
	[tilespmem:s2+$0xA0] =	vst v0  }
0x5f: {  	v0 =	vld [tilespmem:s16+$0xB0]  }
0x60: {  	v1 =	vld.idx.msk [tilespmem:v1+s5+$0x0], $0xffff  }
0x61: {  	v3 =	vld.idx.msk [tilespmem:v3+s5+$0x0], $0xffff  }
0x62: {  	v12 =	vld [tilespmem:s2+$0xFFFFFFC0]  }
0x63: {  	v13 =	vld [tilespmem:s2+$0x40]  }
0x64: {  	v14 =	vld [tilespmem:s2+$0xFFFFFFD0]  }
0x65: {  	v1 =	vadd.f32 v7, v1;
	v4 =	vld.idx.msk [tilespmem:v4+s5+$0x0], $0xffff  }
0x66: {  	v7 =	vadd.f32 v8, v3;
	v8 =	vld [tilespmem:s2+$0xB0]  }
0x67: {  	[tilespmem:s2+$0xFFFFFF20] =	vst v1;
	v0 =	vld.idx.msk [tilespmem:v0+s5+$0x0], $0xffff  }
0x68: {  	v1 =	vld [tilespmem:s16+$0xFFFFFF30];
	[tilespmem:s2+$0xFFFFFFA0] =	vst v7  }
0x69: {  	s6 =	simm.s32 $0x1B1A0;
	v7 =	vld [tilespmem:s16+$0xFFFFFFB0]  }
0x6a: {  	v15 =	vld [tilespmem:s6+$0x80];
	v4 =	vadd.f32 v9, v4  }
0x6b: {  	s19 =	simm.s32 $0x1D1A0;
	v16 =	vld [tilespmem:s6+$0x0]  }
0x6c: {  	v17 =	vld [tilespmem:s19+$0x80];
	[tilespmem:s2+$0x20] =	vst v4;
	v0 =	vadd.f32 v8, v0  }
0x6d: {  	v9 =	vld [tilespmem:s16+$0x30]  }
0x6e: {  	v5 =	vld [tilespmem:s2+$0xFFFFFF30];
	[tilespmem:s2+$0xB0] =	vst v0  }
0x6f: {  	v0 =	vld [tilespmem:s16+$0xC0]  }
0x70: {  	v1 =	vld.idx.msk [tilespmem:v1+s5+$0x0], $0xffff  }
0x71: {  	v7 =	vld.idx.msk [tilespmem:v7+s5+$0x0], $0xffff  }
0x72: {  	v18 =	vld [tilespmem:s19+$0xFFFFFF00]  }
0x73: {  	v19 =	vld [tilespmem:s19+$0xFFFFFF80]  }
0x74: {  	v20 =	vld [tilespmem:s19+$0xFFFFFF10]  }
0x75: {  	v1 =	vadd.f32 v5, v1;
	v8 =	vld.idx.msk [tilespmem:v9+s5+$0x0], $0xffff  }
0x76: {  	v9 =	vld [tilespmem:s2+$0xC0];
	v7 =	vadd.f32 v10, v7  }
0x77: {  	[tilespmem:s2+$0xFFFFFF30] =	vst v1;
	v0 =	vld.idx.msk [tilespmem:v0+s5+$0x0], $0xffff  }
0x78: {  	v1 =	vld [tilespmem:s16+$0xFFFFFF40];
	[tilespmem:s2+$0xFFFFFFB0] =	vst v7  }
0x79: {  	v7 =	vld [tilespmem:s16+$0xFFFFFFC0]  }
0x7a: {  	v21 =	vld [tilespmem:s19+$0xFFFFFF20];
	v8 =	vadd.f32 v11, v8  }
0x7b: {  	v22 =	vld [tilespmem:s19+$0xFFFFFFA0]  }
0x7c: {  	v15 =	vld.idx.msk [tilespmem:v15+s5+$0x0], $0xffff;
	[tilespmem:s2+$0x30] =	vst v8;
	v0 =	vadd.f32 v9, v0  }
0x7d: {  	v8 =	vld [tilespmem:s16+$0x40]  }
0x7e: {  	v6 =	vld [tilespmem:s2+$0xFFFFFF40];
	[tilespmem:s2+$0xC0] =	vst v0  }
0x7f: {  	v11 =	vld [tilespmem:s16+$0xD0]  }
0x80: {  	v1 =	vld.idx.msk [tilespmem:v1+s5+$0x0], $0xffff  }
0x81: {  	v7 =	vld.idx.msk [tilespmem:v7+s5+$0x0], $0xffff  }
0x82: {  	v23 =	vld [tilespmem:s2+$0xF0]  }
0x83: {  	v24 =	vld [tilespmem:s19+$0xFFFFFFB0]  }
0x84: {  	v25 =	vld [tilespmem:s19+$0x30]  }
0x85: {  	v15 =	vadd.f32 v17, v15;
	v0 =	vadd.f32 v6, v1;
	v6 =	vld.idx.msk [tilespmem:v8+s5+$0x0], $0xffff  }
0x86: {  	v26 =	vld [tilespmem:s19+$0xFFFFFF40];
	v7 =	vadd.f32 v12, v7  }
0x87: {  	[tilespmem:s19+$0x80] =	vst v15;
	v11 =	vld.idx.msk [tilespmem:v11+s5+$0x0], $0xffff  }
0x88: {  	[tilespmem:s2+$0xFFFFFFC0] =	vst v7;
	v7 =	vld [tilespmem:s2+$0xD0]  }
0x89: {  	v15 =	vld [tilespmem:s6+$0x90]  }
0x8a: {  	v27 =	vld [tilespmem:s19+$0xFFFFFFC0];
	v6 =	vadd.f32 v13, v6  }
0x8b: {  	v28 =	vld [tilespmem:s19+$0x40]  }
0x8c: {  	[tilespmem:s2+$0x40] =	vst v6;
	v6 =	vld [tilespmem:s6+$0xFFFFFF00]  }
0x8d: {  	v16 =	vld.idx.msk [tilespmem:v16+s5+$0x0], $0xffff;
	v7 =	vadd.f32 v7, v11  }
0x8e: {  	v13 =	vld [tilespmem:s6+$0xFFFFFF80]  }
0x8f: {  	v17 =	vld [tilespmem:s2+$0xE0];
	[tilespmem:s2+$0xD0] =	vst v7  }
0x90: {  	v7 =	vld [tilespmem:s16+$0xE0]  }
0x91: {  	v15 =	vld.idx.msk [tilespmem:v15+s5+$0x0], $0xffff  }
0x92: {  	v2 =	vld [tilespmem:s2+$0xFFFFFF50]  }
0x93: {  	v3 =	vld [tilespmem:s2+$0x50]  }
0x94: {  	v6 =	vld.idx.msk [tilespmem:v6+s5+$0x0], $0xffff  }
0x95: {  	v4 =	vld [tilespmem:s2+$0xFFFFFF60]  }
0x96: {  	v13 =	vld.idx.msk [tilespmem:v13+s5+$0x0], $0xffff  }
0x97: {  	v5 =	vld [tilespmem:s2+$0xFFFFFFE0]  }
0x98: {  	v7 =	vld.idx.msk [tilespmem:v7+s5+$0x0], $0xffff  }
0x99: {  	v6 =	vadd.f32 v18, v6;
	v18 =	vld [tilespmem:s19+$0x0]  }
0x9a: {  	v10 =	vld [tilespmem:s2+$0x60]  }
0x9b: {  	v9 =	vld [tilespmem:s2+$0xFFFFFF70];
	[tilespmem:s2+$0xFFFFFF40] =	vst v0;
	v13 =	vadd.f32 v19, v13  }
0x9c: {  	v8 =	vld [tilespmem:s16+$0xFFFFFF50]  }
0x9d: {  	v1 =	vld [tilespmem:s2+$0x70];
	[tilespmem:s19+$0xFFFFFF80] =	vst v13;
	v7 =	vadd.f32 v17, v7  }
0x9e: {  	v0 =	vld [tilespmem:s2+$0xFFFFFFF0];
	[tilespmem:s19+$0xFFFFFF00] =	vst v6;
	v13 =	vadd.f32 v18, v16  }
0x9f: {  	v17 =	vld [tilespmem:s6+$0xFFFFFF10];
	[tilespmem:s2+$0xE0] =	vst v7  }
0xa0: {  	[tilespmem:s19+$0x0] =	vst v13;
	v13 =	vld [tilespmem:s19+$0x90]  }
0xa1: {  	v7 =	vld [tilespmem:s16+$0xF0]  }
0xa2: {  	v16 =	vld [tilespmem:s6+$0xFFFFFF90]  }
0xa3: {  	v12 =	vld [tilespmem:s16+$0xFFFFFFD0]  }
0xa4: {  	v8 =	vld.idx.msk [tilespmem:v8+s5+$0x0], $0xffff  }
0xa5: {  	v18 =	vld [tilespmem:s6+$0x10];
	v13 =	vadd.f32 v13, v15  }
0xa6: {  	v6 =	vld [tilespmem:s19+$0xFFFFFF90]  }
0xa7: {  	v17 =	vld.idx.msk [tilespmem:v17+s5+$0x0], $0xffff;
	[tilespmem:s19+$0x90] =	vst v13  }
0xa8: {  	v13 =	vld [tilespmem:s6+$0xA0]  }
0xa9: {  	v15 =	vld.idx.msk [tilespmem:v7+s5+$0x0], $0xffff  }
0xaa: {  	v7 =	vld.idx.msk [tilespmem:v16+s5+$0x0], $0xffff  }
0xab: {  	v12 =	vld.idx.msk [tilespmem:v12+s5+$0x0], $0xffff  }
0xac: {  	v19 =	vld [tilespmem:s19+$0x10];
	v16 =	vadd.f32 v20, v17  }
0xad: {  	v17 =	vld.idx.msk [tilespmem:v18+s5+$0x0], $0xffff  }
0xae: {  	v11 =	vld [tilespmem:s16+$0x50];
	v2 =	vadd.f32 v2, v8;
	[tilespmem:s19+$0xFFFFFF10] =	vst v16  }
0xaf: {  	v63 =	vld [tilespmem:s6+$0xFFFFFF20];
	v6 =	vadd.f32 v6, v7  }
0xb0: {  	[tilespmem:s2+$0xFFFFFF50] =	vst v2;
	v12 =	vadd.f32 v14, v12;
	v13 =	vld.idx.msk [tilespmem:v13+s5+$0x0], $0xffff  }
0xb1: {  	[tilespmem:s19+$0xFFFFFF90] =	vst v6;
	v6 =	vld [tilespmem:s19+$0xA0]  }
0xb2: {  	[tilespmem:s2+$0xFFFFFFD0] =	vst v12;
	v12 =	vld [tilespmem:s16+$0xFFFFFF60];
	v7 =	vadd.f32 v19, v17  }
0xb3: {  	v17 =	vld [tilespmem:s6+$0xFFFFFFA0]  }
0xb4: {  	v8 =	vld [tilespmem:s19+$0xFFFFFFD0];
	[tilespmem:s19+$0x10] =	vst v7  }
0xb5: {  	v19 =	vld [tilespmem:s6+$0x20]  }
0xb6: {  	v11 =	vld.idx.msk [tilespmem:v11+s5+$0x0], $0xffff;
	v6 =	vadd.f32 v6, v13  }
0xb7: {  	v20 =	vld.idx.msk [tilespmem:v63+s5+$0x0], $0xffff  }
0xb8: {  	v2 =	vld [tilespmem:s19+$0x50];
	[tilespmem:s19+$0xA0] =	vst v6  }
0xb9: {  	v6 =	vld [tilespmem:s6+$0xB0]  }
0xba: {  	v12 =	vld.idx.msk [tilespmem:v12+s5+$0x0], $0xffff  }
0xbb: {  	v3 =	vadd.f32 v3, v11;
	v17 =	vld.idx.msk [tilespmem:v17+s5+$0x0], $0xffff  }
0xbc: {  	v18 =	vld [tilespmem:s19+$0x20];
	v13 =	vadd.f32 v21, v20  }
0xbd: {  	[tilespmem:s2+$0x50] =	vst v3;
	v19 =	vld.idx.msk [tilespmem:v19+s5+$0x0], $0xffff  }
0xbe: {  	v3 =	vld [tilespmem:s19+$0xFFFFFF60];
	[tilespmem:s19+$0xFFFFFF20] =	vst v13  }
0xbf: {  	v13 =	vld [tilespmem:s6+$0xFFFFFF30]  }
0xc0: {  	v14 =	vadd.f32 v22, v17;
	v17 =	vld [tilespmem:s16+$0xFFFFFFE0]  }
0xc1: {  	v4 =	vadd.f32 v4, v12;
	v6 =	vld.idx.msk [tilespmem:v6+s5+$0x0], $0xffff  }
0xc2: {  	v18 =	vadd.f32 v18, v19;
	[tilespmem:s19+$0xFFFFFFA0] =	vst v14;
	v14 =	vld [tilespmem:s19+$0xB0]  }
0xc3: {  	[tilespmem:s2+$0xFFFFFF60] =	vst v4;
	v4 =	vld [tilespmem:s19+$0x60]  }
0xc4: {  	v11 =	vld [tilespmem:s6+$0xFFFFFFB0];
	[tilespmem:s19+$0x20] =	vst v18  }
0xc5: {  	v18 =	vld [tilespmem:s6+$0x30]  }
0xc6: {  	v19 =	vld [tilespmem:s16+$0x60]  }
0xc7: {  	v16 =	vld [tilespmem:s19+$0xFFFFFF30];
	v6 =	vadd.f32 v14, v6  }
0xc8: {  	v13 =	vld.idx.msk [tilespmem:v13+s5+$0x0], $0xffff  }
0xc9: {  	v14 =	vld.idx.msk [tilespmem:v17+s5+$0x0], $0xffff;
	[tilespmem:s19+$0xB0] =	vst v6  }
0xca: {  	v17 =	vld [tilespmem:s6+$0xC0]  }
0xcb: {  	v7 =	vld [tilespmem:s19+$0xFFFFFF50]  }
0xcc: {  	v11 =	vld.idx.msk [tilespmem:v11+s5+$0x0], $0xffff  }
0xcd: {  	v6 =	vadd.f32 v16, v13;
	v13 =	vld.idx.msk [tilespmem:v18+s5+$0x0], $0xffff  }
0xce: {  	v16 =	vld.idx.msk [tilespmem:v19+s5+$0x0], $0xffff  }
0xcf: {  	v18 =	vld [tilespmem:s16+$0xFFFFFF70]  }
0xd0: {  	[tilespmem:s19+$0xFFFFFF30] =	vst v6;
	v6 =	vld [tilespmem:s19+$0xFFFFFFE0]  }
0xd1: {  	v12 =	vld [tilespmem:s6+$0xFFFFFF40];
	v11 =	vadd.f32 v24, v11  }
0xd2: {  	v13 =	vadd.f32 v25, v13;
	v17 =	vld.idx.msk [tilespmem:v17+s5+$0x0], $0xffff  }
0xd3: {  	v5 =	vadd.f32 v5, v14;
	[tilespmem:s19+$0xFFFFFFB0] =	vst v11;
	v11 =	vld [tilespmem:s19+$0xC0]  }
0xd4: {  	v14 =	vld [tilespmem:s6+$0xFFFFFFC0];
	[tilespmem:s19+$0x30] =	vst v13  }
0xd5: {  	[tilespmem:s2+$0xFFFFFFE0] =	vst v5;
	v10 =	vadd.f32 v10, v16;
	v13 =	vld [tilespmem:s6+$0x40]  }
0xd6: {  	v16 =	vld [tilespmem:s16+$0xFFFFFFF0]  }
0xd7: {  	v5 =	vld [tilespmem:s19+$0xFFFFFF70];
	[tilespmem:s2+$0x60] =	vst v10  }
0xd8: {  	v10 =	vadd.f32 v11, v17;
	v11 =	vld [tilespmem:s16+$0x70]  }
0xd9: {  	v12 =	vld.idx.msk [tilespmem:v12+s5+$0x0], $0xffff  }
0xda: {  	v17 =	vld.idx.msk [tilespmem:v18+s5+$0x0], $0xffff;
	[tilespmem:s19+$0xC0] =	vst v10  }
0xdb: {  	v18 =	vld [tilespmem:s6+$0xD0]  }
0xdc: {  	v14 =	vld.idx.msk [tilespmem:v14+s5+$0x0], $0xffff  }
0xdd: {  	v19 =	vld.idx.msk [tilespmem:v13+s5+$0x0], $0xffff  }
0xde: {  	v10 =	vadd.f32 v26, v12;
	v12 =	vld.idx.msk [tilespmem:v16+s5+$0x0], $0xffff  }
0xdf: {  	v16 =	vadd.f32 v9, v17;
	v9 =	vld [tilespmem:s19+$0x70]  }
0xe0: {  	[tilespmem:s19+$0xFFFFFF40] =	vst v10;
	v10 =	vld [tilespmem:s19+$0xFFFFFFF0]  }
0xe1: {  	v15 =	vadd.f32 v23, v15;
	v11 =	vld.idx.msk [tilespmem:v11+s5+$0x0], $0xffff  }
0xe2: {  	[tilespmem:s2+$0xFFFFFF70] =	vst v16;
	v16 =	vld [tilespmem:s19+$0xD0];
	v14 =	vadd.f32 v27, v14  }
0xe3: {  	[tilespmem:s2+$0xF0] =	vst v15;
	v13 =	vld [tilespmem:s6+$0xFFFFFF50];
	v17 =	vadd.f32 v28, v19  }
0xe4: {  	v15 =	vld.idx.msk [tilespmem:v18+s5+$0x0], $0xffff;
	[tilespmem:s19+$0xFFFFFFC0] =	vst v14  }
0xe5: {  	s29 =	simm.s32 $0x1B3A0;
	s16 =	simm.s32 $0x4;
	v14 =	vld [tilespmem:s6+$0xFFFFFFD0];
	[tilespmem:s19+$0x40] =	vst v17  }
.LBB2_4:
0xe6: {  	v17 =	vld [tilespmem:s29+$0x80];
	s16 =	sadd.s32 $0x4, s16;
	v12 =	vadd.f32 v0, v12;
	v0 =	vmov v10  }
0xe7: {  	v11 =	vadd.f32 v1, v11;
	v10 =	vld [tilespmem:s29+$0xFFFFFF80];
	p1 =	slt.u32 s16, $0x1C;
	v1 =	vmov v9  }
0xe8: {  	v9 =	vld [tilespmem:s29+$0x0];
	[tilespmem:s2+$0xFFFFFFF0] =	vst v12  }
0xe9: {  	v12 =	vld [tilespmem:s29+$0xFFFFFF00];
	v15 =	vadd.f32 v16, v15;
	[tilespmem:s2+$0x70] =	vst v11;
	s2 =	smov.u32 s19  }
0xea: {  	v11 =	vld [tilespmem:s6+$0x50]  }
0xeb: {  	v13 =	vld.idx.msk [tilespmem:v13+s5+$0x0], $0xffff;
	[tilespmem:s19+$0xD0] =	vst v15  }
0xec: {  	v15 =	vld [tilespmem:s6+$0xE0]  }
0xed: {  	v14 =	vld.idx.msk [tilespmem:v14+s5+$0x0], $0xffff  }
0xee: {  	s19 =	sadd.s32 $0x200, s19;
	v16 =	vld.idx.msk [tilespmem:v17+s5+$0x0], $0xffff  }
0xef: {  	v17 =	vld [tilespmem:s19+$0x80]  }
0xf0: {  	v10 =	vld.idx.msk [tilespmem:v10+s5+$0x0], $0xffff  }
0xf1: {  	v7 =	vadd.f32 v7, v13;
	v12 =	vld.idx.msk [tilespmem:v12+s5+$0x0], $0xffff  }
0xf2: {  	v9 =	vld.idx.msk [tilespmem:v9+s5+$0x0], $0xffff  }
0xf3: {  	v13 =	vld [tilespmem:s19+$0xFFFFFF00];
	[tilespmem:s2+$0xFFFFFF50] =	vst v7;
	v7 =	vadd.f32 v8, v14  }
0xf4: {  	v8 =	vadd.f32 v17, v16;
	v14 =	vld.idx.msk [tilespmem:v15+s5+$0x0], $0xffff  }
0xf5: {  	[tilespmem:s2+$0xFFFFFFD0] =	vst v7;
	v7 =	vld [tilespmem:s2+$0xE0]  }
0xf6: {  	v15 =	vld [tilespmem:s19+$0xFFFFFF80];
	[tilespmem:s19+$0x80] =	vst v8  }
0xf7: {  	v8 =	vld [tilespmem:s29+$0x90]  }
0xf8: {  	v12 =	vadd.f32 v13, v12;
	v13 =	vld [tilespmem:s19+$0x0]  }
0xf9: {  	v16 =	vld [tilespmem:s19+$0xFFFFFF10]  }
0xfa: {  	[tilespmem:s19+$0xFFFFFF00] =	vst v12;
	v12 =	vld [tilespmem:s19+$0xFFFFFF90];
	v7 =	vadd.f32 v7, v14  }
0xfb: {  	v14 =	vld [tilespmem:s29+$0xFFFFFF10];
	v10 =	vadd.f32 v15, v10  }
0xfc: {  	v15 =	vld [tilespmem:s19+$0x10];
	[tilespmem:s2+$0xE0] =	vst v7  }
0xfd: {  	[tilespmem:s19+$0xFFFFFF80] =	vst v10;
	v7 =	vadd.f32 v13, v9;
	v9 =	vld [tilespmem:s6+$0xF0]  }
0xfe: {  	v10 =	vld [tilespmem:s29+$0xFFFFFF90]  }
0xff: {  	[tilespmem:s19+$0x0] =	vst v7;
	v7 =	vld.idx.msk [tilespmem:v8+s5+$0x0], $0xffff  }
0x100: {  	v8 =	vld [tilespmem:s19+$0x90]  }
0x101: {  	v13 =	vld [tilespmem:s29+$0x10]  }
0x102: {  	v17 =	vld [tilespmem:s19+$0xFFFFFF20]  }
0x103: {  	v14 =	vld.idx.msk [tilespmem:v14+s5+$0x0], $0xffff  }
0x104: {  	v18 =	vld [tilespmem:s19+$0xFFFFFFA0]  }
0x105: {  	v7 =	vadd.f32 v8, v7;
	v8 =	vld.idx.msk [tilespmem:v9+s5+$0x0], $0xffff  }
0x106: {  	v9 =	vld [tilespmem:s2+$0xF0]  }
0x107: {  	v10 =	vld.idx.msk [tilespmem:v10+s5+$0x0], $0xffff;
	[tilespmem:s19+$0x90] =	vst v7  }
0x108: {  	v7 =	vld [tilespmem:s29+$0xA0]  }
0x109: {  	v14 =	vadd.f32 v16, v14;
	v13 =	vld.idx.msk [tilespmem:v13+s5+$0x0], $0xffff  }
0x10a: {  	v16 =	vld [tilespmem:s19+$0x20]  }
0x10b: {  	[tilespmem:s19+$0xFFFFFF10] =	vst v14;
	v14 =	vld [tilespmem:s19+$0xFFFFFF30];
	v8 =	vadd.f32 v9, v8  }
0x10c: {  	v9 =	vld [tilespmem:s29+$0xFFFFFF20]  }
0x10d: {  	v10 =	vadd.f32 v12, v10;
	v12 =	vld [tilespmem:s19+$0xFFFFFFB0];
	[tilespmem:s2+$0xF0] =	vst v8  }
0x10e: {  	v19 =	vld [tilespmem:s19+$0x30]  }
0x10f: {  	v8 =	vadd.f32 v15, v13;
	v20 =	vld [tilespmem:s19+$0xFFFFFF40];
	[tilespmem:s19+$0xFFFFFF90] =	vst v10  }
0x110: {  	v7 =	vld.idx.msk [tilespmem:v7+s5+$0x0], $0xffff  }
0x111: {  	[tilespmem:s19+$0x10] =	vst v8;
	v8 =	vld [tilespmem:s19+$0xA0]  }
0x112: {  	v10 =	vld [tilespmem:s29+$0xFFFFFFA0]  }
0x113: {  	v13 =	vld [tilespmem:s29+$0x20]  }
0x114: {  	v9 =	vld.idx.msk [tilespmem:v9+s5+$0x0], $0xffff  }
0x115: {  	v15 =	vld [tilespmem:s19+$0xFFFFFFC0]  }
0x116: {  	v21 =	vld [tilespmem:s19+$0x40];
	v8 =	vadd.f32 v8, v7  }
0x117: {  	v11 =	vld.idx.msk [tilespmem:v11+s5+$0x0], $0xffff  }
0x118: {  	v7 =	vld [tilespmem:s19+$0xFFFFFF50];
	[tilespmem:s19+$0xA0] =	vst v8  }
0x119: {  	v22 =	vld [tilespmem:s29+$0xB0]  }
0x11a: {  	v8 =	vadd.f32 v17, v9;
	v9 =	vld.idx.msk [tilespmem:v10+s5+$0x0], $0xffff  }
0x11b: {  	v10 =	vld.idx.msk [tilespmem:v13+s5+$0x0], $0xffff  }
0x11c: {  	[tilespmem:s19+$0xFFFFFF20] =	vst v8;
	v8 =	vld [tilespmem:s19+$0xFFFFFFD0]  }
0x11d: {  	v11 =	vadd.f32 v2, v11;
	v13 =	vld [tilespmem:s29+$0xFFFFFF30]  }
0x11e: {  	v2 =	vld [tilespmem:s19+$0x50]  }
0x11f: {  	v17 =	vld [tilespmem:s6+$0xFFFFFF60];
	[tilespmem:s2+$0x50] =	vst v11  }
0x120: {  	v9 =	vadd.f32 v18, v9;
	v11 =	vld [tilespmem:s6+$0xFFFFFFE0]  }
0x121: {  	v10 =	vadd.f32 v16, v10;
	v16 =	vld.idx.msk [tilespmem:v22+s5+$0x0], $0xffff  }
0x122: {  	[tilespmem:s19+$0xFFFFFFA0] =	vst v9;
	v9 =	vld [tilespmem:s19+$0xB0]  }
0x123: {  	v18 =	vld [tilespmem:s29+$0xFFFFFFB0];
	[tilespmem:s19+$0x20] =	vst v10  }
0x124: {  	v10 =	vld [tilespmem:s29+$0x30]  }
0x125: {  	v13 =	vld.idx.msk [tilespmem:v13+s5+$0x0], $0xffff  }
0x126: {  	v22 =	vld [tilespmem:s6+$0x60]  }
0x127: {  	v9 =	vadd.f32 v9, v16;
	v16 =	vld.idx.msk [tilespmem:v17+s5+$0x0], $0xffff  }
0x128: {  	v11 =	vld.idx.msk [tilespmem:v11+s5+$0x0], $0xffff  }
0x129: {  	v17 =	vld [tilespmem:s19+$0xFFFFFF60];
	[tilespmem:s19+$0xB0] =	vst v9  }
0x12a: {  	v9 =	vld [tilespmem:s29+$0xC0]  }
0x12b: {  	v13 =	vadd.f32 v14, v13;
	v14 =	vld.idx.msk [tilespmem:v18+s5+$0x0], $0xffff  }
0x12c: {  	v10 =	vld.idx.msk [tilespmem:v10+s5+$0x0], $0xffff  }
0x12d: {  	v16 =	vadd.f32 v3, v16;
	[tilespmem:s19+$0xFFFFFF30] =	vst v13;
	v13 =	vld [tilespmem:s19+$0xFFFFFFE0]  }
0x12e: {  	v6 =	vadd.f32 v6, v11;
	v18 =	vld [tilespmem:s29+$0xFFFFFF40];
	v3 =	vmov v17  }
0x12f: {  	[tilespmem:s2+$0xFFFFFF60] =	vst v16;
	v11 =	vld.idx.msk [tilespmem:v22+s5+$0x0], $0xffff  }
0x130: {  	v16 =	vld [tilespmem:s19+$0x60];
	[tilespmem:s2+$0xFFFFFFE0] =	vst v6  }
0x131: {  	v12 =	vadd.f32 v12, v14;
	v14 =	vld [tilespmem:s6+$0xFFFFFF70]  }
0x132: {  	v10 =	vadd.f32 v19, v10;
	v9 =	vld.idx.msk [tilespmem:v9+s5+$0x0], $0xffff;
	v6 =	vmov v13  }
0x133: {  	[tilespmem:s19+$0xFFFFFFB0] =	vst v12;
	v12 =	vld [tilespmem:s19+$0xC0]  }
0x134: {  	v13 =	vld [tilespmem:s29+$0xFFFFFFC0];
	[tilespmem:s19+$0x30] =	vst v10  }
0x135: {  	v11 =	vadd.f32 v4, v11;
	v10 =	vld [tilespmem:s29+$0x40];
	v4 =	vmov v16  }
0x136: {  	v16 =	vld.idx.msk [tilespmem:v18+s5+$0x0], $0xffff  }
0x137: {  	v17 =	vld [tilespmem:s6+$0xFFFFFFF0];
	[tilespmem:s2+$0x60] =	vst v11  }
0x138: {  	v9 =	vadd.f32 v12, v9;
	v11 =	vld [tilespmem:s6+$0x70];
	s6 =	smov.u32 s29  }
0x139: {  	v12 =	vld.idx.msk [tilespmem:v14+s5+$0x0], $0xffff  }
0x13a: {  	v14 =	vld [tilespmem:s19+$0xFFFFFF70];
	[tilespmem:s19+$0xC0] =	vst v9  }
0x13b: {  	v18 =	vld [tilespmem:s29+$0xD0]  }
0x13c: {  	v9 =	vadd.f32 v20, v16;
	v16 =	vld.idx.msk [tilespmem:v13+s5+$0x0], $0xffff  }
0x13d: {  	v19 =	vld.idx.msk [tilespmem:v10+s5+$0x0], $0xffff  }
0x13e: {  	[tilespmem:s19+$0xFFFFFF40] =	vst v9;
	v10 =	vld [tilespmem:s19+$0xFFFFFFF0]  }
0x13f: {  	v9 =	vadd.f32 v5, v12;
	v13 =	vld [tilespmem:s29+$0xFFFFFF50];
	v5 =	vmov v14  }
0x140: {  	v12 =	vld.idx.msk [tilespmem:v17+s5+$0x0], $0xffff  }
.Ltmp0:
0x141: {  	[tilespmem:s2+$0xFFFFFF70] =	vst v9;
	v11 =	vld.idx.msk [tilespmem:v11+s5+$0x0], $0xffff;
	(pc) =	sbr.rel @p1 .LBB2_4-.Ltmp0, $4  }
0x142: {  	v14 =	vadd.f32 v15, v16;
	v9 =	vld [tilespmem:s19+$0x70]  }
0x143: {  	v17 =	vadd.f32 v21, v19;
	v15 =	vld.idx.msk [tilespmem:v18+s5+$0x0], $0xffff  }
0x144: {  	[tilespmem:s19+$0xFFFFFFC0] =	vst v14;
	v16 =	vld [tilespmem:s19+$0xD0]  }
0x145: {  	s29 =	sadd.s32 $0x200, s29;
	v14 =	vld [tilespmem:s6+$0xFFFFFFD0];
	[tilespmem:s19+$0x40] =	vst v17  }
0x146: {  	_ = 	snop  }
0x147: {  	v17 =	vld [tilespmem:s6+$0x50];
	_ =	sdelay $0x5  }
0x148: {  	v13 =	vld.idx.msk [tilespmem:v13+s5+$0x0], $0xffff  }
0x149: {  	v14 =	vld.idx.msk [tilespmem:v14+s5+$0x0], $0xffff  }
0x14a: {  	v15 =	vadd.f32 v16, v15;
	v16 =	vld.idx.msk [tilespmem:v17+s5+$0x0], $0xffff;
	_ =	sdelay $0x2  }
0x14b: {  	[tilespmem:s19+$0xD0] =	vst v15;
	v7 =	vadd.f32 v7, v13  }
0x14c: {  	v15 =	vld [tilespmem:s6+$0xE0];
	v8 =	vadd.f32 v8, v14  }
0x14d: {  	[tilespmem:s19+$0xFFFFFF50] =	vst v7;
	v2 =	vadd.f32 v2, v16  }
0x14e: {  	v7 =	vld [tilespmem:s6+$0xFFFFFF60];
	[tilespmem:s19+$0xFFFFFFD0] =	vst v8  }
0x14f: {  	[tilespmem:s19+$0x50] =	vst v2;
	v2 =	vld [tilespmem:s6+$0xFFFFFFE0]  }
0x150: {  	v8 =	vld [tilespmem:s6+$0x60];
	_ =	sdelay $0x2  }
0x151: {  	v14 =	vld [tilespmem:s19+$0xE0]  }
0x152: {  	v13 =	vld.idx.msk [tilespmem:v15+s5+$0x0], $0xffff;
	_ =	sdelay $0x1  }
0x153: {  	v7 =	vld.idx.msk [tilespmem:v7+s5+$0x0], $0xffff  }
0x154: {  	v2 =	vld.idx.msk [tilespmem:v2+s5+$0x0], $0xffff  }
0x155: {  	v8 =	vld.idx.msk [tilespmem:v8+s5+$0x0], $0xffff  }
0x156: {  	v13 =	vadd.f32 v14, v13;
	_ =	sdelay $0x1  }
0x157: {  	[tilespmem:s19+$0xE0] =	vst v13;
	v3 =	vadd.f32 v3, v7  }
0x158: {  	v7 =	vld [tilespmem:s6+$0xF0];
	v2 =	vadd.f32 v6, v2  }
0x159: {  	[tilespmem:s19+$0xFFFFFF60] =	vst v3;
	v3 =	vadd.f32 v4, v8  }
0x15a: {  	[tilespmem:s19+$0xFFFFFFE0] =	vst v2;
	v2 =	vld [tilespmem:s6+$0xFFFFFF70]  }
0x15b: {  	v4 =	vld [tilespmem:s6+$0xFFFFFFF0];
	[tilespmem:s19+$0x60] =	vst v3  }
0x15c: {  	v3 =	vld [tilespmem:s6+$0x70];
	_ =	sdelay $0x3  }
0x15d: {  	v6 =	vld.idx.msk [tilespmem:v7+s5+$0x0], $0xffff  }
0x15e: {  	v7 =	vld [tilespmem:s19+$0xF0]  }
0x15f: {  	v2 =	vld.idx.msk [tilespmem:v2+s5+$0x0], $0xffff  }
0x160: {  	v4 =	vld.idx.msk [tilespmem:v4+s5+$0x0], $0xffff  }
0x161: {  	v0 =	vadd.f32 v0, v12;
	v3 =	vld.idx.msk [tilespmem:v3+s5+$0x0], $0xffff  }
0x162: {  	v1 =	vadd.f32 v1, v11  }
0x163: {  	[tilespmem:s2+$0xFFFFFFF0] =	vst v0;
	v0 =	vadd.f32 v7, v6  }
0x164: {  	[tilespmem:s2+$0x70] =	vst v1;
	v1 =	vadd.f32 v5, v2  }
0x165: {  	[tilespmem:s19+$0xF0] =	vst v0;
	v0 =	vadd.f32 v10, v4  }
0x166: {  	[tilespmem:s19+$0xFFFFFF70] =	vst v1;
	v1 =	vadd.f32 v9, v3  }
0x167: {  	[tilespmem:s19+$0xFFFFFFF0] =	vst v0  }
0x168: {  	s29 =	sadd.s32 s3, s30;
	[tilespmem:s19+$0x70] =	vst v1  }
0x169: {  	[hbm4b:s29+s17] =	stream.strided.scatter [tilespmem:s20], [sflag:$0x5], $0x1000, s18, s17, $0x38;
	[tilespmem:$0x1EEA0] =	vst v63  }
0x16a: {  	_ =	swait.ge [sflag:s25], $0x1000  }
0x16b: {  	[sflag:s25] =	ssyncset.done $0x0  }
0x16c: {  	[sflag:s25] =	ssyncadd.s32 $0xFFFFF000  }
0x16d: {  	p1 =	seq.s32 s7, $0x13;
	s10 =	sadd.s32 s0, s10;
	_ =	swait.ge [sflag:s26], $0x1000  }
0x16e: {  	s16 =	simm.s32 @!p1 $0x1AEA0;
	s2 =	sadd.s32 @!p1 $0x2, s12;
	[sflag:s26] =	ssyncset.done $0x0  }
0x16f: {  	s12 =	simm.s32 @!p1 $0x400;
	s6 =	sshll.u32 @!p1 s2, $0xC;
	[sflag:s26] =	ssyncadd.s32 $0xFFFFF000  }
0x170: {  	s2 =	sshll.u32 @!p1 s2, $0x7;
	s6 =	sand.u32 @!p1 $0x78000, s6;
	_ =	swait.ge [sflag:s28], $0x1000  }
0x171: {  	s2 =	sand.u32 @!p1 $0x300, s2;
	s6 =	sadd.s32 @!p1 s6, s4;
	[sflag:s28] =	ssyncset.done $0x0  }
0x172: {  	s2 =	sadd.s32 @!p1 s2, s6;
	s6 =	simm.s32 @!p1 $0x80;
	[sflag:s28] =	ssyncadd.s32 $0xFFFFF000  }
0x173: {  	[tilespmem:s16], [sflag:$0x1] =	stream.strided.gather @!p1 [spmem:s2], $0x1000, s12, s6, $0x38;
	[tilespmem:$0x1EEA0] =	vst v63  }
0x174: {  	s2 =	sshll.u32 @!p1 s10, $0x12  }
0x175: {  	s2 =	sadd.s32 @!p1 s13, s2  }
0x176: {  	s2 =	sor.u32 @!p1 s8, s2  }
0x177: {  	s2 =	sshrl.u32 @!p1 s2, $0x3  }
0x178: {  	s30 =	simm.s32 $0x1BFA0;
	s16 =	simm.s32 @!p1 $0x1CEA0;
	s2 =	sadd.s32 @!p1 s1, s2  }
0x179: {  	[tilespmem:s16], [sflag:$0x3] =	stream.strided.gather @!p1 [hbm4b:s2+s6], $0x1000, s12, s6, $0x38;
	[tilespmem:$0x1EEA0] =	vst v63  }
0x17a: {  	v0 =	vld [tilespmem:s30+$0x80];
	_ =	sdelay $0x3  }
0x17b: {  	v1 =	vld [tilespmem:s30+$0xFFFFFF00];
	_ =	sdelay $0x1  }
0x17c: {  	s2 =	simm.s32 $0x1DFA0  }
0x17d: {  	v2 =	vld [tilespmem:s2+$0x80]  }
0x17e: {  	v0 =	vld.idx.msk [tilespmem:v0+s5+$0x0], $0xffff;
	_ =	sdelay $0x1  }
0x17f: {  	v3 =	vld [tilespmem:s30+$0xFFFFFF80]  }
0x180: {  	v4 =	vld [tilespmem:s30+$0x0]  }
0x181: {  	v1 =	vld.idx.msk [tilespmem:v1+s5+$0x0], $0xffff  }
0x182: {  	v0 =	vadd.f32 v2, v0;
	v2 =	vld [tilespmem:s2+$0xFFFFFF00];
	_ =	sdelay $0x1  }
0x183: {  	v5 =	vld [tilespmem:s2+$0xFFFFFF80];
	[tilespmem:s2+$0x80] =	vst v0  }
0x184: {  	v0 =	vld [tilespmem:s30+$0x90]  }
0x185: {  	v6 =	vld [tilespmem:s2+$0x0]  }
0x186: {  	v3 =	vld.idx.msk [tilespmem:v3+s5+$0x0], $0xffff;
	v1 =	vadd.f32 v2, v1  }
0x187: {  	v4 =	vld.idx.msk [tilespmem:v4+s5+$0x0], $0xffff  }
0x188: {  	[tilespmem:s2+$0xFFFFFF00] =	vst v1  }
0x189: {  	v1 =	vld [tilespmem:s30+$0xFFFFFF10];
	_ =	sdelay $0x1  }
0x18a: {  	v7 =	vld [tilespmem:s2+$0x90];
	v3 =	vadd.f32 v5, v3  }
0x18b: {  	v4 =	vadd.f32 v6, v4;
	v0 =	vld.idx.msk [tilespmem:v0+s5+$0x0], $0xffff  }
0x18c: {  	[tilespmem:s2+$0xFFFFFF80] =	vst v3  }
0x18d: {  	[tilespmem:s2+$0x0] =	vst v4;
	v3 =	vld [tilespmem:s30+$0xFFFFFF90]  }
0x18e: {  	v4 =	vld [tilespmem:s30+$0x10]  }
0x18f: {  	v2 =	vld [tilespmem:s2+$0xFFFFFF10]  }
0x190: {  	v0 =	vadd.f32 v7, v0;
	v1 =	vld.idx.msk [tilespmem:v1+s5+$0x0], $0xffff;
	_ =	sdelay $0x1  }
0x191: {  	[tilespmem:s2+$0x90] =	vst v0  }
0x192: {  	v0 =	vld [tilespmem:s30+$0xA0]  }
0x193: {  	v5 =	vld [tilespmem:s2+$0xFFFFFF90]  }
0x194: {  	v1 =	vadd.f32 v2, v1;
	v2 =	vld.idx.msk [tilespmem:v3+s5+$0x0], $0xffff;
	_ =	sdelay $0x1  }
0x195: {  	v6 =	vld [tilespmem:s2+$0x10]  }
0x196: {  	v3 =	vld.idx.msk [tilespmem:v4+s5+$0x0], $0xffff  }
0x197: {  	v8 =	vld [tilespmem:s2+$0xFFFFFFA0]  }
0x198: {  	v4 =	vld [tilespmem:s2+$0xA0];
	v2 =	vadd.f32 v5, v2  }
0x199: {  	[tilespmem:s2+$0xFFFFFF10] =	vst v1;
	v0 =	vld.idx.msk [tilespmem:v0+s5+$0x0], $0xffff  }
0x19a: {  	v1 =	vld [tilespmem:s30+$0xFFFFFF20];
	[tilespmem:s2+$0xFFFFFF90] =	vst v2  }
0x19b: {  	v2 =	vadd.f32 v6, v3;
	v3 =	vld [tilespmem:s30+$0xFFFFFFA0]  }
0x19c: {  	v9 =	vld [tilespmem:s2+$0x20]  }
0x19d: {  	v10 =	vld [tilespmem:s2+$0xFFFFFFB0]  }
0x19e: {  	v11 =	vld [tilespmem:s2+$0x30];
	[tilespmem:s2+$0x10] =	vst v2;
	v0 =	vadd.f32 v4, v0  }
0x19f: {  	v4 =	vld [tilespmem:s30+$0x20]  }
0x1a0: {  	v7 =	vld [tilespmem:s2+$0xFFFFFF20];
	[tilespmem:s2+$0xA0] =	vst v0  }
0x1a1: {  	v0 =	vld [tilespmem:s30+$0xB0]  }
0x1a2: {  	v1 =	vld.idx.msk [tilespmem:v1+s5+$0x0], $0xffff  }
0x1a3: {  	v3 =	vld.idx.msk [tilespmem:v3+s5+$0x0], $0xffff  }
0x1a4: {  	v12 =	vld [tilespmem:s2+$0xFFFFFFC0]  }
0x1a5: {  	v13 =	vld [tilespmem:s2+$0x40]  }
0x1a6: {  	v14 =	vld [tilespmem:s2+$0xFFFFFFD0]  }
0x1a7: {  	v1 =	vadd.f32 v7, v1;
	v4 =	vld.idx.msk [tilespmem:v4+s5+$0x0], $0xffff  }
0x1a8: {  	v7 =	vadd.f32 v8, v3;
	v8 =	vld [tilespmem:s2+$0xB0]  }
0x1a9: {  	[tilespmem:s2+$0xFFFFFF20] =	vst v1;
	v0 =	vld.idx.msk [tilespmem:v0+s5+$0x0], $0xffff  }
0x1aa: {  	v1 =	vld [tilespmem:s30+$0xFFFFFF30];
	[tilespmem:s2+$0xFFFFFFA0] =	vst v7  }
0x1ab: {  	s6 =	simm.s32 $0x1C1A0;
	v7 =	vld [tilespmem:s30+$0xFFFFFFB0]  }
0x1ac: {  	v15 =	vld [tilespmem:s6+$0x80];
	v4 =	vadd.f32 v9, v4  }
0x1ad: {  	s12 =	simm.s32 $0x1E1A0;
	v16 =	vld [tilespmem:s6+$0x0]  }
0x1ae: {  	v17 =	vld [tilespmem:s12+$0x80];
	[tilespmem:s2+$0x20] =	vst v4;
	v0 =	vadd.f32 v8, v0  }
0x1af: {  	v9 =	vld [tilespmem:s30+$0x30]  }
0x1b0: {  	v5 =	vld [tilespmem:s2+$0xFFFFFF30];
	[tilespmem:s2+$0xB0] =	vst v0  }
0x1b1: {  	v0 =	vld [tilespmem:s30+$0xC0]  }
0x1b2: {  	v1 =	vld.idx.msk [tilespmem:v1+s5+$0x0], $0xffff  }
0x1b3: {  	v7 =	vld.idx.msk [tilespmem:v7+s5+$0x0], $0xffff  }
0x1b4: {  	v18 =	vld [tilespmem:s12+$0xFFFFFF00]  }
0x1b5: {  	v19 =	vld [tilespmem:s12+$0xFFFFFF80]  }
0x1b6: {  	v20 =	vld [tilespmem:s12+$0xFFFFFF10]  }
0x1b7: {  	v1 =	vadd.f32 v5, v1;
	v8 =	vld.idx.msk [tilespmem:v9+s5+$0x0], $0xffff  }
0x1b8: {  	v9 =	vld [tilespmem:s2+$0xC0];
	v7 =	vadd.f32 v10, v7  }
0x1b9: {  	[tilespmem:s2+$0xFFFFFF30] =	vst v1;
	v0 =	vld.idx.msk [tilespmem:v0+s5+$0x0], $0xffff  }
0x1ba: {  	v1 =	vld [tilespmem:s30+$0xFFFFFF40];
	[tilespmem:s2+$0xFFFFFFB0] =	vst v7  }
0x1bb: {  	v7 =	vld [tilespmem:s30+$0xFFFFFFC0]  }
0x1bc: {  	v21 =	vld [tilespmem:s12+$0xFFFFFF20];
	v8 =	vadd.f32 v11, v8  }
0x1bd: {  	v22 =	vld [tilespmem:s12+$0xFFFFFFA0]  }
0x1be: {  	v15 =	vld.idx.msk [tilespmem:v15+s5+$0x0], $0xffff;
	[tilespmem:s2+$0x30] =	vst v8;
	v0 =	vadd.f32 v9, v0  }
0x1bf: {  	v8 =	vld [tilespmem:s30+$0x40]  }
0x1c0: {  	v6 =	vld [tilespmem:s2+$0xFFFFFF40];
	[tilespmem:s2+$0xC0] =	vst v0  }
0x1c1: {  	v11 =	vld [tilespmem:s30+$0xD0]  }
0x1c2: {  	v1 =	vld.idx.msk [tilespmem:v1+s5+$0x0], $0xffff  }
0x1c3: {  	v7 =	vld.idx.msk [tilespmem:v7+s5+$0x0], $0xffff  }
0x1c4: {  	v23 =	vld [tilespmem:s2+$0xF0]  }
0x1c5: {  	v24 =	vld [tilespmem:s12+$0xFFFFFFB0]  }
0x1c6: {  	v25 =	vld [tilespmem:s12+$0x30]  }
0x1c7: {  	v15 =	vadd.f32 v17, v15;
	v0 =	vadd.f32 v6, v1;
	v6 =	vld.idx.msk [tilespmem:v8+s5+$0x0], $0xffff  }
0x1c8: {  	v26 =	vld [tilespmem:s12+$0xFFFFFF40];
	v7 =	vadd.f32 v12, v7  }
0x1c9: {  	[tilespmem:s12+$0x80] =	vst v15;
	v11 =	vld.idx.msk [tilespmem:v11+s5+$0x0], $0xffff  }
0x1ca: {  	[tilespmem:s2+$0xFFFFFFC0] =	vst v7;
	v7 =	vld [tilespmem:s2+$0xD0]  }
0x1cb: {  	v15 =	vld [tilespmem:s6+$0x90]  }
0x1cc: {  	v27 =	vld [tilespmem:s12+$0xFFFFFFC0];
	v6 =	vadd.f32 v13, v6  }
0x1cd: {  	v28 =	vld [tilespmem:s12+$0x40]  }
0x1ce: {  	[tilespmem:s2+$0x40] =	vst v6;
	v6 =	vld [tilespmem:s6+$0xFFFFFF00]  }
0x1cf: {  	v16 =	vld.idx.msk [tilespmem:v16+s5+$0x0], $0xffff;
	v7 =	vadd.f32 v7, v11  }
0x1d0: {  	v13 =	vld [tilespmem:s6+$0xFFFFFF80]  }
0x1d1: {  	v17 =	vld [tilespmem:s2+$0xE0];
	[tilespmem:s2+$0xD0] =	vst v7  }
0x1d2: {  	v7 =	vld [tilespmem:s30+$0xE0]  }
0x1d3: {  	v15 =	vld.idx.msk [tilespmem:v15+s5+$0x0], $0xffff  }
0x1d4: {  	v2 =	vld [tilespmem:s2+$0xFFFFFF50]  }
0x1d5: {  	v3 =	vld [tilespmem:s2+$0x50]  }
0x1d6: {  	v6 =	vld.idx.msk [tilespmem:v6+s5+$0x0], $0xffff  }
0x1d7: {  	v4 =	vld [tilespmem:s2+$0xFFFFFF60]  }
0x1d8: {  	v13 =	vld.idx.msk [tilespmem:v13+s5+$0x0], $0xffff  }
0x1d9: {  	v5 =	vld [tilespmem:s2+$0xFFFFFFE0]  }
0x1da: {  	v7 =	vld.idx.msk [tilespmem:v7+s5+$0x0], $0xffff  }
0x1db: {  	v6 =	vadd.f32 v18, v6;
	v18 =	vld [tilespmem:s12+$0x0]  }
0x1dc: {  	v10 =	vld [tilespmem:s2+$0x60]  }
0x1dd: {  	v9 =	vld [tilespmem:s2+$0xFFFFFF70];
	[tilespmem:s2+$0xFFFFFF40] =	vst v0;
	v13 =	vadd.f32 v19, v13  }
0x1de: {  	v8 =	vld [tilespmem:s30+$0xFFFFFF50]  }
0x1df: {  	v1 =	vld [tilespmem:s2+$0x70];
	[tilespmem:s12+$0xFFFFFF80] =	vst v13;
	v7 =	vadd.f32 v17, v7  }
0x1e0: {  	v0 =	vld [tilespmem:s2+$0xFFFFFFF0];
	[tilespmem:s12+$0xFFFFFF00] =	vst v6;
	v13 =	vadd.f32 v18, v16  }
0x1e1: {  	v17 =	vld [tilespmem:s6+$0xFFFFFF10];
	[tilespmem:s2+$0xE0] =	vst v7  }
0x1e2: {  	[tilespmem:s12+$0x0] =	vst v13;
	v13 =	vld [tilespmem:s12+$0x90]  }
0x1e3: {  	v7 =	vld [tilespmem:s30+$0xF0]  }
0x1e4: {  	v16 =	vld [tilespmem:s6+$0xFFFFFF90]  }
0x1e5: {  	v12 =	vld [tilespmem:s30+$0xFFFFFFD0]  }
0x1e6: {  	v8 =	vld.idx.msk [tilespmem:v8+s5+$0x0], $0xffff  }
0x1e7: {  	v18 =	vld [tilespmem:s6+$0x10];
	v13 =	vadd.f32 v13, v15  }
0x1e8: {  	v6 =	vld [tilespmem:s12+$0xFFFFFF90]  }
0x1e9: {  	v17 =	vld.idx.msk [tilespmem:v17+s5+$0x0], $0xffff;
	[tilespmem:s12+$0x90] =	vst v13  }
0x1ea: {  	v13 =	vld [tilespmem:s6+$0xA0]  }
0x1eb: {  	v15 =	vld.idx.msk [tilespmem:v7+s5+$0x0], $0xffff  }
0x1ec: {  	v7 =	vld.idx.msk [tilespmem:v16+s5+$0x0], $0xffff  }
0x1ed: {  	v12 =	vld.idx.msk [tilespmem:v12+s5+$0x0], $0xffff  }
0x1ee: {  	v19 =	vld [tilespmem:s12+$0x10];
	v16 =	vadd.f32 v20, v17  }
0x1ef: {  	v17 =	vld.idx.msk [tilespmem:v18+s5+$0x0], $0xffff  }
0x1f0: {  	v11 =	vld [tilespmem:s30+$0x50];
	v2 =	vadd.f32 v2, v8;
	[tilespmem:s12+$0xFFFFFF10] =	vst v16  }
0x1f1: {  	v63 =	vld [tilespmem:s6+$0xFFFFFF20];
	v6 =	vadd.f32 v6, v7  }
0x1f2: {  	[tilespmem:s2+$0xFFFFFF50] =	vst v2;
	v12 =	vadd.f32 v14, v12;
	v13 =	vld.idx.msk [tilespmem:v13+s5+$0x0], $0xffff  }
0x1f3: {  	[tilespmem:s12+$0xFFFFFF90] =	vst v6;
	v6 =	vld [tilespmem:s12+$0xA0]  }
0x1f4: {  	[tilespmem:s2+$0xFFFFFFD0] =	vst v12;
	v12 =	vld [tilespmem:s30+$0xFFFFFF60];
	v7 =	vadd.f32 v19, v17  }
0x1f5: {  	v17 =	vld [tilespmem:s6+$0xFFFFFFA0]  }
0x1f6: {  	v8 =	vld [tilespmem:s12+$0xFFFFFFD0];
	[tilespmem:s12+$0x10] =	vst v7  }
0x1f7: {  	v19 =	vld [tilespmem:s6+$0x20]  }
0x1f8: {  	v11 =	vld.idx.msk [tilespmem:v11+s5+$0x0], $0xffff;
	v6 =	vadd.f32 v6, v13  }
0x1f9: {  	v20 =	vld.idx.msk [tilespmem:v63+s5+$0x0], $0xffff  }
0x1fa: {  	v2 =	vld [tilespmem:s12+$0x50];
	[tilespmem:s12+$0xA0] =	vst v6  }
0x1fb: {  	v6 =	vld [tilespmem:s6+$0xB0]  }
0x1fc: {  	v12 =	vld.idx.msk [tilespmem:v12+s5+$0x0], $0xffff  }
0x1fd: {  	v3 =	vadd.f32 v3, v11;
	v17 =	vld.idx.msk [tilespmem:v17+s5+$0x0], $0xffff  }
0x1fe: {  	v18 =	vld [tilespmem:s12+$0x20];
	v13 =	vadd.f32 v21, v20  }
0x1ff: {  	[tilespmem:s2+$0x50] =	vst v3;
	v19 =	vld.idx.msk [tilespmem:v19+s5+$0x0], $0xffff  }
0x200: {  	v3 =	vld [tilespmem:s12+$0xFFFFFF60];
	[tilespmem:s12+$0xFFFFFF20] =	vst v13  }
0x201: {  	v13 =	vld [tilespmem:s6+$0xFFFFFF30]  }
0x202: {  	v14 =	vadd.f32 v22, v17;
	v17 =	vld [tilespmem:s30+$0xFFFFFFE0]  }
0x203: {  	v4 =	vadd.f32 v4, v12;
	v6 =	vld.idx.msk [tilespmem:v6+s5+$0x0], $0xffff  }
0x204: {  	v18 =	vadd.f32 v18, v19;
	[tilespmem:s12+$0xFFFFFFA0] =	vst v14;
	v14 =	vld [tilespmem:s12+$0xB0]  }
0x205: {  	[tilespmem:s2+$0xFFFFFF60] =	vst v4;
	v4 =	vld [tilespmem:s12+$0x60]  }
0x206: {  	v11 =	vld [tilespmem:s6+$0xFFFFFFB0];
	[tilespmem:s12+$0x20] =	vst v18  }
0x207: {  	v18 =	vld [tilespmem:s6+$0x30]  }
0x208: {  	v19 =	vld [tilespmem:s30+$0x60]  }
0x209: {  	v16 =	vld [tilespmem:s12+$0xFFFFFF30];
	v6 =	vadd.f32 v14, v6  }
0x20a: {  	v13 =	vld.idx.msk [tilespmem:v13+s5+$0x0], $0xffff  }
0x20b: {  	v14 =	vld.idx.msk [tilespmem:v17+s5+$0x0], $0xffff;
	[tilespmem:s12+$0xB0] =	vst v6  }
0x20c: {  	v17 =	vld [tilespmem:s6+$0xC0]  }
0x20d: {  	v7 =	vld [tilespmem:s12+$0xFFFFFF50]  }
0x20e: {  	v11 =	vld.idx.msk [tilespmem:v11+s5+$0x0], $0xffff  }
0x20f: {  	v6 =	vadd.f32 v16, v13;
	v13 =	vld.idx.msk [tilespmem:v18+s5+$0x0], $0xffff  }
0x210: {  	v16 =	vld.idx.msk [tilespmem:v19+s5+$0x0], $0xffff  }
0x211: {  	v18 =	vld [tilespmem:s30+$0xFFFFFF70]  }
0x212: {  	[tilespmem:s12+$0xFFFFFF30] =	vst v6;
	v6 =	vld [tilespmem:s12+$0xFFFFFFE0]  }
0x213: {  	v12 =	vld [tilespmem:s6+$0xFFFFFF40];
	v11 =	vadd.f32 v24, v11  }
0x214: {  	v13 =	vadd.f32 v25, v13;
	v17 =	vld.idx.msk [tilespmem:v17+s5+$0x0], $0xffff  }
0x215: {  	v5 =	vadd.f32 v5, v14;
	[tilespmem:s12+$0xFFFFFFB0] =	vst v11;
	v11 =	vld [tilespmem:s12+$0xC0]  }
0x216: {  	v14 =	vld [tilespmem:s6+$0xFFFFFFC0];
	[tilespmem:s12+$0x30] =	vst v13  }
0x217: {  	[tilespmem:s2+$0xFFFFFFE0] =	vst v5;
	v10 =	vadd.f32 v10, v16;
	v13 =	vld [tilespmem:s6+$0x40]  }
0x218: {  	v16 =	vld [tilespmem:s30+$0xFFFFFFF0]  }
0x219: {  	v5 =	vld [tilespmem:s12+$0xFFFFFF70];
	[tilespmem:s2+$0x60] =	vst v10  }
0x21a: {  	v10 =	vadd.f32 v11, v17;
	v11 =	vld [tilespmem:s30+$0x70]  }
0x21b: {  	v12 =	vld.idx.msk [tilespmem:v12+s5+$0x0], $0xffff  }
0x21c: {  	v17 =	vld.idx.msk [tilespmem:v18+s5+$0x0], $0xffff;
	[tilespmem:s12+$0xC0] =	vst v10  }
0x21d: {  	v18 =	vld [tilespmem:s6+$0xD0]  }
0x21e: {  	v14 =	vld.idx.msk [tilespmem:v14+s5+$0x0], $0xffff  }
0x21f: {  	v19 =	vld.idx.msk [tilespmem:v13+s5+$0x0], $0xffff  }
0x220: {  	v10 =	vadd.f32 v26, v12;
	v12 =	vld.idx.msk [tilespmem:v16+s5+$0x0], $0xffff  }
0x221: {  	v16 =	vadd.f32 v9, v17;
	v9 =	vld [tilespmem:s12+$0x70]  }
0x222: {  	[tilespmem:s12+$0xFFFFFF40] =	vst v10;
	v10 =	vld [tilespmem:s12+$0xFFFFFFF0]  }
0x223: {  	v15 =	vadd.f32 v23, v15;
	v11 =	vld.idx.msk [tilespmem:v11+s5+$0x0], $0xffff  }
0x224: {  	[tilespmem:s2+$0xFFFFFF70] =	vst v16;
	v16 =	vld [tilespmem:s12+$0xD0];
	v14 =	vadd.f32 v27, v14  }
0x225: {  	[tilespmem:s2+$0xF0] =	vst v15;
	v13 =	vld [tilespmem:s6+$0xFFFFFF50];
	v17 =	vadd.f32 v28, v19  }
0x226: {  	v15 =	vld.idx.msk [tilespmem:v18+s5+$0x0], $0xffff;
	[tilespmem:s12+$0xFFFFFFC0] =	vst v14  }
0x227: {  	s19 =	simm.s32 $0x1C3A0;
	s16 =	simm.s32 $0x4;
	v14 =	vld [tilespmem:s6+$0xFFFFFFD0];
	[tilespmem:s12+$0x40] =	vst v17  }
.LBB2_6:
0x228: {  	v17 =	vld [tilespmem:s19+$0x80];
	s16 =	sadd.s32 $0x4, s16;
	v12 =	vadd.f32 v0, v12;
	v0 =	vmov v10  }
0x229: {  	v11 =	vadd.f32 v1, v11;
	v10 =	vld [tilespmem:s19+$0xFFFFFF80];
	p1 =	slt.u32 s16, $0x1C;
	v1 =	vmov v9  }
0x22a: {  	v9 =	vld [tilespmem:s19+$0x0];
	[tilespmem:s2+$0xFFFFFFF0] =	vst v12  }
0x22b: {  	v12 =	vld [tilespmem:s19+$0xFFFFFF00];
	v15 =	vadd.f32 v16, v15;
	[tilespmem:s2+$0x70] =	vst v11;
	s2 =	smov.u32 s12  }
0x22c: {  	v11 =	vld [tilespmem:s6+$0x50]  }
0x22d: {  	v13 =	vld.idx.msk [tilespmem:v13+s5+$0x0], $0xffff;
	[tilespmem:s12+$0xD0] =	vst v15  }
0x22e: {  	v15 =	vld [tilespmem:s6+$0xE0]  }
0x22f: {  	v14 =	vld.idx.msk [tilespmem:v14+s5+$0x0], $0xffff  }
0x230: {  	s12 =	sadd.s32 $0x200, s12;
	v16 =	vld.idx.msk [tilespmem:v17+s5+$0x0], $0xffff  }
0x231: {  	v17 =	vld [tilespmem:s12+$0x80]  }
0x232: {  	v10 =	vld.idx.msk [tilespmem:v10+s5+$0x0], $0xffff  }
0x233: {  	v7 =	vadd.f32 v7, v13;
	v12 =	vld.idx.msk [tilespmem:v12+s5+$0x0], $0xffff  }
0x234: {  	v9 =	vld.idx.msk [tilespmem:v9+s5+$0x0], $0xffff  }
0x235: {  	v13 =	vld [tilespmem:s12+$0xFFFFFF00];
	[tilespmem:s2+$0xFFFFFF50] =	vst v7;
	v7 =	vadd.f32 v8, v14  }
0x236: {  	v8 =	vadd.f32 v17, v16;
	v14 =	vld.idx.msk [tilespmem:v15+s5+$0x0], $0xffff  }
0x237: {  	[tilespmem:s2+$0xFFFFFFD0] =	vst v7;
	v7 =	vld [tilespmem:s2+$0xE0]  }
0x238: {  	v15 =	vld [tilespmem:s12+$0xFFFFFF80];
	[tilespmem:s12+$0x80] =	vst v8  }
0x239: {  	v8 =	vld [tilespmem:s19+$0x90]  }
0x23a: {  	v12 =	vadd.f32 v13, v12;
	v13 =	vld [tilespmem:s12+$0x0]  }
0x23b: {  	v16 =	vld [tilespmem:s12+$0xFFFFFF10]  }
0x23c: {  	[tilespmem:s12+$0xFFFFFF00] =	vst v12;
	v12 =	vld [tilespmem:s12+$0xFFFFFF90];
	v7 =	vadd.f32 v7, v14  }
0x23d: {  	v14 =	vld [tilespmem:s19+$0xFFFFFF10];
	v10 =	vadd.f32 v15, v10  }
0x23e: {  	v15 =	vld [tilespmem:s12+$0x10];
	[tilespmem:s2+$0xE0] =	vst v7  }
0x23f: {  	[tilespmem:s12+$0xFFFFFF80] =	vst v10;
	v7 =	vadd.f32 v13, v9;
	v9 =	vld [tilespmem:s6+$0xF0]  }
0x240: {  	v10 =	vld [tilespmem:s19+$0xFFFFFF90]  }
0x241: {  	[tilespmem:s12+$0x0] =	vst v7;
	v7 =	vld.idx.msk [tilespmem:v8+s5+$0x0], $0xffff  }
0x242: {  	v8 =	vld [tilespmem:s12+$0x90]  }
0x243: {  	v13 =	vld [tilespmem:s19+$0x10]  }
0x244: {  	v17 =	vld [tilespmem:s12+$0xFFFFFF20]  }
0x245: {  	v14 =	vld.idx.msk [tilespmem:v14+s5+$0x0], $0xffff  }
0x246: {  	v18 =	vld [tilespmem:s12+$0xFFFFFFA0]  }
0x247: {  	v7 =	vadd.f32 v8, v7;
	v8 =	vld.idx.msk [tilespmem:v9+s5+$0x0], $0xffff  }
0x248: {  	v9 =	vld [tilespmem:s2+$0xF0]  }
0x249: {  	v10 =	vld.idx.msk [tilespmem:v10+s5+$0x0], $0xffff;
	[tilespmem:s12+$0x90] =	vst v7  }
0x24a: {  	v7 =	vld [tilespmem:s19+$0xA0]  }
0x24b: {  	v14 =	vadd.f32 v16, v14;
	v13 =	vld.idx.msk [tilespmem:v13+s5+$0x0], $0xffff  }
0x24c: {  	v16 =	vld [tilespmem:s12+$0x20]  }
0x24d: {  	[tilespmem:s12+$0xFFFFFF10] =	vst v14;
	v14 =	vld [tilespmem:s12+$0xFFFFFF30];
	v8 =	vadd.f32 v9, v8  }
0x24e: {  	v9 =	vld [tilespmem:s19+$0xFFFFFF20]  }
0x24f: {  	v10 =	vadd.f32 v12, v10;
	v12 =	vld [tilespmem:s12+$0xFFFFFFB0];
	[tilespmem:s2+$0xF0] =	vst v8  }
0x250: {  	v19 =	vld [tilespmem:s12+$0x30]  }
0x251: {  	v8 =	vadd.f32 v15, v13;
	v20 =	vld [tilespmem:s12+$0xFFFFFF40];
	[tilespmem:s12+$0xFFFFFF90] =	vst v10  }
0x252: {  	v7 =	vld.idx.msk [tilespmem:v7+s5+$0x0], $0xffff  }
0x253: {  	[tilespmem:s12+$0x10] =	vst v8;
	v8 =	vld [tilespmem:s12+$0xA0]  }
0x254: {  	v10 =	vld [tilespmem:s19+$0xFFFFFFA0]  }
0x255: {  	v13 =	vld [tilespmem:s19+$0x20]  }
0x256: {  	v9 =	vld.idx.msk [tilespmem:v9+s5+$0x0], $0xffff  }
0x257: {  	v15 =	vld [tilespmem:s12+$0xFFFFFFC0]  }
0x258: {  	v21 =	vld [tilespmem:s12+$0x40];
	v8 =	vadd.f32 v8, v7  }
0x259: {  	v11 =	vld.idx.msk [tilespmem:v11+s5+$0x0], $0xffff  }
0x25a: {  	v7 =	vld [tilespmem:s12+$0xFFFFFF50];
	[tilespmem:s12+$0xA0] =	vst v8  }
0x25b: {  	v22 =	vld [tilespmem:s19+$0xB0]  }
0x25c: {  	v8 =	vadd.f32 v17, v9;
	v9 =	vld.idx.msk [tilespmem:v10+s5+$0x0], $0xffff  }
0x25d: {  	v10 =	vld.idx.msk [tilespmem:v13+s5+$0x0], $0xffff  }
0x25e: {  	[tilespmem:s12+$0xFFFFFF20] =	vst v8;
	v8 =	vld [tilespmem:s12+$0xFFFFFFD0]  }
0x25f: {  	v11 =	vadd.f32 v2, v11;
	v13 =	vld [tilespmem:s19+$0xFFFFFF30]  }
0x260: {  	v2 =	vld [tilespmem:s12+$0x50]  }
0x261: {  	v17 =	vld [tilespmem:s6+$0xFFFFFF60];
	[tilespmem:s2+$0x50] =	vst v11  }
0x262: {  	v9 =	vadd.f32 v18, v9;
	v11 =	vld [tilespmem:s6+$0xFFFFFFE0]  }
0x263: {  	v10 =	vadd.f32 v16, v10;
	v16 =	vld.idx.msk [tilespmem:v22+s5+$0x0], $0xffff  }
0x264: {  	[tilespmem:s12+$0xFFFFFFA0] =	vst v9;
	v9 =	vld [tilespmem:s12+$0xB0]  }
0x265: {  	v18 =	vld [tilespmem:s19+$0xFFFFFFB0];
	[tilespmem:s12+$0x20] =	vst v10  }
0x266: {  	v10 =	vld [tilespmem:s19+$0x30]  }
0x267: {  	v13 =	vld.idx.msk [tilespmem:v13+s5+$0x0], $0xffff  }
0x268: {  	v22 =	vld [tilespmem:s6+$0x60]  }
0x269: {  	v9 =	vadd.f32 v9, v16;
	v16 =	vld.idx.msk [tilespmem:v17+s5+$0x0], $0xffff  }
0x26a: {  	v11 =	vld.idx.msk [tilespmem:v11+s5+$0x0], $0xffff  }
0x26b: {  	v17 =	vld [tilespmem:s12+$0xFFFFFF60];
	[tilespmem:s12+$0xB0] =	vst v9  }
0x26c: {  	v9 =	vld [tilespmem:s19+$0xC0]  }
0x26d: {  	v13 =	vadd.f32 v14, v13;
	v14 =	vld.idx.msk [tilespmem:v18+s5+$0x0], $0xffff  }
0x26e: {  	v10 =	vld.idx.msk [tilespmem:v10+s5+$0x0], $0xffff  }
0x26f: {  	v16 =	vadd.f32 v3, v16;
	[tilespmem:s12+$0xFFFFFF30] =	vst v13;
	v13 =	vld [tilespmem:s12+$0xFFFFFFE0]  }
0x270: {  	v6 =	vadd.f32 v6, v11;
	v18 =	vld [tilespmem:s19+$0xFFFFFF40];
	v3 =	vmov v17  }
0x271: {  	[tilespmem:s2+$0xFFFFFF60] =	vst v16;
	v11 =	vld.idx.msk [tilespmem:v22+s5+$0x0], $0xffff  }
0x272: {  	v16 =	vld [tilespmem:s12+$0x60];
	[tilespmem:s2+$0xFFFFFFE0] =	vst v6  }
0x273: {  	v12 =	vadd.f32 v12, v14;
	v14 =	vld [tilespmem:s6+$0xFFFFFF70]  }
0x274: {  	v10 =	vadd.f32 v19, v10;
	v9 =	vld.idx.msk [tilespmem:v9+s5+$0x0], $0xffff;
	v6 =	vmov v13  }
0x275: {  	[tilespmem:s12+$0xFFFFFFB0] =	vst v12;
	v12 =	vld [tilespmem:s12+$0xC0]  }
0x276: {  	v13 =	vld [tilespmem:s19+$0xFFFFFFC0];
	[tilespmem:s12+$0x30] =	vst v10  }
0x277: {  	v11 =	vadd.f32 v4, v11;
	v10 =	vld [tilespmem:s19+$0x40];
	v4 =	vmov v16  }
0x278: {  	v16 =	vld.idx.msk [tilespmem:v18+s5+$0x0], $0xffff  }
0x279: {  	v17 =	vld [tilespmem:s6+$0xFFFFFFF0];
	[tilespmem:s2+$0x60] =	vst v11  }
0x27a: {  	v9 =	vadd.f32 v12, v9;
	v11 =	vld [tilespmem:s6+$0x70];
	s6 =	smov.u32 s19  }
0x27b: {  	v12 =	vld.idx.msk [tilespmem:v14+s5+$0x0], $0xffff  }
0x27c: {  	v14 =	vld [tilespmem:s12+$0xFFFFFF70];
	[tilespmem:s12+$0xC0] =	vst v9  }
0x27d: {  	v18 =	vld [tilespmem:s19+$0xD0]  }
0x27e: {  	v9 =	vadd.f32 v20, v16;
	v16 =	vld.idx.msk [tilespmem:v13+s5+$0x0], $0xffff  }
0x27f: {  	v19 =	vld.idx.msk [tilespmem:v10+s5+$0x0], $0xffff  }
0x280: {  	[tilespmem:s12+$0xFFFFFF40] =	vst v9;
	v10 =	vld [tilespmem:s12+$0xFFFFFFF0]  }
0x281: {  	v9 =	vadd.f32 v5, v12;
	v13 =	vld [tilespmem:s19+$0xFFFFFF50];
	v5 =	vmov v14  }
0x282: {  	v12 =	vld.idx.msk [tilespmem:v17+s5+$0x0], $0xffff  }
.Ltmp1:
0x283: {  	[tilespmem:s2+$0xFFFFFF70] =	vst v9;
	v11 =	vld.idx.msk [tilespmem:v11+s5+$0x0], $0xffff;
	(pc) =	sbr.rel @p1 .LBB2_6-.Ltmp1, $4  }
0x284: {  	v14 =	vadd.f32 v15, v16;
	v9 =	vld [tilespmem:s12+$0x70]  }
0x285: {  	v17 =	vadd.f32 v21, v19;
	v15 =	vld.idx.msk [tilespmem:v18+s5+$0x0], $0xffff  }
0x286: {  	[tilespmem:s12+$0xFFFFFFC0] =	vst v14;
	v16 =	vld [tilespmem:s12+$0xD0]  }
0x287: {  	s19 =	sadd.s32 $0x200, s19;
	v14 =	vld [tilespmem:s6+$0xFFFFFFD0];
	[tilespmem:s12+$0x40] =	vst v17  }
0x288: {  	_ = 	snop  }
0x289: {  	v17 =	vld [tilespmem:s6+$0x50];
	_ =	sdelay $0x5  }
0x28a: {  	v13 =	vld.idx.msk [tilespmem:v13+s5+$0x0], $0xffff  }
0x28b: {  	v14 =	vld.idx.msk [tilespmem:v14+s5+$0x0], $0xffff  }
0x28c: {  	v49 =	vld.idx.msk [tilespmem:v17+s5+$0x0], $0xffff;
	_ =	sdelay $0x1  }
0x28d: {  	v15 =	vadd.f32 v16, v15  }
0x28e: {  	v7 =	vadd.f32 v7, v13  }
0x28f: {  	[tilespmem:s12+$0xD0] =	vst v15;
	v8 =	vadd.f32 v8, v14  }
0x290: {  	v15 =	vld [tilespmem:s6+$0xE0];
	[tilespmem:s12+$0xFFFFFF50] =	vst v7;
	v2 =	vadd.f32 v2, v49  }
0x291: {  	v7 =	vld [tilespmem:s6+$0xFFFFFF60];
	[tilespmem:s12+$0xFFFFFFD0] =	vst v8  }
0x292: {  	v50 =	vld [tilespmem:s6+$0xFFFFFFE0];
	[tilespmem:s12+$0x50] =	vst v2  }
0x293: {  	v51 =	vld [tilespmem:s6+$0x60];
	_ =	sdelay $0x3  }
0x294: {  	v53 =	vld [tilespmem:s12+$0xE0]  }
0x295: {  	v52 =	vld.idx.msk [tilespmem:v15+s5+$0x0], $0xffff  }
0x296: {  	v7 =	vld.idx.msk [tilespmem:v7+s5+$0x0], $0xffff  }
0x297: {  	v2 =	vld.idx.msk [tilespmem:v50+s5+$0x0], $0xffff  }
0x298: {  	v8 =	vld.idx.msk [tilespmem:v51+s5+$0x0], $0xffff;
	_ =	sdelay $0x1  }
0x299: {  	v13 =	vadd.f32 v53, v52  }
0x29a: {  	v3 =	vadd.f32 v3, v7  }
0x29b: {  	[tilespmem:s12+$0xE0] =	vst v13;
	v2 =	vadd.f32 v6, v2  }
0x29c: {  	v54 =	vld [tilespmem:s6+$0xF0];
	[tilespmem:s12+$0xFFFFFF60] =	vst v3;
	v55 =	vadd.f32 v4, v8  }
0x29d: {  	v56 =	vld [tilespmem:s6+$0xFFFFFF70];
	[tilespmem:s12+$0xFFFFFFE0] =	vst v2  }
0x29e: {  	v57 =	vld [tilespmem:s6+$0xFFFFFFF0];
	[tilespmem:s12+$0x60] =	vst v55  }
0x29f: {  	v3 =	vld [tilespmem:s6+$0x70];
	_ =	sdelay $0x3  }
0x2a0: {  	v59 =	vld [tilespmem:s12+$0xF0]  }
0x2a1: {  	v58 =	vld.idx.msk [tilespmem:v54+s5+$0x0], $0xffff  }
0x2a2: {  	v2 =	vld.idx.msk [tilespmem:v56+s5+$0x0], $0xffff  }
0x2a3: {  	v4 =	vld.idx.msk [tilespmem:v57+s5+$0x0], $0xffff  }
0x2a4: {  	v0 =	vadd.f32 v0, v12;
	v3 =	vld.idx.msk [tilespmem:v3+s5+$0x0], $0xffff  }
0x2a5: {  	v1 =	vadd.f32 v1, v11  }
0x2a6: {  	s7 =	sadd.s32 $0x1, s7;
	[tilespmem:s2+$0xFFFFFFF0] =	vst v0;
	v60 =	vadd.f32 v59, v58  }
0x2a7: {  	p1 =	sne.s32 s7, $0x14;
	[tilespmem:s2+$0x70] =	vst v1;
	v61 =	vadd.f32 v5, v2  }
.Ltmp2:
0x2a8: {  	s30 =	sshll.u32 s10, $0x12;
	[tilespmem:s12+$0xF0] =	vst v60;
	v62 =	vadd.f32 v10, v4;
	(pc) =	sbr.rel @p1 .LBB2_3-.Ltmp2, $4  }
0x2a9: {  	s2 =	sor.u32 s14, s30;
	[tilespmem:s12+$0xFFFFFF70] =	vst v61;
	v63 =	vadd.f32 v9, v3  }
0x2aa: {  	s2 =	sshrl.u32 s2, $0x3;
	[tilespmem:s12+$0xFFFFFFF0] =	vst v62  }
0x2ab: {  	s2 =	sadd.s32 s3, s2;
	[tilespmem:s12+$0x70] =	vst v63  }
0x2ac: {  	[hbm4b:s2+s17] =	stream.strided.scatter [tilespmem:s24], [sflag:$0x6], $0x1000, s18, s17, $0x38;
	[tilespmem:$0x1EEA0] =	vst v63  }
0x2ad: {  	s31 =	sadd.s32 $0x1, s31  }
0x2ae: {  	p1 =	sne.s32 s31, $0x5  }
.Ltmp3:
0x2af: {  	_ = 	snop;
	(pc) =	sbr.rel @p1 .LBB2_2-.Ltmp3, $4  }
0x2b0: {  	s0 =	simm.s32 $0x6  }
0x2b1: {  	_ =	swait.ge [sflag:s0], $0x1000  }
0x2b2: {  	[sflag:s0] =	ssyncset.done $0x0  }
0x2b3: {  	[sflag:s0] =	ssyncadd.s32 $0xFFFFF000  }
0x2b4: {  	s31 =	simm.s32 $0x0;
	s0 =	rddreg [dreg:$0x8]  }
0x2b5: {  	[tilespmem:s31], [sflag:$0x7] =	stream.linear.gather [hbm4b:s0+s31], $0x186A0, $0x38;
	[tilespmem:$0x1EEA0] =	vst v63  }
.LBB2_10:
0x2b6: {  	s0 =	smul.u32 @!p0 $0x5000, s31;
	[bflag:$0x0] =	sbarrier.arrive $0xFFFF  }
0x2b7: {  	s2 =	rddreg [dreg:$0x1]  }
0x2b8: {  	s6 =	rddreg [dreg:$0xa];
	s0 =	sadd.s32 @!p0 s2, s0;
	s2 =	simm.s32 @!p0 $0x1C08  }
0x2b9: {  	[spmem:s6], [sflag:s2] =	dma.local @!p0 [hbm:s0], $0x5000  }
0x2ba: {  	s0 =	simm.s32 @!p0 $0x8  }
0x2bb: {  	_ =	swait.ge @!p0 [sflag:s0], $0x5000  }
0x2bc: {  	[sflag:s0] =	ssyncset.done @!p0 $0x0  }
0x2bd: {  	[sflag:s0] =	ssyncadd.s32 @!p0 $0xFFFFB000  }
0x2be: {  	s19 =	smul.u32 $0x140, s31;
	s29 =	simm.s32 $0x1AEA0;
	[bflag:$0x0] =	sbarrier.arrive $0xFFFF  }
0x2bf: {  	[tilespmem:s29], [sflag:$0x1] =	stream.strided.gather [spmem:s4], $0x1000, s18, s17, $0x38;
	[tilespmem:$0x1EEA0] =	vst v63  }
0x2c0: {  	s30 =	rddreg [dreg:$0x6]  }
0x2c1: {  	s0 =	sor.u32 s30, s19  }
0x2c2: {  	s0 =	sshll.u32 s0, $0xF  }
0x2c3: {  	s0 =	sor.u32 s11, s0  }
0x2c4: {  	p1 =	sne.s32 s31, $0x0;
	s0 =	sshrl.u32 s0, $0x3  }
0x2c5: {  	s2 =	simm.s32 @!p1 $0x7;
	s0 =	sadd.s32 s1, s0  }
0x2c6: {  	[tilespmem:s20], [sflag:$0x3] =	stream.strided.gather [hbm4b:s0+s17], $0x1000, s18, s17, $0x38;
	[tilespmem:$0x1EEA0] =	vst v63  }
0x2c7: {  	_ =	swait.ge @!p1 [sflag:s2], $0x186A0  }
0x2c8: {  	[sflag:s2] =	ssyncset.done @!p1 $0x0  }
0x2c9: {  	s7 =	simm.s32 $0x0;
	s0 =	smul.u32 $0x28, s31;
	[sflag:s2] =	ssyncadd.s32 @!p1 $0xFFFE7960  }
.LBB2_11:
0x2ca: {  	_ =	swait.ge [sflag:s21], $0x1000  }
0x2cb: {  	[sflag:s21] =	ssyncset.done $0x0  }
0x2cc: {  	s12 =	sshll.u32 s7, $0x1;
	[sflag:s21] =	ssyncadd.s32 $0xFFFFF000  }
0x2cd: {  	p1 =	seq.s32 s7, $0x0;
	s6 =	sshll.u32 s7, $0xD;
	_ =	swait.ge [sflag:s22], $0x1000  }
0x2ce: {  	s2 =	simm.s32 @!p1 $0x6;
	s10 =	sor.u32 $0x1, s12;
	[sflag:s22] =	ssyncset.done $0x0  }
0x2cf: {  	s6 =	sand.u32 $0x38000, s6;
	s19 =	sadd.s32 s0, s12;
	[sflag:s22] =	ssyncadd.s32 $0xFFFFF000  }
0x2d0: {  	s16 =	sshll.u32 s10, $0x7;
	s6 =	sadd.s32 s6, s4;
	_ =	swait.ge @!p1 [sflag:s2], $0x1000  }
0x2d1: {  	s19 =	sshll.u32 s19, $0x12;
	s16 =	sand.u32 $0x380, s16;
	[sflag:s2] =	ssyncset.done @!p1 $0x0  }
0x2d2: {  	s16 =	sadd.s32 s16, s6;
	[sflag:s2] =	ssyncadd.s32 @!p1 $0xFFFFF000;
	s2 =	sor.u32 s15, s19  }
0x2d3: {  	[tilespmem:s23], [sflag:$0x2] =	stream.strided.gather [spmem:s16], $0x1000, s18, s17, $0x38;
	[tilespmem:$0x1EEA0] =	vst v63  }
0x2d4: {  	s30 =	sshrl.u32 s2, $0x3  }
0x2d5: {  	s16 =	simm.s32 $0x1AFA0;
	s2 =	sadd.s32 s30, s9  }
0x2d6: {  	[tilespmem:s24], [sflag:$0x4] =	stream.strided.gather [hbm4b:s2+s17], $0x1000, s18, s17, $0x38;
	[tilespmem:$0x1EEA0] =	vst v63  }
0x2d7: {  	v0 =	vld [tilespmem:s16+$0x80];
	_ =	sdelay $0x3  }
0x2d8: {  	v1 =	vld [tilespmem:s16+$0xFFFFFF00];
	_ =	sdelay $0x1  }
0x2d9: {  	s2 =	simm.s32 $0x1CFA0  }
0x2da: {  	v2 =	vld [tilespmem:s2+$0x80]  }
0x2db: {  	v0 =	vld.idx.msk [tilespmem:v0+s5+$0x0], $0xffff;
	_ =	sdelay $0x1  }
0x2dc: {  	v3 =	vld [tilespmem:s16+$0xFFFFFF80]  }
0x2dd: {  	v4 =	vld [tilespmem:s16+$0x0]  }
0x2de: {  	v1 =	vld.idx.msk [tilespmem:v1+s5+$0x0], $0xffff  }
0x2df: {  	v0 =	vadd.f32 v2, v0;
	v2 =	vld [tilespmem:s2+$0xFFFFFF00];
	_ =	sdelay $0x1  }
0x2e0: {  	v5 =	vld [tilespmem:s2+$0xFFFFFF80];
	[tilespmem:s2+$0x80] =	vst v0  }
0x2e1: {  	v0 =	vld [tilespmem:s16+$0x90]  }
0x2e2: {  	v6 =	vld [tilespmem:s2+$0x0]  }
0x2e3: {  	v3 =	vld.idx.msk [tilespmem:v3+s5+$0x0], $0xffff;
	v1 =	vadd.f32 v2, v1  }
0x2e4: {  	v4 =	vld.idx.msk [tilespmem:v4+s5+$0x0], $0xffff  }
0x2e5: {  	[tilespmem:s2+$0xFFFFFF00] =	vst v1  }
0x2e6: {  	v1 =	vld [tilespmem:s16+$0xFFFFFF10];
	_ =	sdelay $0x1  }
0x2e7: {  	v7 =	vld [tilespmem:s2+$0x90];
	v3 =	vadd.f32 v5, v3  }
0x2e8: {  	v4 =	vadd.f32 v6, v4;
	v0 =	vld.idx.msk [tilespmem:v0+s5+$0x0], $0xffff  }
0x2e9: {  	[tilespmem:s2+$0xFFFFFF80] =	vst v3  }
0x2ea: {  	[tilespmem:s2+$0x0] =	vst v4;
	v3 =	vld [tilespmem:s16+$0xFFFFFF90]  }
0x2eb: {  	v4 =	vld [tilespmem:s16+$0x10]  }
0x2ec: {  	v2 =	vld [tilespmem:s2+$0xFFFFFF10]  }
0x2ed: {  	v0 =	vadd.f32 v7, v0;
	v1 =	vld.idx.msk [tilespmem:v1+s5+$0x0], $0xffff;
	_ =	sdelay $0x1  }
0x2ee: {  	[tilespmem:s2+$0x90] =	vst v0  }
0x2ef: {  	v0 =	vld [tilespmem:s16+$0xA0]  }
0x2f0: {  	v5 =	vld [tilespmem:s2+$0xFFFFFF90]  }
0x2f1: {  	v1 =	vadd.f32 v2, v1;
	v2 =	vld.idx.msk [tilespmem:v3+s5+$0x0], $0xffff;
	_ =	sdelay $0x1  }
0x2f2: {  	v6 =	vld [tilespmem:s2+$0x10]  }
0x2f3: {  	v3 =	vld.idx.msk [tilespmem:v4+s5+$0x0], $0xffff  }
0x2f4: {  	v8 =	vld [tilespmem:s2+$0xFFFFFFA0]  }
0x2f5: {  	v4 =	vld [tilespmem:s2+$0xA0];
	v2 =	vadd.f32 v5, v2  }
0x2f6: {  	[tilespmem:s2+$0xFFFFFF10] =	vst v1;
	v0 =	vld.idx.msk [tilespmem:v0+s5+$0x0], $0xffff  }
0x2f7: {  	v1 =	vld [tilespmem:s16+$0xFFFFFF20];
	[tilespmem:s2+$0xFFFFFF90] =	vst v2  }
0x2f8: {  	v2 =	vadd.f32 v6, v3;
	v3 =	vld [tilespmem:s16+$0xFFFFFFA0]  }
0x2f9: {  	v9 =	vld [tilespmem:s2+$0x20]  }
0x2fa: {  	v10 =	vld [tilespmem:s2+$0xFFFFFFB0]  }
0x2fb: {  	v11 =	vld [tilespmem:s2+$0x30];
	[tilespmem:s2+$0x10] =	vst v2;
	v0 =	vadd.f32 v4, v0  }
0x2fc: {  	v4 =	vld [tilespmem:s16+$0x20]  }
0x2fd: {  	v7 =	vld [tilespmem:s2+$0xFFFFFF20];
	[tilespmem:s2+$0xA0] =	vst v0  }
0x2fe: {  	v0 =	vld [tilespmem:s16+$0xB0]  }
0x2ff: {  	v1 =	vld.idx.msk [tilespmem:v1+s5+$0x0], $0xffff  }
0x300: {  	v3 =	vld.idx.msk [tilespmem:v3+s5+$0x0], $0xffff  }
0x301: {  	v12 =	vld [tilespmem:s2+$0xFFFFFFC0]  }
0x302: {  	v13 =	vld [tilespmem:s2+$0x40]  }
0x303: {  	v14 =	vld [tilespmem:s2+$0xFFFFFFD0]  }
0x304: {  	v1 =	vadd.f32 v7, v1;
	v4 =	vld.idx.msk [tilespmem:v4+s5+$0x0], $0xffff  }
0x305: {  	v7 =	vadd.f32 v8, v3;
	v8 =	vld [tilespmem:s2+$0xB0]  }
0x306: {  	[tilespmem:s2+$0xFFFFFF20] =	vst v1;
	v0 =	vld.idx.msk [tilespmem:v0+s5+$0x0], $0xffff  }
0x307: {  	v1 =	vld [tilespmem:s16+$0xFFFFFF30];
	[tilespmem:s2+$0xFFFFFFA0] =	vst v7  }
0x308: {  	s6 =	simm.s32 $0x1B1A0;
	v7 =	vld [tilespmem:s16+$0xFFFFFFB0]  }
0x309: {  	v15 =	vld [tilespmem:s6+$0x80];
	v4 =	vadd.f32 v9, v4  }
0x30a: {  	s19 =	simm.s32 $0x1D1A0;
	v16 =	vld [tilespmem:s6+$0x0]  }
0x30b: {  	v17 =	vld [tilespmem:s19+$0x80];
	[tilespmem:s2+$0x20] =	vst v4;
	v0 =	vadd.f32 v8, v0  }
0x30c: {  	v9 =	vld [tilespmem:s16+$0x30]  }
0x30d: {  	v5 =	vld [tilespmem:s2+$0xFFFFFF30];
	[tilespmem:s2+$0xB0] =	vst v0  }
0x30e: {  	v0 =	vld [tilespmem:s16+$0xC0]  }
0x30f: {  	v1 =	vld.idx.msk [tilespmem:v1+s5+$0x0], $0xffff  }
0x310: {  	v7 =	vld.idx.msk [tilespmem:v7+s5+$0x0], $0xffff  }
0x311: {  	v18 =	vld [tilespmem:s19+$0xFFFFFF00]  }
0x312: {  	v19 =	vld [tilespmem:s19+$0xFFFFFF80]  }
0x313: {  	v20 =	vld [tilespmem:s19+$0xFFFFFF10]  }
0x314: {  	v1 =	vadd.f32 v5, v1;
	v8 =	vld.idx.msk [tilespmem:v9+s5+$0x0], $0xffff  }
0x315: {  	v9 =	vld [tilespmem:s2+$0xC0];
	v7 =	vadd.f32 v10, v7  }
0x316: {  	[tilespmem:s2+$0xFFFFFF30] =	vst v1;
	v0 =	vld.idx.msk [tilespmem:v0+s5+$0x0], $0xffff  }
0x317: {  	v1 =	vld [tilespmem:s16+$0xFFFFFF40];
	[tilespmem:s2+$0xFFFFFFB0] =	vst v7  }
0x318: {  	v7 =	vld [tilespmem:s16+$0xFFFFFFC0]  }
0x319: {  	v21 =	vld [tilespmem:s19+$0xFFFFFF20];
	v8 =	vadd.f32 v11, v8  }
0x31a: {  	v22 =	vld [tilespmem:s19+$0xFFFFFFA0]  }
0x31b: {  	v15 =	vld.idx.msk [tilespmem:v15+s5+$0x0], $0xffff;
	[tilespmem:s2+$0x30] =	vst v8;
	v0 =	vadd.f32 v9, v0  }
0x31c: {  	v8 =	vld [tilespmem:s16+$0x40]  }
0x31d: {  	v6 =	vld [tilespmem:s2+$0xFFFFFF40];
	[tilespmem:s2+$0xC0] =	vst v0  }
0x31e: {  	v11 =	vld [tilespmem:s16+$0xD0]  }
0x31f: {  	v1 =	vld.idx.msk [tilespmem:v1+s5+$0x0], $0xffff  }
0x320: {  	v7 =	vld.idx.msk [tilespmem:v7+s5+$0x0], $0xffff  }
0x321: {  	v23 =	vld [tilespmem:s2+$0xF0]  }
0x322: {  	v24 =	vld [tilespmem:s19+$0xFFFFFFB0]  }
0x323: {  	v25 =	vld [tilespmem:s19+$0x30]  }
0x324: {  	v15 =	vadd.f32 v17, v15;
	v0 =	vadd.f32 v6, v1;
	v6 =	vld.idx.msk [tilespmem:v8+s5+$0x0], $0xffff  }
0x325: {  	v26 =	vld [tilespmem:s19+$0xFFFFFF40];
	v7 =	vadd.f32 v12, v7  }
0x326: {  	[tilespmem:s19+$0x80] =	vst v15;
	v11 =	vld.idx.msk [tilespmem:v11+s5+$0x0], $0xffff  }
0x327: {  	[tilespmem:s2+$0xFFFFFFC0] =	vst v7;
	v7 =	vld [tilespmem:s2+$0xD0]  }
0x328: {  	v15 =	vld [tilespmem:s6+$0x90]  }
0x329: {  	v27 =	vld [tilespmem:s19+$0xFFFFFFC0];
	v6 =	vadd.f32 v13, v6  }
0x32a: {  	v28 =	vld [tilespmem:s19+$0x40]  }
0x32b: {  	[tilespmem:s2+$0x40] =	vst v6;
	v6 =	vld [tilespmem:s6+$0xFFFFFF00]  }
0x32c: {  	v16 =	vld.idx.msk [tilespmem:v16+s5+$0x0], $0xffff;
	v7 =	vadd.f32 v7, v11  }
0x32d: {  	v13 =	vld [tilespmem:s6+$0xFFFFFF80]  }
0x32e: {  	v17 =	vld [tilespmem:s2+$0xE0];
	[tilespmem:s2+$0xD0] =	vst v7  }
0x32f: {  	v7 =	vld [tilespmem:s16+$0xE0]  }
0x330: {  	v15 =	vld.idx.msk [tilespmem:v15+s5+$0x0], $0xffff  }
0x331: {  	v2 =	vld [tilespmem:s2+$0xFFFFFF50]  }
0x332: {  	v3 =	vld [tilespmem:s2+$0x50]  }
0x333: {  	v6 =	vld.idx.msk [tilespmem:v6+s5+$0x0], $0xffff  }
0x334: {  	v4 =	vld [tilespmem:s2+$0xFFFFFF60]  }
0x335: {  	v13 =	vld.idx.msk [tilespmem:v13+s5+$0x0], $0xffff  }
0x336: {  	v5 =	vld [tilespmem:s2+$0xFFFFFFE0]  }
0x337: {  	v7 =	vld.idx.msk [tilespmem:v7+s5+$0x0], $0xffff  }
0x338: {  	v6 =	vadd.f32 v18, v6;
	v18 =	vld [tilespmem:s19+$0x0]  }
0x339: {  	v10 =	vld [tilespmem:s2+$0x60]  }
0x33a: {  	v9 =	vld [tilespmem:s2+$0xFFFFFF70];
	[tilespmem:s2+$0xFFFFFF40] =	vst v0;
	v13 =	vadd.f32 v19, v13  }
0x33b: {  	v8 =	vld [tilespmem:s16+$0xFFFFFF50]  }
0x33c: {  	v1 =	vld [tilespmem:s2+$0x70];
	[tilespmem:s19+$0xFFFFFF80] =	vst v13;
	v7 =	vadd.f32 v17, v7  }
0x33d: {  	v0 =	vld [tilespmem:s2+$0xFFFFFFF0];
	[tilespmem:s19+$0xFFFFFF00] =	vst v6;
	v13 =	vadd.f32 v18, v16  }
0x33e: {  	v17 =	vld [tilespmem:s6+$0xFFFFFF10];
	[tilespmem:s2+$0xE0] =	vst v7  }
0x33f: {  	[tilespmem:s19+$0x0] =	vst v13;
	v13 =	vld [tilespmem:s19+$0x90]  }
0x340: {  	v7 =	vld [tilespmem:s16+$0xF0]  }
0x341: {  	v16 =	vld [tilespmem:s6+$0xFFFFFF90]  }
0x342: {  	v12 =	vld [tilespmem:s16+$0xFFFFFFD0]  }
0x343: {  	v8 =	vld.idx.msk [tilespmem:v8+s5+$0x0], $0xffff  }
0x344: {  	v18 =	vld [tilespmem:s6+$0x10];
	v13 =	vadd.f32 v13, v15  }
0x345: {  	v6 =	vld [tilespmem:s19+$0xFFFFFF90]  }
0x346: {  	v17 =	vld.idx.msk [tilespmem:v17+s5+$0x0], $0xffff;
	[tilespmem:s19+$0x90] =	vst v13  }
0x347: {  	v13 =	vld [tilespmem:s6+$0xA0]  }
0x348: {  	v15 =	vld.idx.msk [tilespmem:v7+s5+$0x0], $0xffff  }
0x349: {  	v7 =	vld.idx.msk [tilespmem:v16+s5+$0x0], $0xffff  }
0x34a: {  	v12 =	vld.idx.msk [tilespmem:v12+s5+$0x0], $0xffff  }
0x34b: {  	v19 =	vld [tilespmem:s19+$0x10];
	v16 =	vadd.f32 v20, v17  }
0x34c: {  	v17 =	vld.idx.msk [tilespmem:v18+s5+$0x0], $0xffff  }
0x34d: {  	v11 =	vld [tilespmem:s16+$0x50];
	v2 =	vadd.f32 v2, v8;
	[tilespmem:s19+$0xFFFFFF10] =	vst v16  }
0x34e: {  	v63 =	vld [tilespmem:s6+$0xFFFFFF20];
	v6 =	vadd.f32 v6, v7  }
0x34f: {  	[tilespmem:s2+$0xFFFFFF50] =	vst v2;
	v12 =	vadd.f32 v14, v12;
	v13 =	vld.idx.msk [tilespmem:v13+s5+$0x0], $0xffff  }
0x350: {  	[tilespmem:s19+$0xFFFFFF90] =	vst v6;
	v6 =	vld [tilespmem:s19+$0xA0]  }
0x351: {  	[tilespmem:s2+$0xFFFFFFD0] =	vst v12;
	v12 =	vld [tilespmem:s16+$0xFFFFFF60];
	v7 =	vadd.f32 v19, v17  }
0x352: {  	v17 =	vld [tilespmem:s6+$0xFFFFFFA0]  }
0x353: {  	v8 =	vld [tilespmem:s19+$0xFFFFFFD0];
	[tilespmem:s19+$0x10] =	vst v7  }
0x354: {  	v19 =	vld [tilespmem:s6+$0x20]  }
0x355: {  	v11 =	vld.idx.msk [tilespmem:v11+s5+$0x0], $0xffff;
	v6 =	vadd.f32 v6, v13  }
0x356: {  	v20 =	vld.idx.msk [tilespmem:v63+s5+$0x0], $0xffff  }
0x357: {  	v2 =	vld [tilespmem:s19+$0x50];
	[tilespmem:s19+$0xA0] =	vst v6  }
0x358: {  	v6 =	vld [tilespmem:s6+$0xB0]  }
0x359: {  	v12 =	vld.idx.msk [tilespmem:v12+s5+$0x0], $0xffff  }
0x35a: {  	v3 =	vadd.f32 v3, v11;
	v17 =	vld.idx.msk [tilespmem:v17+s5+$0x0], $0xffff  }
0x35b: {  	v18 =	vld [tilespmem:s19+$0x20];
	v13 =	vadd.f32 v21, v20  }
0x35c: {  	[tilespmem:s2+$0x50] =	vst v3;
	v19 =	vld.idx.msk [tilespmem:v19+s5+$0x0], $0xffff  }
0x35d: {  	v3 =	vld [tilespmem:s19+$0xFFFFFF60];
	[tilespmem:s19+$0xFFFFFF20] =	vst v13  }
0x35e: {  	v13 =	vld [tilespmem:s6+$0xFFFFFF30]  }
0x35f: {  	v14 =	vadd.f32 v22, v17;
	v17 =	vld [tilespmem:s16+$0xFFFFFFE0]  }
0x360: {  	v4 =	vadd.f32 v4, v12;
	v6 =	vld.idx.msk [tilespmem:v6+s5+$0x0], $0xffff  }
0x361: {  	v18 =	vadd.f32 v18, v19;
	[tilespmem:s19+$0xFFFFFFA0] =	vst v14;
	v14 =	vld [tilespmem:s19+$0xB0]  }
0x362: {  	[tilespmem:s2+$0xFFFFFF60] =	vst v4;
	v4 =	vld [tilespmem:s19+$0x60]  }
0x363: {  	v11 =	vld [tilespmem:s6+$0xFFFFFFB0];
	[tilespmem:s19+$0x20] =	vst v18  }
0x364: {  	v18 =	vld [tilespmem:s6+$0x30]  }
0x365: {  	v19 =	vld [tilespmem:s16+$0x60]  }
0x366: {  	v16 =	vld [tilespmem:s19+$0xFFFFFF30];
	v6 =	vadd.f32 v14, v6  }
0x367: {  	v13 =	vld.idx.msk [tilespmem:v13+s5+$0x0], $0xffff  }
0x368: {  	v14 =	vld.idx.msk [tilespmem:v17+s5+$0x0], $0xffff;
	[tilespmem:s19+$0xB0] =	vst v6  }
0x369: {  	v17 =	vld [tilespmem:s6+$0xC0]  }
0x36a: {  	v7 =	vld [tilespmem:s19+$0xFFFFFF50]  }
0x36b: {  	v11 =	vld.idx.msk [tilespmem:v11+s5+$0x0], $0xffff  }
0x36c: {  	v6 =	vadd.f32 v16, v13;
	v13 =	vld.idx.msk [tilespmem:v18+s5+$0x0], $0xffff  }
0x36d: {  	v16 =	vld.idx.msk [tilespmem:v19+s5+$0x0], $0xffff  }
0x36e: {  	v18 =	vld [tilespmem:s16+$0xFFFFFF70]  }
0x36f: {  	[tilespmem:s19+$0xFFFFFF30] =	vst v6;
	v6 =	vld [tilespmem:s19+$0xFFFFFFE0]  }
0x370: {  	v12 =	vld [tilespmem:s6+$0xFFFFFF40];
	v11 =	vadd.f32 v24, v11  }
0x371: {  	v13 =	vadd.f32 v25, v13;
	v17 =	vld.idx.msk [tilespmem:v17+s5+$0x0], $0xffff  }
0x372: {  	v5 =	vadd.f32 v5, v14;
	[tilespmem:s19+$0xFFFFFFB0] =	vst v11;
	v11 =	vld [tilespmem:s19+$0xC0]  }
0x373: {  	v14 =	vld [tilespmem:s6+$0xFFFFFFC0];
	[tilespmem:s19+$0x30] =	vst v13  }
0x374: {  	[tilespmem:s2+$0xFFFFFFE0] =	vst v5;
	v10 =	vadd.f32 v10, v16;
	v13 =	vld [tilespmem:s6+$0x40]  }
0x375: {  	v16 =	vld [tilespmem:s16+$0xFFFFFFF0]  }
0x376: {  	v5 =	vld [tilespmem:s19+$0xFFFFFF70];
	[tilespmem:s2+$0x60] =	vst v10  }
0x377: {  	v10 =	vadd.f32 v11, v17;
	v11 =	vld [tilespmem:s16+$0x70]  }
0x378: {  	v12 =	vld.idx.msk [tilespmem:v12+s5+$0x0], $0xffff  }
0x379: {  	v17 =	vld.idx.msk [tilespmem:v18+s5+$0x0], $0xffff;
	[tilespmem:s19+$0xC0] =	vst v10  }
0x37a: {  	v18 =	vld [tilespmem:s6+$0xD0]  }
0x37b: {  	v14 =	vld.idx.msk [tilespmem:v14+s5+$0x0], $0xffff  }
0x37c: {  	v19 =	vld.idx.msk [tilespmem:v13+s5+$0x0], $0xffff  }
0x37d: {  	v10 =	vadd.f32 v26, v12;
	v12 =	vld.idx.msk [tilespmem:v16+s5+$0x0], $0xffff  }
0x37e: {  	v16 =	vadd.f32 v9, v17;
	v9 =	vld [tilespmem:s19+$0x70]  }
0x37f: {  	[tilespmem:s19+$0xFFFFFF40] =	vst v10;
	v10 =	vld [tilespmem:s19+$0xFFFFFFF0]  }
0x380: {  	v15 =	vadd.f32 v23, v15;
	v11 =	vld.idx.msk [tilespmem:v11+s5+$0x0], $0xffff  }
0x381: {  	[tilespmem:s2+$0xFFFFFF70] =	vst v16;
	v16 =	vld [tilespmem:s19+$0xD0];
	v14 =	vadd.f32 v27, v14  }
0x382: {  	[tilespmem:s2+$0xF0] =	vst v15;
	v13 =	vld [tilespmem:s6+$0xFFFFFF50];
	v17 =	vadd.f32 v28, v19  }
0x383: {  	v15 =	vld.idx.msk [tilespmem:v18+s5+$0x0], $0xffff;
	[tilespmem:s19+$0xFFFFFFC0] =	vst v14  }
0x384: {  	s29 =	simm.s32 $0x1B3A0;
	s16 =	simm.s32 $0x4;
	v14 =	vld [tilespmem:s6+$0xFFFFFFD0];
	[tilespmem:s19+$0x40] =	vst v17  }
.LBB2_12:
0x385: {  	v17 =	vld [tilespmem:s29+$0x80];
	s16 =	sadd.s32 $0x4, s16;
	v12 =	vadd.f32 v0, v12;
	v0 =	vmov v10  }
0x386: {  	v11 =	vadd.f32 v1, v11;
	v10 =	vld [tilespmem:s29+$0xFFFFFF80];
	p1 =	slt.u32 s16, $0x1C;
	v1 =	vmov v9  }
0x387: {  	v9 =	vld [tilespmem:s29+$0x0];
	[tilespmem:s2+$0xFFFFFFF0] =	vst v12  }
0x388: {  	v12 =	vld [tilespmem:s29+$0xFFFFFF00];
	v15 =	vadd.f32 v16, v15;
	[tilespmem:s2+$0x70] =	vst v11;
	s2 =	smov.u32 s19  }
0x389: {  	v11 =	vld [tilespmem:s6+$0x50]  }
0x38a: {  	v13 =	vld.idx.msk [tilespmem:v13+s5+$0x0], $0xffff;
	[tilespmem:s19+$0xD0] =	vst v15  }
0x38b: {  	v15 =	vld [tilespmem:s6+$0xE0]  }
0x38c: {  	v14 =	vld.idx.msk [tilespmem:v14+s5+$0x0], $0xffff  }
0x38d: {  	s19 =	sadd.s32 $0x200, s19;
	v16 =	vld.idx.msk [tilespmem:v17+s5+$0x0], $0xffff  }
0x38e: {  	v17 =	vld [tilespmem:s19+$0x80]  }
0x38f: {  	v10 =	vld.idx.msk [tilespmem:v10+s5+$0x0], $0xffff  }
0x390: {  	v7 =	vadd.f32 v7, v13;
	v12 =	vld.idx.msk [tilespmem:v12+s5+$0x0], $0xffff  }
0x391: {  	v9 =	vld.idx.msk [tilespmem:v9+s5+$0x0], $0xffff  }
0x392: {  	v13 =	vld [tilespmem:s19+$0xFFFFFF00];
	[tilespmem:s2+$0xFFFFFF50] =	vst v7;
	v7 =	vadd.f32 v8, v14  }
0x393: {  	v8 =	vadd.f32 v17, v16;
	v14 =	vld.idx.msk [tilespmem:v15+s5+$0x0], $0xffff  }
0x394: {  	[tilespmem:s2+$0xFFFFFFD0] =	vst v7;
	v7 =	vld [tilespmem:s2+$0xE0]  }
0x395: {  	v15 =	vld [tilespmem:s19+$0xFFFFFF80];
	[tilespmem:s19+$0x80] =	vst v8  }
0x396: {  	v8 =	vld [tilespmem:s29+$0x90]  }
0x397: {  	v12 =	vadd.f32 v13, v12;
	v13 =	vld [tilespmem:s19+$0x0]  }
0x398: {  	v16 =	vld [tilespmem:s19+$0xFFFFFF10]  }
0x399: {  	[tilespmem:s19+$0xFFFFFF00] =	vst v12;
	v12 =	vld [tilespmem:s19+$0xFFFFFF90];
	v7 =	vadd.f32 v7, v14  }
0x39a: {  	v14 =	vld [tilespmem:s29+$0xFFFFFF10];
	v10 =	vadd.f32 v15, v10  }
0x39b: {  	v15 =	vld [tilespmem:s19+$0x10];
	[tilespmem:s2+$0xE0] =	vst v7  }
0x39c: {  	[tilespmem:s19+$0xFFFFFF80] =	vst v10;
	v7 =	vadd.f32 v13, v9;
	v9 =	vld [tilespmem:s6+$0xF0]  }
0x39d: {  	v10 =	vld [tilespmem:s29+$0xFFFFFF90]  }
0x39e: {  	[tilespmem:s19+$0x0] =	vst v7;
	v7 =	vld.idx.msk [tilespmem:v8+s5+$0x0], $0xffff  }
0x39f: {  	v8 =	vld [tilespmem:s19+$0x90]  }
0x3a0: {  	v13 =	vld [tilespmem:s29+$0x10]  }
0x3a1: {  	v17 =	vld [tilespmem:s19+$0xFFFFFF20]  }
0x3a2: {  	v14 =	vld.idx.msk [tilespmem:v14+s5+$0x0], $0xffff  }
0x3a3: {  	v18 =	vld [tilespmem:s19+$0xFFFFFFA0]  }
0x3a4: {  	v7 =	vadd.f32 v8, v7;
	v8 =	vld.idx.msk [tilespmem:v9+s5+$0x0], $0xffff  }
0x3a5: {  	v9 =	vld [tilespmem:s2+$0xF0]  }
0x3a6: {  	v10 =	vld.idx.msk [tilespmem:v10+s5+$0x0], $0xffff;
	[tilespmem:s19+$0x90] =	vst v7  }
0x3a7: {  	v7 =	vld [tilespmem:s29+$0xA0]  }
0x3a8: {  	v14 =	vadd.f32 v16, v14;
	v13 =	vld.idx.msk [tilespmem:v13+s5+$0x0], $0xffff  }
0x3a9: {  	v16 =	vld [tilespmem:s19+$0x20]  }
0x3aa: {  	[tilespmem:s19+$0xFFFFFF10] =	vst v14;
	v14 =	vld [tilespmem:s19+$0xFFFFFF30];
	v8 =	vadd.f32 v9, v8  }
0x3ab: {  	v9 =	vld [tilespmem:s29+$0xFFFFFF20]  }
0x3ac: {  	v10 =	vadd.f32 v12, v10;
	v12 =	vld [tilespmem:s19+$0xFFFFFFB0];
	[tilespmem:s2+$0xF0] =	vst v8  }
0x3ad: {  	v19 =	vld [tilespmem:s19+$0x30]  }
0x3ae: {  	v8 =	vadd.f32 v15, v13;
	v20 =	vld [tilespmem:s19+$0xFFFFFF40];
	[tilespmem:s19+$0xFFFFFF90] =	vst v10  }
0x3af: {  	v7 =	vld.idx.msk [tilespmem:v7+s5+$0x0], $0xffff  }
0x3b0: {  	[tilespmem:s19+$0x10] =	vst v8;
	v8 =	vld [tilespmem:s19+$0xA0]  }
0x3b1: {  	v10 =	vld [tilespmem:s29+$0xFFFFFFA0]  }
0x3b2: {  	v13 =	vld [tilespmem:s29+$0x20]  }
0x3b3: {  	v9 =	vld.idx.msk [tilespmem:v9+s5+$0x0], $0xffff  }
0x3b4: {  	v15 =	vld [tilespmem:s19+$0xFFFFFFC0]  }
0x3b5: {  	v21 =	vld [tilespmem:s19+$0x40];
	v8 =	vadd.f32 v8, v7  }
0x3b6: {  	v11 =	vld.idx.msk [tilespmem:v11+s5+$0x0], $0xffff  }
0x3b7: {  	v7 =	vld [tilespmem:s19+$0xFFFFFF50];
	[tilespmem:s19+$0xA0] =	vst v8  }
0x3b8: {  	v22 =	vld [tilespmem:s29+$0xB0]  }
0x3b9: {  	v8 =	vadd.f32 v17, v9;
	v9 =	vld.idx.msk [tilespmem:v10+s5+$0x0], $0xffff  }
0x3ba: {  	v10 =	vld.idx.msk [tilespmem:v13+s5+$0x0], $0xffff  }
0x3bb: {  	[tilespmem:s19+$0xFFFFFF20] =	vst v8;
	v8 =	vld [tilespmem:s19+$0xFFFFFFD0]  }
0x3bc: {  	v11 =	vadd.f32 v2, v11;
	v13 =	vld [tilespmem:s29+$0xFFFFFF30]  }
0x3bd: {  	v2 =	vld [tilespmem:s19+$0x50]  }
0x3be: {  	v17 =	vld [tilespmem:s6+$0xFFFFFF60];
	[tilespmem:s2+$0x50] =	vst v11  }
0x3bf: {  	v9 =	vadd.f32 v18, v9;
	v11 =	vld [tilespmem:s6+$0xFFFFFFE0]  }
0x3c0: {  	v10 =	vadd.f32 v16, v10;
	v16 =	vld.idx.msk [tilespmem:v22+s5+$0x0], $0xffff  }
0x3c1: {  	[tilespmem:s19+$0xFFFFFFA0] =	vst v9;
	v9 =	vld [tilespmem:s19+$0xB0]  }
0x3c2: {  	v18 =	vld [tilespmem:s29+$0xFFFFFFB0];
	[tilespmem:s19+$0x20] =	vst v10  }
0x3c3: {  	v10 =	vld [tilespmem:s29+$0x30]  }
0x3c4: {  	v13 =	vld.idx.msk [tilespmem:v13+s5+$0x0], $0xffff  }
0x3c5: {  	v22 =	vld [tilespmem:s6+$0x60]  }
0x3c6: {  	v9 =	vadd.f32 v9, v16;
	v16 =	vld.idx.msk [tilespmem:v17+s5+$0x0], $0xffff  }
0x3c7: {  	v11 =	vld.idx.msk [tilespmem:v11+s5+$0x0], $0xffff  }
0x3c8: {  	v17 =	vld [tilespmem:s19+$0xFFFFFF60];
	[tilespmem:s19+$0xB0] =	vst v9  }
0x3c9: {  	v9 =	vld [tilespmem:s29+$0xC0]  }
0x3ca: {  	v13 =	vadd.f32 v14, v13;
	v14 =	vld.idx.msk [tilespmem:v18+s5+$0x0], $0xffff  }
0x3cb: {  	v10 =	vld.idx.msk [tilespmem:v10+s5+$0x0], $0xffff  }
0x3cc: {  	v16 =	vadd.f32 v3, v16;
	[tilespmem:s19+$0xFFFFFF30] =	vst v13;
	v13 =	vld [tilespmem:s19+$0xFFFFFFE0]  }
0x3cd: {  	v6 =	vadd.f32 v6, v11;
	v18 =	vld [tilespmem:s29+$0xFFFFFF40];
	v3 =	vmov v17  }
0x3ce: {  	[tilespmem:s2+$0xFFFFFF60] =	vst v16;
	v11 =	vld.idx.msk [tilespmem:v22+s5+$0x0], $0xffff  }
0x3cf: {  	v16 =	vld [tilespmem:s19+$0x60];
	[tilespmem:s2+$0xFFFFFFE0] =	vst v6  }
0x3d0: {  	v12 =	vadd.f32 v12, v14;
	v14 =	vld [tilespmem:s6+$0xFFFFFF70]  }
0x3d1: {  	v10 =	vadd.f32 v19, v10;
	v9 =	vld.idx.msk [tilespmem:v9+s5+$0x0], $0xffff;
	v6 =	vmov v13  }
0x3d2: {  	[tilespmem:s19+$0xFFFFFFB0] =	vst v12;
	v12 =	vld [tilespmem:s19+$0xC0]  }
0x3d3: {  	v13 =	vld [tilespmem:s29+$0xFFFFFFC0];
	[tilespmem:s19+$0x30] =	vst v10  }
0x3d4: {  	v11 =	vadd.f32 v4, v11;
	v10 =	vld [tilespmem:s29+$0x40];
	v4 =	vmov v16  }
0x3d5: {  	v16 =	vld.idx.msk [tilespmem:v18+s5+$0x0], $0xffff  }
0x3d6: {  	v17 =	vld [tilespmem:s6+$0xFFFFFFF0];
	[tilespmem:s2+$0x60] =	vst v11  }
0x3d7: {  	v9 =	vadd.f32 v12, v9;
	v11 =	vld [tilespmem:s6+$0x70];
	s6 =	smov.u32 s29  }
0x3d8: {  	v12 =	vld.idx.msk [tilespmem:v14+s5+$0x0], $0xffff  }
0x3d9: {  	v14 =	vld [tilespmem:s19+$0xFFFFFF70];
	[tilespmem:s19+$0xC0] =	vst v9  }
0x3da: {  	v18 =	vld [tilespmem:s29+$0xD0]  }
0x3db: {  	v9 =	vadd.f32 v20, v16;
	v16 =	vld.idx.msk [tilespmem:v13+s5+$0x0], $0xffff  }
0x3dc: {  	v19 =	vld.idx.msk [tilespmem:v10+s5+$0x0], $0xffff  }
0x3dd: {  	[tilespmem:s19+$0xFFFFFF40] =	vst v9;
	v10 =	vld [tilespmem:s19+$0xFFFFFFF0]  }
0x3de: {  	v9 =	vadd.f32 v5, v12;
	v13 =	vld [tilespmem:s29+$0xFFFFFF50];
	v5 =	vmov v14  }
0x3df: {  	v12 =	vld.idx.msk [tilespmem:v17+s5+$0x0], $0xffff  }
.Ltmp4:
0x3e0: {  	[tilespmem:s2+$0xFFFFFF70] =	vst v9;
	v11 =	vld.idx.msk [tilespmem:v11+s5+$0x0], $0xffff;
	(pc) =	sbr.rel @p1 .LBB2_12-.Ltmp4, $4  }
0x3e1: {  	v14 =	vadd.f32 v15, v16;
	v9 =	vld [tilespmem:s19+$0x70]  }
0x3e2: {  	v17 =	vadd.f32 v21, v19;
	v15 =	vld.idx.msk [tilespmem:v18+s5+$0x0], $0xffff  }
0x3e3: {  	[tilespmem:s19+$0xFFFFFFC0] =	vst v14;
	v16 =	vld [tilespmem:s19+$0xD0]  }
0x3e4: {  	s29 =	sadd.s32 $0x200, s29;
	v14 =	vld [tilespmem:s6+$0xFFFFFFD0];
	[tilespmem:s19+$0x40] =	vst v17  }
0x3e5: {  	_ = 	snop  }
0x3e6: {  	v17 =	vld [tilespmem:s6+$0x50];
	_ =	sdelay $0x5  }
0x3e7: {  	v13 =	vld.idx.msk [tilespmem:v13+s5+$0x0], $0xffff  }
0x3e8: {  	v14 =	vld.idx.msk [tilespmem:v14+s5+$0x0], $0xffff  }
0x3e9: {  	v15 =	vadd.f32 v16, v15;
	v16 =	vld.idx.msk [tilespmem:v17+s5+$0x0], $0xffff;
	_ =	sdelay $0x2  }
0x3ea: {  	[tilespmem:s19+$0xD0] =	vst v15;
	v7 =	vadd.f32 v7, v13  }
0x3eb: {  	v15 =	vld [tilespmem:s6+$0xE0];
	v8 =	vadd.f32 v8, v14  }
0x3ec: {  	[tilespmem:s19+$0xFFFFFF50] =	vst v7;
	v2 =	vadd.f32 v2, v16  }
0x3ed: {  	v7 =	vld [tilespmem:s6+$0xFFFFFF60];
	[tilespmem:s19+$0xFFFFFFD0] =	vst v8  }
0x3ee: {  	[tilespmem:s19+$0x50] =	vst v2;
	v2 =	vld [tilespmem:s6+$0xFFFFFFE0]  }
0x3ef: {  	v8 =	vld [tilespmem:s6+$0x60];
	_ =	sdelay $0x2  }
0x3f0: {  	v14 =	vld [tilespmem:s19+$0xE0]  }
0x3f1: {  	v13 =	vld.idx.msk [tilespmem:v15+s5+$0x0], $0xffff;
	_ =	sdelay $0x1  }
0x3f2: {  	v7 =	vld.idx.msk [tilespmem:v7+s5+$0x0], $0xffff  }
0x3f3: {  	v2 =	vld.idx.msk [tilespmem:v2+s5+$0x0], $0xffff  }
0x3f4: {  	v8 =	vld.idx.msk [tilespmem:v8+s5+$0x0], $0xffff  }
0x3f5: {  	v13 =	vadd.f32 v14, v13;
	_ =	sdelay $0x1  }
0x3f6: {  	[tilespmem:s19+$0xE0] =	vst v13;
	v3 =	vadd.f32 v3, v7  }
0x3f7: {  	v7 =	vld [tilespmem:s6+$0xF0];
	v2 =	vadd.f32 v6, v2  }
0x3f8: {  	[tilespmem:s19+$0xFFFFFF60] =	vst v3;
	v3 =	vadd.f32 v4, v8  }
0x3f9: {  	[tilespmem:s19+$0xFFFFFFE0] =	vst v2;
	v2 =	vld [tilespmem:s6+$0xFFFFFF70]  }
0x3fa: {  	v4 =	vld [tilespmem:s6+$0xFFFFFFF0];
	[tilespmem:s19+$0x60] =	vst v3  }
0x3fb: {  	v3 =	vld [tilespmem:s6+$0x70];
	_ =	sdelay $0x3  }
0x3fc: {  	v6 =	vld.idx.msk [tilespmem:v7+s5+$0x0], $0xffff  }
0x3fd: {  	v7 =	vld [tilespmem:s19+$0xF0]  }
0x3fe: {  	v2 =	vld.idx.msk [tilespmem:v2+s5+$0x0], $0xffff  }
0x3ff: {  	v4 =	vld.idx.msk [tilespmem:v4+s5+$0x0], $0xffff  }
0x400: {  	v0 =	vadd.f32 v0, v12;
	v3 =	vld.idx.msk [tilespmem:v3+s5+$0x0], $0xffff  }
0x401: {  	v1 =	vadd.f32 v1, v11  }
0x402: {  	[tilespmem:s2+$0xFFFFFFF0] =	vst v0;
	v0 =	vadd.f32 v7, v6  }
0x403: {  	[tilespmem:s2+$0x70] =	vst v1;
	v1 =	vadd.f32 v5, v2  }
0x404: {  	[tilespmem:s19+$0xF0] =	vst v0;
	v0 =	vadd.f32 v10, v4  }
0x405: {  	[tilespmem:s19+$0xFFFFFF70] =	vst v1;
	v1 =	vadd.f32 v9, v3  }
0x406: {  	[tilespmem:s19+$0xFFFFFFF0] =	vst v0  }
0x407: {  	s29 =	sadd.s32 s3, s30;
	[tilespmem:s19+$0x70] =	vst v1  }
0x408: {  	[hbm4b:s29+s17] =	stream.strided.scatter [tilespmem:s20], [sflag:$0x5], $0x1000, s18, s17, $0x38;
	[tilespmem:$0x1EEA0] =	vst v63  }
0x409: {  	_ =	swait.ge [sflag:s25], $0x1000  }
0x40a: {  	[sflag:s25] =	ssyncset.done $0x0  }
0x40b: {  	[sflag:s25] =	ssyncadd.s32 $0xFFFFF000  }
0x40c: {  	p1 =	seq.s32 s7, $0x13;
	s10 =	sadd.s32 s0, s10;
	_ =	swait.ge [sflag:s26], $0x1000  }
0x40d: {  	s16 =	simm.s32 @!p1 $0x1AEA0;
	s2 =	sadd.s32 @!p1 $0x2, s12;
	[sflag:s26] =	ssyncset.done $0x0  }
0x40e: {  	s12 =	simm.s32 @!p1 $0x400;
	s6 =	sshll.u32 @!p1 s2, $0xC;
	[sflag:s26] =	ssyncadd.s32 $0xFFFFF000  }
0x40f: {  	s2 =	sshll.u32 @!p1 s2, $0x7;
	s6 =	sand.u32 @!p1 $0x78000, s6;
	_ =	swait.ge [sflag:s28], $0x1000  }
0x410: {  	s2 =	sand.u32 @!p1 $0x300, s2;
	s6 =	sadd.s32 @!p1 s6, s4;
	[sflag:s28] =	ssyncset.done $0x0  }
0x411: {  	s2 =	sadd.s32 @!p1 s2, s6;
	s6 =	simm.s32 @!p1 $0x80;
	[sflag:s28] =	ssyncadd.s32 $0xFFFFF000  }
0x412: {  	[tilespmem:s16], [sflag:$0x1] =	stream.strided.gather @!p1 [spmem:s2], $0x1000, s12, s6, $0x38;
	[tilespmem:$0x1EEA0] =	vst v63  }
0x413: {  	s2 =	sshll.u32 @!p1 s10, $0x12  }
0x414: {  	s2 =	sadd.s32 @!p1 s13, s2  }
0x415: {  	s2 =	sor.u32 @!p1 s11, s2  }
0x416: {  	s2 =	sshrl.u32 @!p1 s2, $0x3  }
0x417: {  	s30 =	simm.s32 $0x1BFA0;
	s16 =	simm.s32 @!p1 $0x1CEA0;
	s2 =	sadd.s32 @!p1 s1, s2  }
0x418: {  	[tilespmem:s16], [sflag:$0x3] =	stream.strided.gather @!p1 [hbm4b:s2+s6], $0x1000, s12, s6, $0x38;
	[tilespmem:$0x1EEA0] =	vst v63  }
0x419: {  	v0 =	vld [tilespmem:s30+$0x80];
	_ =	sdelay $0x3  }
0x41a: {  	v1 =	vld [tilespmem:s30+$0xFFFFFF00];
	_ =	sdelay $0x1  }
0x41b: {  	s2 =	simm.s32 $0x1DFA0  }
0x41c: {  	v2 =	vld [tilespmem:s2+$0x80]  }
0x41d: {  	v0 =	vld.idx.msk [tilespmem:v0+s5+$0x0], $0xffff;
	_ =	sdelay $0x1  }
0x41e: {  	v3 =	vld [tilespmem:s30+$0xFFFFFF80]  }
0x41f: {  	v4 =	vld [tilespmem:s30+$0x0]  }
0x420: {  	v1 =	vld.idx.msk [tilespmem:v1+s5+$0x0], $0xffff  }
0x421: {  	v0 =	vadd.f32 v2, v0;
	v2 =	vld [tilespmem:s2+$0xFFFFFF00];
	_ =	sdelay $0x1  }
0x422: {  	v5 =	vld [tilespmem:s2+$0xFFFFFF80];
	[tilespmem:s2+$0x80] =	vst v0  }
0x423: {  	v0 =	vld [tilespmem:s30+$0x90]  }
0x424: {  	v6 =	vld [tilespmem:s2+$0x0]  }
0x425: {  	v3 =	vld.idx.msk [tilespmem:v3+s5+$0x0], $0xffff;
	v1 =	vadd.f32 v2, v1  }
0x426: {  	v4 =	vld.idx.msk [tilespmem:v4+s5+$0x0], $0xffff  }
0x427: {  	[tilespmem:s2+$0xFFFFFF00] =	vst v1  }
0x428: {  	v1 =	vld [tilespmem:s30+$0xFFFFFF10];
	_ =	sdelay $0x1  }
0x429: {  	v7 =	vld [tilespmem:s2+$0x90];
	v3 =	vadd.f32 v5, v3  }
0x42a: {  	v4 =	vadd.f32 v6, v4;
	v0 =	vld.idx.msk [tilespmem:v0+s5+$0x0], $0xffff  }
0x42b: {  	[tilespmem:s2+$0xFFFFFF80] =	vst v3  }
0x42c: {  	[tilespmem:s2+$0x0] =	vst v4;
	v3 =	vld [tilespmem:s30+$0xFFFFFF90]  }
0x42d: {  	v4 =	vld [tilespmem:s30+$0x10]  }
0x42e: {  	v2 =	vld [tilespmem:s2+$0xFFFFFF10]  }
0x42f: {  	v0 =	vadd.f32 v7, v0;
	v1 =	vld.idx.msk [tilespmem:v1+s5+$0x0], $0xffff;
	_ =	sdelay $0x1  }
0x430: {  	[tilespmem:s2+$0x90] =	vst v0  }
0x431: {  	v0 =	vld [tilespmem:s30+$0xA0]  }
0x432: {  	v5 =	vld [tilespmem:s2+$0xFFFFFF90]  }
0x433: {  	v1 =	vadd.f32 v2, v1;
	v2 =	vld.idx.msk [tilespmem:v3+s5+$0x0], $0xffff;
	_ =	sdelay $0x1  }
0x434: {  	v6 =	vld [tilespmem:s2+$0x10]  }
0x435: {  	v3 =	vld.idx.msk [tilespmem:v4+s5+$0x0], $0xffff  }
0x436: {  	v8 =	vld [tilespmem:s2+$0xFFFFFFA0]  }
0x437: {  	v4 =	vld [tilespmem:s2+$0xA0];
	v2 =	vadd.f32 v5, v2  }
0x438: {  	[tilespmem:s2+$0xFFFFFF10] =	vst v1;
	v0 =	vld.idx.msk [tilespmem:v0+s5+$0x0], $0xffff  }
0x439: {  	v1 =	vld [tilespmem:s30+$0xFFFFFF20];
	[tilespmem:s2+$0xFFFFFF90] =	vst v2  }
0x43a: {  	v2 =	vadd.f32 v6, v3;
	v3 =	vld [tilespmem:s30+$0xFFFFFFA0]  }
0x43b: {  	v9 =	vld [tilespmem:s2+$0x20]  }
0x43c: {  	v10 =	vld [tilespmem:s2+$0xFFFFFFB0]  }
0x43d: {  	v11 =	vld [tilespmem:s2+$0x30];
	[tilespmem:s2+$0x10] =	vst v2;
	v0 =	vadd.f32 v4, v0  }
0x43e: {  	v4 =	vld [tilespmem:s30+$0x20]  }
0x43f: {  	v7 =	vld [tilespmem:s2+$0xFFFFFF20];
	[tilespmem:s2+$0xA0] =	vst v0  }
0x440: {  	v0 =	vld [tilespmem:s30+$0xB0]  }
0x441: {  	v1 =	vld.idx.msk [tilespmem:v1+s5+$0x0], $0xffff  }
0x442: {  	v3 =	vld.idx.msk [tilespmem:v3+s5+$0x0], $0xffff  }
0x443: {  	v12 =	vld [tilespmem:s2+$0xFFFFFFC0]  }
0x444: {  	v13 =	vld [tilespmem:s2+$0x40]  }
0x445: {  	v14 =	vld [tilespmem:s2+$0xFFFFFFD0]  }
0x446: {  	v1 =	vadd.f32 v7, v1;
	v4 =	vld.idx.msk [tilespmem:v4+s5+$0x0], $0xffff  }
0x447: {  	v7 =	vadd.f32 v8, v3;
	v8 =	vld [tilespmem:s2+$0xB0]  }
0x448: {  	[tilespmem:s2+$0xFFFFFF20] =	vst v1;
	v0 =	vld.idx.msk [tilespmem:v0+s5+$0x0], $0xffff  }
0x449: {  	v1 =	vld [tilespmem:s30+$0xFFFFFF30];
	[tilespmem:s2+$0xFFFFFFA0] =	vst v7  }
0x44a: {  	s6 =	simm.s32 $0x1C1A0;
	v7 =	vld [tilespmem:s30+$0xFFFFFFB0]  }
0x44b: {  	v15 =	vld [tilespmem:s6+$0x80];
	v4 =	vadd.f32 v9, v4  }
0x44c: {  	s12 =	simm.s32 $0x1E1A0;
	v16 =	vld [tilespmem:s6+$0x0]  }
0x44d: {  	v17 =	vld [tilespmem:s12+$0x80];
	[tilespmem:s2+$0x20] =	vst v4;
	v0 =	vadd.f32 v8, v0  }
0x44e: {  	v9 =	vld [tilespmem:s30+$0x30]  }
0x44f: {  	v5 =	vld [tilespmem:s2+$0xFFFFFF30];
	[tilespmem:s2+$0xB0] =	vst v0  }
0x450: {  	v0 =	vld [tilespmem:s30+$0xC0]  }
0x451: {  	v1 =	vld.idx.msk [tilespmem:v1+s5+$0x0], $0xffff  }
0x452: {  	v7 =	vld.idx.msk [tilespmem:v7+s5+$0x0], $0xffff  }
0x453: {  	v18 =	vld [tilespmem:s12+$0xFFFFFF00]  }
0x454: {  	v19 =	vld [tilespmem:s12+$0xFFFFFF80]  }
0x455: {  	v20 =	vld [tilespmem:s12+$0xFFFFFF10]  }
0x456: {  	v1 =	vadd.f32 v5, v1;
	v8 =	vld.idx.msk [tilespmem:v9+s5+$0x0], $0xffff  }
0x457: {  	v9 =	vld [tilespmem:s2+$0xC0];
	v7 =	vadd.f32 v10, v7  }
0x458: {  	[tilespmem:s2+$0xFFFFFF30] =	vst v1;
	v0 =	vld.idx.msk [tilespmem:v0+s5+$0x0], $0xffff  }
0x459: {  	v1 =	vld [tilespmem:s30+$0xFFFFFF40];
	[tilespmem:s2+$0xFFFFFFB0] =	vst v7  }
0x45a: {  	v7 =	vld [tilespmem:s30+$0xFFFFFFC0]  }
0x45b: {  	v21 =	vld [tilespmem:s12+$0xFFFFFF20];
	v8 =	vadd.f32 v11, v8  }
0x45c: {  	v22 =	vld [tilespmem:s12+$0xFFFFFFA0]  }
0x45d: {  	v15 =	vld.idx.msk [tilespmem:v15+s5+$0x0], $0xffff;
	[tilespmem:s2+$0x30] =	vst v8;
	v0 =	vadd.f32 v9, v0  }
0x45e: {  	v8 =	vld [tilespmem:s30+$0x40]  }
0x45f: {  	v6 =	vld [tilespmem:s2+$0xFFFFFF40];
	[tilespmem:s2+$0xC0] =	vst v0  }
0x460: {  	v11 =	vld [tilespmem:s30+$0xD0]  }
0x461: {  	v1 =	vld.idx.msk [tilespmem:v1+s5+$0x0], $0xffff  }
0x462: {  	v7 =	vld.idx.msk [tilespmem:v7+s5+$0x0], $0xffff  }
0x463: {  	v23 =	vld [tilespmem:s2+$0xF0]  }
0x464: {  	v24 =	vld [tilespmem:s12+$0xFFFFFFB0]  }
0x465: {  	v25 =	vld [tilespmem:s12+$0x30]  }
0x466: {  	v15 =	vadd.f32 v17, v15;
	v0 =	vadd.f32 v6, v1;
	v6 =	vld.idx.msk [tilespmem:v8+s5+$0x0], $0xffff  }
0x467: {  	v26 =	vld [tilespmem:s12+$0xFFFFFF40];
	v7 =	vadd.f32 v12, v7  }
0x468: {  	[tilespmem:s12+$0x80] =	vst v15;
	v11 =	vld.idx.msk [tilespmem:v11+s5+$0x0], $0xffff  }
0x469: {  	[tilespmem:s2+$0xFFFFFFC0] =	vst v7;
	v7 =	vld [tilespmem:s2+$0xD0]  }
0x46a: {  	v15 =	vld [tilespmem:s6+$0x90]  }
0x46b: {  	v27 =	vld [tilespmem:s12+$0xFFFFFFC0];
	v6 =	vadd.f32 v13, v6  }
0x46c: {  	v28 =	vld [tilespmem:s12+$0x40]  }
0x46d: {  	[tilespmem:s2+$0x40] =	vst v6;
	v6 =	vld [tilespmem:s6+$0xFFFFFF00]  }
0x46e: {  	v16 =	vld.idx.msk [tilespmem:v16+s5+$0x0], $0xffff;
	v7 =	vadd.f32 v7, v11  }
0x46f: {  	v13 =	vld [tilespmem:s6+$0xFFFFFF80]  }
0x470: {  	v17 =	vld [tilespmem:s2+$0xE0];
	[tilespmem:s2+$0xD0] =	vst v7  }
0x471: {  	v7 =	vld [tilespmem:s30+$0xE0]  }
0x472: {  	v15 =	vld.idx.msk [tilespmem:v15+s5+$0x0], $0xffff  }
0x473: {  	v2 =	vld [tilespmem:s2+$0xFFFFFF50]  }
0x474: {  	v3 =	vld [tilespmem:s2+$0x50]  }
0x475: {  	v6 =	vld.idx.msk [tilespmem:v6+s5+$0x0], $0xffff  }
0x476: {  	v4 =	vld [tilespmem:s2+$0xFFFFFF60]  }
0x477: {  	v13 =	vld.idx.msk [tilespmem:v13+s5+$0x0], $0xffff  }
0x478: {  	v5 =	vld [tilespmem:s2+$0xFFFFFFE0]  }
0x479: {  	v7 =	vld.idx.msk [tilespmem:v7+s5+$0x0], $0xffff  }
0x47a: {  	v6 =	vadd.f32 v18, v6;
	v18 =	vld [tilespmem:s12+$0x0]  }
0x47b: {  	v10 =	vld [tilespmem:s2+$0x60]  }
0x47c: {  	v9 =	vld [tilespmem:s2+$0xFFFFFF70];
	[tilespmem:s2+$0xFFFFFF40] =	vst v0;
	v13 =	vadd.f32 v19, v13  }
0x47d: {  	v8 =	vld [tilespmem:s30+$0xFFFFFF50]  }
0x47e: {  	v1 =	vld [tilespmem:s2+$0x70];
	[tilespmem:s12+$0xFFFFFF80] =	vst v13;
	v7 =	vadd.f32 v17, v7  }
0x47f: {  	v0 =	vld [tilespmem:s2+$0xFFFFFFF0];
	[tilespmem:s12+$0xFFFFFF00] =	vst v6;
	v13 =	vadd.f32 v18, v16  }
0x480: {  	v17 =	vld [tilespmem:s6+$0xFFFFFF10];
	[tilespmem:s2+$0xE0] =	vst v7  }
0x481: {  	[tilespmem:s12+$0x0] =	vst v13;
	v13 =	vld [tilespmem:s12+$0x90]  }
0x482: {  	v7 =	vld [tilespmem:s30+$0xF0]  }
0x483: {  	v16 =	vld [tilespmem:s6+$0xFFFFFF90]  }
0x484: {  	v12 =	vld [tilespmem:s30+$0xFFFFFFD0]  }
0x485: {  	v8 =	vld.idx.msk [tilespmem:v8+s5+$0x0], $0xffff  }
0x486: {  	v18 =	vld [tilespmem:s6+$0x10];
	v13 =	vadd.f32 v13, v15  }
0x487: {  	v6 =	vld [tilespmem:s12+$0xFFFFFF90]  }
0x488: {  	v17 =	vld.idx.msk [tilespmem:v17+s5+$0x0], $0xffff;
	[tilespmem:s12+$0x90] =	vst v13  }
0x489: {  	v13 =	vld [tilespmem:s6+$0xA0]  }
0x48a: {  	v15 =	vld.idx.msk [tilespmem:v7+s5+$0x0], $0xffff  }
0x48b: {  	v7 =	vld.idx.msk [tilespmem:v16+s5+$0x0], $0xffff  }
0x48c: {  	v12 =	vld.idx.msk [tilespmem:v12+s5+$0x0], $0xffff  }
0x48d: {  	v19 =	vld [tilespmem:s12+$0x10];
	v16 =	vadd.f32 v20, v17  }
0x48e: {  	v17 =	vld.idx.msk [tilespmem:v18+s5+$0x0], $0xffff  }
0x48f: {  	v11 =	vld [tilespmem:s30+$0x50];
	v2 =	vadd.f32 v2, v8;
	[tilespmem:s12+$0xFFFFFF10] =	vst v16  }
0x490: {  	v63 =	vld [tilespmem:s6+$0xFFFFFF20];
	v6 =	vadd.f32 v6, v7  }
0x491: {  	[tilespmem:s2+$0xFFFFFF50] =	vst v2;
	v12 =	vadd.f32 v14, v12;
	v13 =	vld.idx.msk [tilespmem:v13+s5+$0x0], $0xffff  }
0x492: {  	[tilespmem:s12+$0xFFFFFF90] =	vst v6;
	v6 =	vld [tilespmem:s12+$0xA0]  }
0x493: {  	[tilespmem:s2+$0xFFFFFFD0] =	vst v12;
	v12 =	vld [tilespmem:s30+$0xFFFFFF60];
	v7 =	vadd.f32 v19, v17  }
0x494: {  	v17 =	vld [tilespmem:s6+$0xFFFFFFA0]  }
0x495: {  	v8 =	vld [tilespmem:s12+$0xFFFFFFD0];
	[tilespmem:s12+$0x10] =	vst v7  }
0x496: {  	v19 =	vld [tilespmem:s6+$0x20]  }
0x497: {  	v11 =	vld.idx.msk [tilespmem:v11+s5+$0x0], $0xffff;
	v6 =	vadd.f32 v6, v13  }
0x498: {  	v20 =	vld.idx.msk [tilespmem:v63+s5+$0x0], $0xffff  }
0x499: {  	v2 =	vld [tilespmem:s12+$0x50];
	[tilespmem:s12+$0xA0] =	vst v6  }
0x49a: {  	v6 =	vld [tilespmem:s6+$0xB0]  }
0x49b: {  	v12 =	vld.idx.msk [tilespmem:v12+s5+$0x0], $0xffff  }
0x49c: {  	v3 =	vadd.f32 v3, v11;
	v17 =	vld.idx.msk [tilespmem:v17+s5+$0x0], $0xffff  }
0x49d: {  	v18 =	vld [tilespmem:s12+$0x20];
	v13 =	vadd.f32 v21, v20  }
0x49e: {  	[tilespmem:s2+$0x50] =	vst v3;
	v19 =	vld.idx.msk [tilespmem:v19+s5+$0x0], $0xffff  }
0x49f: {  	v3 =	vld [tilespmem:s12+$0xFFFFFF60];
	[tilespmem:s12+$0xFFFFFF20] =	vst v13  }
0x4a0: {  	v13 =	vld [tilespmem:s6+$0xFFFFFF30]  }
0x4a1: {  	v14 =	vadd.f32 v22, v17;
	v17 =	vld [tilespmem:s30+$0xFFFFFFE0]  }
0x4a2: {  	v4 =	vadd.f32 v4, v12;
	v6 =	vld.idx.msk [tilespmem:v6+s5+$0x0], $0xffff  }
0x4a3: {  	v18 =	vadd.f32 v18, v19;
	[tilespmem:s12+$0xFFFFFFA0] =	vst v14;
	v14 =	vld [tilespmem:s12+$0xB0]  }
0x4a4: {  	[tilespmem:s2+$0xFFFFFF60] =	vst v4;
	v4 =	vld [tilespmem:s12+$0x60]  }
0x4a5: {  	v11 =	vld [tilespmem:s6+$0xFFFFFFB0];
	[tilespmem:s12+$0x20] =	vst v18  }
0x4a6: {  	v18 =	vld [tilespmem:s6+$0x30]  }
0x4a7: {  	v19 =	vld [tilespmem:s30+$0x60]  }
0x4a8: {  	v16 =	vld [tilespmem:s12+$0xFFFFFF30];
	v6 =	vadd.f32 v14, v6  }
0x4a9: {  	v13 =	vld.idx.msk [tilespmem:v13+s5+$0x0], $0xffff  }
0x4aa: {  	v14 =	vld.idx.msk [tilespmem:v17+s5+$0x0], $0xffff;
	[tilespmem:s12+$0xB0] =	vst v6  }
0x4ab: {  	v17 =	vld [tilespmem:s6+$0xC0]  }
0x4ac: {  	v7 =	vld [tilespmem:s12+$0xFFFFFF50]  }
0x4ad: {  	v11 =	vld.idx.msk [tilespmem:v11+s5+$0x0], $0xffff  }
0x4ae: {  	v6 =	vadd.f32 v16, v13;
	v13 =	vld.idx.msk [tilespmem:v18+s5+$0x0], $0xffff  }
0x4af: {  	v16 =	vld.idx.msk [tilespmem:v19+s5+$0x0], $0xffff  }
0x4b0: {  	v18 =	vld [tilespmem:s30+$0xFFFFFF70]  }
0x4b1: {  	[tilespmem:s12+$0xFFFFFF30] =	vst v6;
	v6 =	vld [tilespmem:s12+$0xFFFFFFE0]  }
0x4b2: {  	v12 =	vld [tilespmem:s6+$0xFFFFFF40];
	v11 =	vadd.f32 v24, v11  }
0x4b3: {  	v13 =	vadd.f32 v25, v13;
	v17 =	vld.idx.msk [tilespmem:v17+s5+$0x0], $0xffff  }
0x4b4: {  	v5 =	vadd.f32 v5, v14;
	[tilespmem:s12+$0xFFFFFFB0] =	vst v11;
	v11 =	vld [tilespmem:s12+$0xC0]  }
0x4b5: {  	v14 =	vld [tilespmem:s6+$0xFFFFFFC0];
	[tilespmem:s12+$0x30] =	vst v13  }
0x4b6: {  	[tilespmem:s2+$0xFFFFFFE0] =	vst v5;
	v10 =	vadd.f32 v10, v16;
	v13 =	vld [tilespmem:s6+$0x40]  }
0x4b7: {  	v16 =	vld [tilespmem:s30+$0xFFFFFFF0]  }
0x4b8: {  	v5 =	vld [tilespmem:s12+$0xFFFFFF70];
	[tilespmem:s2+$0x60] =	vst v10  }
0x4b9: {  	v10 =	vadd.f32 v11, v17;
	v11 =	vld [tilespmem:s30+$0x70]  }
0x4ba: {  	v12 =	vld.idx.msk [tilespmem:v12+s5+$0x0], $0xffff  }
0x4bb: {  	v17 =	vld.idx.msk [tilespmem:v18+s5+$0x0], $0xffff;
	[tilespmem:s12+$0xC0] =	vst v10  }
0x4bc: {  	v18 =	vld [tilespmem:s6+$0xD0]  }
0x4bd: {  	v14 =	vld.idx.msk [tilespmem:v14+s5+$0x0], $0xffff  }
0x4be: {  	v19 =	vld.idx.msk [tilespmem:v13+s5+$0x0], $0xffff  }
0x4bf: {  	v10 =	vadd.f32 v26, v12;
	v12 =	vld.idx.msk [tilespmem:v16+s5+$0x0], $0xffff  }
0x4c0: {  	v16 =	vadd.f32 v9, v17;
	v9 =	vld [tilespmem:s12+$0x70]  }
0x4c1: {  	[tilespmem:s12+$0xFFFFFF40] =	vst v10;
	v10 =	vld [tilespmem:s12+$0xFFFFFFF0]  }
0x4c2: {  	v15 =	vadd.f32 v23, v15;
	v11 =	vld.idx.msk [tilespmem:v11+s5+$0x0], $0xffff  }
0x4c3: {  	[tilespmem:s2+$0xFFFFFF70] =	vst v16;
	v16 =	vld [tilespmem:s12+$0xD0];
	v14 =	vadd.f32 v27, v14  }
0x4c4: {  	[tilespmem:s2+$0xF0] =	vst v15;
	v13 =	vld [tilespmem:s6+$0xFFFFFF50];
	v17 =	vadd.f32 v28, v19  }
0x4c5: {  	v15 =	vld.idx.msk [tilespmem:v18+s5+$0x0], $0xffff;
	[tilespmem:s12+$0xFFFFFFC0] =	vst v14  }
0x4c6: {  	s19 =	simm.s32 $0x1C3A0;
	s16 =	simm.s32 $0x4;
	v14 =	vld [tilespmem:s6+$0xFFFFFFD0];
	[tilespmem:s12+$0x40] =	vst v17  }
.LBB2_14:
0x4c7: {  	v17 =	vld [tilespmem:s19+$0x80];
	s16 =	sadd.s32 $0x4, s16;
	v12 =	vadd.f32 v0, v12;
	v0 =	vmov v10  }
0x4c8: {  	v11 =	vadd.f32 v1, v11;
	v10 =	vld [tilespmem:s19+$0xFFFFFF80];
	p1 =	slt.u32 s16, $0x1C;
	v1 =	vmov v9  }
0x4c9: {  	v9 =	vld [tilespmem:s19+$0x0];
	[tilespmem:s2+$0xFFFFFFF0] =	vst v12  }
0x4ca: {  	v12 =	vld [tilespmem:s19+$0xFFFFFF00];
	v15 =	vadd.f32 v16, v15;
	[tilespmem:s2+$0x70] =	vst v11;
	s2 =	smov.u32 s12  }
0x4cb: {  	v11 =	vld [tilespmem:s6+$0x50]  }
0x4cc: {  	v13 =	vld.idx.msk [tilespmem:v13+s5+$0x0], $0xffff;
	[tilespmem:s12+$0xD0] =	vst v15  }
0x4cd: {  	v15 =	vld [tilespmem:s6+$0xE0]  }
0x4ce: {  	v14 =	vld.idx.msk [tilespmem:v14+s5+$0x0], $0xffff  }
0x4cf: {  	s12 =	sadd.s32 $0x200, s12;
	v16 =	vld.idx.msk [tilespmem:v17+s5+$0x0], $0xffff  }
0x4d0: {  	v17 =	vld [tilespmem:s12+$0x80]  }
0x4d1: {  	v10 =	vld.idx.msk [tilespmem:v10+s5+$0x0], $0xffff  }
0x4d2: {  	v7 =	vadd.f32 v7, v13;
	v12 =	vld.idx.msk [tilespmem:v12+s5+$0x0], $0xffff  }
0x4d3: {  	v9 =	vld.idx.msk [tilespmem:v9+s5+$0x0], $0xffff  }
0x4d4: {  	v13 =	vld [tilespmem:s12+$0xFFFFFF00];
	[tilespmem:s2+$0xFFFFFF50] =	vst v7;
	v7 =	vadd.f32 v8, v14  }
0x4d5: {  	v8 =	vadd.f32 v17, v16;
	v14 =	vld.idx.msk [tilespmem:v15+s5+$0x0], $0xffff  }
0x4d6: {  	[tilespmem:s2+$0xFFFFFFD0] =	vst v7;
	v7 =	vld [tilespmem:s2+$0xE0]  }
0x4d7: {  	v15 =	vld [tilespmem:s12+$0xFFFFFF80];
	[tilespmem:s12+$0x80] =	vst v8  }
0x4d8: {  	v8 =	vld [tilespmem:s19+$0x90]  }
0x4d9: {  	v12 =	vadd.f32 v13, v12;
	v13 =	vld [tilespmem:s12+$0x0]  }
0x4da: {  	v16 =	vld [tilespmem:s12+$0xFFFFFF10]  }
0x4db: {  	[tilespmem:s12+$0xFFFFFF00] =	vst v12;
	v12 =	vld [tilespmem:s12+$0xFFFFFF90];
	v7 =	vadd.f32 v7, v14  }
0x4dc: {  	v14 =	vld [tilespmem:s19+$0xFFFFFF10];
	v10 =	vadd.f32 v15, v10  }
0x4dd: {  	v15 =	vld [tilespmem:s12+$0x10];
	[tilespmem:s2+$0xE0] =	vst v7  }
0x4de: {  	[tilespmem:s12+$0xFFFFFF80] =	vst v10;
	v7 =	vadd.f32 v13, v9;
	v9 =	vld [tilespmem:s6+$0xF0]  }
0x4df: {  	v10 =	vld [tilespmem:s19+$0xFFFFFF90]  }
0x4e0: {  	[tilespmem:s12+$0x0] =	vst v7;
	v7 =	vld.idx.msk [tilespmem:v8+s5+$0x0], $0xffff  }
0x4e1: {  	v8 =	vld [tilespmem:s12+$0x90]  }
0x4e2: {  	v13 =	vld [tilespmem:s19+$0x10]  }
0x4e3: {  	v17 =	vld [tilespmem:s12+$0xFFFFFF20]  }
0x4e4: {  	v14 =	vld.idx.msk [tilespmem:v14+s5+$0x0], $0xffff  }
0x4e5: {  	v18 =	vld [tilespmem:s12+$0xFFFFFFA0]  }
0x4e6: {  	v7 =	vadd.f32 v8, v7;
	v8 =	vld.idx.msk [tilespmem:v9+s5+$0x0], $0xffff  }
0x4e7: {  	v9 =	vld [tilespmem:s2+$0xF0]  }
0x4e8: {  	v10 =	vld.idx.msk [tilespmem:v10+s5+$0x0], $0xffff;
	[tilespmem:s12+$0x90] =	vst v7  }
0x4e9: {  	v7 =	vld [tilespmem:s19+$0xA0]  }
0x4ea: {  	v14 =	vadd.f32 v16, v14;
	v13 =	vld.idx.msk [tilespmem:v13+s5+$0x0], $0xffff  }
0x4eb: {  	v16 =	vld [tilespmem:s12+$0x20]  }
0x4ec: {  	[tilespmem:s12+$0xFFFFFF10] =	vst v14;
	v14 =	vld [tilespmem:s12+$0xFFFFFF30];
	v8 =	vadd.f32 v9, v8  }
0x4ed: {  	v9 =	vld [tilespmem:s19+$0xFFFFFF20]  }
0x4ee: {  	v10 =	vadd.f32 v12, v10;
	v12 =	vld [tilespmem:s12+$0xFFFFFFB0];
	[tilespmem:s2+$0xF0] =	vst v8  }
0x4ef: {  	v19 =	vld [tilespmem:s12+$0x30]  }
0x4f0: {  	v8 =	vadd.f32 v15, v13;
	v20 =	vld [tilespmem:s12+$0xFFFFFF40];
	[tilespmem:s12+$0xFFFFFF90] =	vst v10  }
0x4f1: {  	v7 =	vld.idx.msk [tilespmem:v7+s5+$0x0], $0xffff  }
0x4f2: {  	[tilespmem:s12+$0x10] =	vst v8;
	v8 =	vld [tilespmem:s12+$0xA0]  }
0x4f3: {  	v10 =	vld [tilespmem:s19+$0xFFFFFFA0]  }
0x4f4: {  	v13 =	vld [tilespmem:s19+$0x20]  }
0x4f5: {  	v9 =	vld.idx.msk [tilespmem:v9+s5+$0x0], $0xffff  }
0x4f6: {  	v15 =	vld [tilespmem:s12+$0xFFFFFFC0]  }
0x4f7: {  	v21 =	vld [tilespmem:s12+$0x40];
	v8 =	vadd.f32 v8, v7  }
0x4f8: {  	v11 =	vld.idx.msk [tilespmem:v11+s5+$0x0], $0xffff  }
0x4f9: {  	v7 =	vld [tilespmem:s12+$0xFFFFFF50];
	[tilespmem:s12+$0xA0] =	vst v8  }
0x4fa: {  	v22 =	vld [tilespmem:s19+$0xB0]  }
0x4fb: {  	v8 =	vadd.f32 v17, v9;
	v9 =	vld.idx.msk [tilespmem:v10+s5+$0x0], $0xffff  }
0x4fc: {  	v10 =	vld.idx.msk [tilespmem:v13+s5+$0x0], $0xffff  }
0x4fd: {  	[tilespmem:s12+$0xFFFFFF20] =	vst v8;
	v8 =	vld [tilespmem:s12+$0xFFFFFFD0]  }
0x4fe: {  	v11 =	vadd.f32 v2, v11;
	v13 =	vld [tilespmem:s19+$0xFFFFFF30]  }
0x4ff: {  	v2 =	vld [tilespmem:s12+$0x50]  }
0x500: {  	v17 =	vld [tilespmem:s6+$0xFFFFFF60];
	[tilespmem:s2+$0x50] =	vst v11  }
0x501: {  	v9 =	vadd.f32 v18, v9;
	v11 =	vld [tilespmem:s6+$0xFFFFFFE0]  }
0x502: {  	v10 =	vadd.f32 v16, v10;
	v16 =	vld.idx.msk [tilespmem:v22+s5+$0x0], $0xffff  }
0x503: {  	[tilespmem:s12+$0xFFFFFFA0] =	vst v9;
	v9 =	vld [tilespmem:s12+$0xB0]  }
0x504: {  	v18 =	vld [tilespmem:s19+$0xFFFFFFB0];
	[tilespmem:s12+$0x20] =	vst v10  }
0x505: {  	v10 =	vld [tilespmem:s19+$0x30]  }
0x506: {  	v13 =	vld.idx.msk [tilespmem:v13+s5+$0x0], $0xffff  }
0x507: {  	v22 =	vld [tilespmem:s6+$0x60]  }
0x508: {  	v9 =	vadd.f32 v9, v16;
	v16 =	vld.idx.msk [tilespmem:v17+s5+$0x0], $0xffff  }
0x509: {  	v11 =	vld.idx.msk [tilespmem:v11+s5+$0x0], $0xffff  }
0x50a: {  	v17 =	vld [tilespmem:s12+$0xFFFFFF60];
	[tilespmem:s12+$0xB0] =	vst v9  }
0x50b: {  	v9 =	vld [tilespmem:s19+$0xC0]  }
0x50c: {  	v13 =	vadd.f32 v14, v13;
	v14 =	vld.idx.msk [tilespmem:v18+s5+$0x0], $0xffff  }
0x50d: {  	v10 =	vld.idx.msk [tilespmem:v10+s5+$0x0], $0xffff  }
0x50e: {  	v16 =	vadd.f32 v3, v16;
	[tilespmem:s12+$0xFFFFFF30] =	vst v13;
	v13 =	vld [tilespmem:s12+$0xFFFFFFE0]  }
0x50f: {  	v6 =	vadd.f32 v6, v11;
	v18 =	vld [tilespmem:s19+$0xFFFFFF40];
	v3 =	vmov v17  }
0x510: {  	[tilespmem:s2+$0xFFFFFF60] =	vst v16;
	v11 =	vld.idx.msk [tilespmem:v22+s5+$0x0], $0xffff  }
0x511: {  	v16 =	vld [tilespmem:s12+$0x60];
	[tilespmem:s2+$0xFFFFFFE0] =	vst v6  }
0x512: {  	v12 =	vadd.f32 v12, v14;
	v14 =	vld [tilespmem:s6+$0xFFFFFF70]  }
0x513: {  	v10 =	vadd.f32 v19, v10;
	v9 =	vld.idx.msk [tilespmem:v9+s5+$0x0], $0xffff;
	v6 =	vmov v13  }
0x514: {  	[tilespmem:s12+$0xFFFFFFB0] =	vst v12;
	v12 =	vld [tilespmem:s12+$0xC0]  }
0x515: {  	v13 =	vld [tilespmem:s19+$0xFFFFFFC0];
	[tilespmem:s12+$0x30] =	vst v10  }
0x516: {  	v11 =	vadd.f32 v4, v11;
	v10 =	vld [tilespmem:s19+$0x40];
	v4 =	vmov v16  }
0x517: {  	v16 =	vld.idx.msk [tilespmem:v18+s5+$0x0], $0xffff  }
0x518: {  	v17 =	vld [tilespmem:s6+$0xFFFFFFF0];
	[tilespmem:s2+$0x60] =	vst v11  }
0x519: {  	v9 =	vadd.f32 v12, v9;
	v11 =	vld [tilespmem:s6+$0x70];
	s6 =	smov.u32 s19  }
0x51a: {  	v12 =	vld.idx.msk [tilespmem:v14+s5+$0x0], $0xffff  }
0x51b: {  	v14 =	vld [tilespmem:s12+$0xFFFFFF70];
	[tilespmem:s12+$0xC0] =	vst v9  }
0x51c: {  	v18 =	vld [tilespmem:s19+$0xD0]  }
0x51d: {  	v9 =	vadd.f32 v20, v16;
	v16 =	vld.idx.msk [tilespmem:v13+s5+$0x0], $0xffff  }
0x51e: {  	v19 =	vld.idx.msk [tilespmem:v10+s5+$0x0], $0xffff  }
0x51f: {  	[tilespmem:s12+$0xFFFFFF40] =	vst v9;
	v10 =	vld [tilespmem:s12+$0xFFFFFFF0]  }
0x520: {  	v9 =	vadd.f32 v5, v12;
	v13 =	vld [tilespmem:s19+$0xFFFFFF50];
	v5 =	vmov v14  }
0x521: {  	v12 =	vld.idx.msk [tilespmem:v17+s5+$0x0], $0xffff  }
.Ltmp5:
0x522: {  	[tilespmem:s2+$0xFFFFFF70] =	vst v9;
	v11 =	vld.idx.msk [tilespmem:v11+s5+$0x0], $0xffff;
	(pc) =	sbr.rel @p1 .LBB2_14-.Ltmp5, $4  }
0x523: {  	v14 =	vadd.f32 v15, v16;
	v9 =	vld [tilespmem:s12+$0x70]  }
0x524: {  	v17 =	vadd.f32 v21, v19;
	v15 =	vld.idx.msk [tilespmem:v18+s5+$0x0], $0xffff  }
0x525: {  	[tilespmem:s12+$0xFFFFFFC0] =	vst v14;
	v16 =	vld [tilespmem:s12+$0xD0]  }
0x526: {  	s19 =	sadd.s32 $0x200, s19;
	v14 =	vld [tilespmem:s6+$0xFFFFFFD0];
	[tilespmem:s12+$0x40] =	vst v17  }
0x527: {  	_ = 	snop  }
0x528: {  	v17 =	vld [tilespmem:s6+$0x50];
	_ =	sdelay $0x5  }
0x529: {  	v13 =	vld.idx.msk [tilespmem:v13+s5+$0x0], $0xffff  }
0x52a: {  	v14 =	vld.idx.msk [tilespmem:v14+s5+$0x0], $0xffff  }
0x52b: {  	v49 =	vld.idx.msk [tilespmem:v17+s5+$0x0], $0xffff;
	_ =	sdelay $0x1  }
0x52c: {  	v15 =	vadd.f32 v16, v15  }
0x52d: {  	v7 =	vadd.f32 v7, v13  }
0x52e: {  	[tilespmem:s12+$0xD0] =	vst v15;
	v8 =	vadd.f32 v8, v14  }
0x52f: {  	v15 =	vld [tilespmem:s6+$0xE0];
	[tilespmem:s12+$0xFFFFFF50] =	vst v7;
	v2 =	vadd.f32 v2, v49  }
0x530: {  	v7 =	vld [tilespmem:s6+$0xFFFFFF60];
	[tilespmem:s12+$0xFFFFFFD0] =	vst v8  }
0x531: {  	v50 =	vld [tilespmem:s6+$0xFFFFFFE0];
	[tilespmem:s12+$0x50] =	vst v2  }
0x532: {  	v51 =	vld [tilespmem:s6+$0x60];
	_ =	sdelay $0x3  }
0x533: {  	v53 =	vld [tilespmem:s12+$0xE0]  }
0x534: {  	v52 =	vld.idx.msk [tilespmem:v15+s5+$0x0], $0xffff  }
0x535: {  	v7 =	vld.idx.msk [tilespmem:v7+s5+$0x0], $0xffff  }
0x536: {  	v2 =	vld.idx.msk [tilespmem:v50+s5+$0x0], $0xffff  }
0x537: {  	v8 =	vld.idx.msk [tilespmem:v51+s5+$0x0], $0xffff;
	_ =	sdelay $0x1  }
0x538: {  	v13 =	vadd.f32 v53, v52  }
0x539: {  	v3 =	vadd.f32 v3, v7  }
0x53a: {  	[tilespmem:s12+$0xE0] =	vst v13;
	v2 =	vadd.f32 v6, v2  }
0x53b: {  	v54 =	vld [tilespmem:s6+$0xF0];
	[tilespmem:s12+$0xFFFFFF60] =	vst v3;
	v55 =	vadd.f32 v4, v8  }
0x53c: {  	v56 =	vld [tilespmem:s6+$0xFFFFFF70];
	[tilespmem:s12+$0xFFFFFFE0] =	vst v2  }
0x53d: {  	v57 =	vld [tilespmem:s6+$0xFFFFFFF0];
	[tilespmem:s12+$0x60] =	vst v55  }
0x53e: {  	v3 =	vld [tilespmem:s6+$0x70];
	_ =	sdelay $0x3  }
0x53f: {  	v59 =	vld [tilespmem:s12+$0xF0]  }
0x540: {  	v58 =	vld.idx.msk [tilespmem:v54+s5+$0x0], $0xffff  }
0x541: {  	v2 =	vld.idx.msk [tilespmem:v56+s5+$0x0], $0xffff  }
0x542: {  	v4 =	vld.idx.msk [tilespmem:v57+s5+$0x0], $0xffff  }
0x543: {  	v0 =	vadd.f32 v0, v12;
	v3 =	vld.idx.msk [tilespmem:v3+s5+$0x0], $0xffff  }
0x544: {  	v1 =	vadd.f32 v1, v11  }
0x545: {  	s7 =	sadd.s32 $0x1, s7;
	[tilespmem:s2+$0xFFFFFFF0] =	vst v0;
	v60 =	vadd.f32 v59, v58  }
0x546: {  	p1 =	sne.s32 s7, $0x14;
	[tilespmem:s2+$0x70] =	vst v1;
	v61 =	vadd.f32 v5, v2  }
.Ltmp6:
0x547: {  	s30 =	sshll.u32 s10, $0x12;
	[tilespmem:s12+$0xF0] =	vst v60;
	v62 =	vadd.f32 v10, v4;
	(pc) =	sbr.rel @p1 .LBB2_11-.Ltmp6, $4  }
0x548: {  	s2 =	sor.u32 s15, s30;
	[tilespmem:s12+$0xFFFFFF70] =	vst v61;
	v63 =	vadd.f32 v9, v3  }
0x549: {  	s2 =	sshrl.u32 s2, $0x3;
	[tilespmem:s12+$0xFFFFFFF0] =	vst v62  }
0x54a: {  	s2 =	sadd.s32 s3, s2;
	[tilespmem:s12+$0x70] =	vst v63  }
0x54b: {  	[hbm4b:s2+s17] =	stream.strided.scatter [tilespmem:s24], [sflag:$0x6], $0x1000, s18, s17, $0x38;
	[tilespmem:$0x1EEA0] =	vst v63  }
0x54c: {  	s31 =	sadd.s32 $0x1, s31  }
0x54d: {  	p1 =	sne.s32 s31, $0x5  }
.Ltmp7:
0x54e: {  	_ = 	snop;
	(pc) =	sbr.rel @p1 .LBB2_10-.Ltmp7, $4  }
0x54f: {  	s0 =	simm.s32 $0x6  }
0x550: {  	_ =	swait.ge [sflag:s0], $0x1000  }
0x551: {  	[sflag:s0] =	ssyncset.done $0x0  }
0x552: {  	[sflag:s0] =	ssyncadd.s32 $0xFFFFF000  }
0x553: {  	s2 =	rddreg [dreg:$0xb]  }
0x554: {  	s0 =	rddreg [dreg:$0x9];
	s2 =	sadd.s32 $0x1, s2  }
0x555: {  	p1 =	sne.s32 s2, s0  }
.Ltmp8:
0x556: {  	_ = 	snop;
	(pc) =	sbr.rel @p1 .LBB2_1-.Ltmp8, $1  }
0x557: {  	_ =	sdelay $0x3  }
0x558: {  	_ =	sfence.sel $0x180000  }
0x559: {  	[bflag:$0x0] =	sbarrier.arrive $0xFFFF  }
0x55a: {  	_ =	strace $0x90000047  }
0x55b: {  	[bflag:$0x2] =	sbarrier.arrive $0xFFFF  }
0x55c: {  	s0 =	rddreg [dreg:$0x5]  }
0x55d: {  	s0 =	sadd.s32 @!p0 $0x100000, s0  }
0x55e: {  	[sflag:s0] =	ssyncadd.tile.s32 @!p0 $0x1;
	_ =	shalt  }
.Lfunc_end2:
_tile_overlayer_lowered:
.L_overlay_start_2:
0x55f: {  	(tag) =	ssettag $0x2  }
0x560: {  	s0 =	rddreg [dreg:$0x0];
	s2 =	stileid.u32  }
0x561: {  	s1 =	rddreg [dreg:$0x1];
	p0 =	sne.s32 s2, $0x0  }
0x562: {  	s3 =	rddreg [dreg:$0x2];
	[bflag:$0x3] =	sbarrier.arrive $0xFFFF;
	s2 =	simm.s32 @!p0 $0x1C08  }
0x563: {  	[timem:s3], [sflag:s2] =	dma.local @!p0 [hbm:s0], s1  }
0x564: {  	s0 =	simm.s32 @!p0 $0x8  }
0x565: {  	_ =	swait.ge @!p0 [sflag:s0], s1  }
0x566: {  	s1 =	ssub.s32 @!p0 $0x0, s1;
	[sflag:s0] =	ssyncset.done @!p0 $0x0  }
0x567: {  	[sflag:s0] =	ssyncadd.s32 @!p0 s1  }
0x568: {  	[bflag:$0x3] =	sbarrier.arrive $0xFFFF  }
0x569: {  	_ =	shalt  }

</sc_bundles>
